<compile_context>
chip_gen: v7x
topology: tpu7x:2x2x1
jax: 0.10.2.dev20260603
libtpu: 0.0.44.dev20260713+nightly
codegen_flags: <defaults>
</compile_context>

<pallas_src>
import functools

import jax
import jax.numpy as jnp
from jax import lax
from jax.experimental import pallas as pl
from jax.experimental.pallas import tpu as pltpu
from jax.experimental.pallas import tpu_sc as plsc

_N = 100000
_K = 16
_E = _N * _K


_NC = 2
_NS = 16
_NW = _NC * _NS
_PER_W = _E // _NW
_CH = 5000


def _sc_gather(table, col):
    mesh = plsc.VectorSubcoreMesh(core_axis_name="c", subcore_axis_name="s")

    @functools.partial(
        pl.kernel,
        out_type=jax.ShapeDtypeStruct((_E, 8), jnp.float32),
        mesh=mesh,
        compiler_params=pltpu.CompilerParams(use_tc_tiling_on_sc=False),
        scratch_types=[
            pltpu.VMEM((_CH,), jnp.int32),
            pltpu.VMEM((_CH, 8), jnp.float32),
            pltpu.SemaphoreType.DMA,
        ],
    )
    def gk(col_hbm, table_hbm, out_hbm, idx_v, rows_v, sem):
        wid = lax.axis_index("s") * _NC + lax.axis_index("c")
        base = wid * _PER_W
        for c in range(_PER_W // _CH):
            off = base + c * _CH
            pltpu.sync_copy(col_hbm.at[pl.ds(off, _CH)], idx_v)
            pltpu.async_copy(table_hbm.at[idx_v], rows_v, sem).wait()
            pltpu.sync_copy(rows_v, out_hbm.at[pl.ds(off, _CH)])

    return gk(col, table)



_BN = 200
_BE = _BN * _K
_PREC = lax.Precision.HIGHEST


def _bft(x):
    xi = jax.lax.bitcast_convert_type(x, jnp.int32)
    xi = jnp.bitwise_and(xi, jnp.int32(-65536))
    return jax.lax.bitcast_convert_type(xi, jnp.float32)


def _mlp_cov_body(g_ref, wold_ref, pr_ref, nr_ref, sd_ref, w1_ref, b1_ref,
                  w2_ref, b2_ref, w3_ref, b3_ref, nz_ref, wgt_ref, cov_ref):
    g = g_ref[...]
    pcol = g[:, 0:3]
    ncol = g[:, 3:6]
    prow = pr_ref[...]
    nrow = nr_ref[...]

    rel = pcol - prow
    dist = jnp.sqrt(jnp.sum(rel * rel, axis=1, keepdims=True))
    ndot = jnp.sum(nrow * ncol, axis=1, keepdims=True)
    wold = wold_ref[...]
    sdc = jnp.broadcast_to(sd_ref[...], (_BE, 1))
    zpad = jnp.zeros((_BE, 1), jnp.float32)
    feat = jnp.concatenate([rel, dist, ndot, wold, sdc, zpad], axis=1)

    bf = jnp.bfloat16
    h1 = jnp.dot(feat.astype(bf), w1_ref[...].astype(bf),
                 preferred_element_type=jnp.float32) + b1_ref[...]
    h1 = jnp.maximum(h1, 0.0)

    agg = jnp.max(h1.reshape(_BN, _K, 32), axis=1, keepdims=True)
    aggr = jnp.broadcast_to(agg, (_BN, _K, 32)).reshape(_BE, 32)

    h2in = jnp.concatenate([h1, aggr], axis=1)
    h2 = jnp.dot(h2in.astype(bf), w2_ref[...].astype(bf),
                 preferred_element_type=jnp.float32) + b2_ref[...]
    h2 = jnp.maximum(h2, 0.0)

    logit = jnp.dot(h2.astype(bf), w3_ref[...].astype(bf),
                    preferred_element_type=jnp.float32) + b3_ref[...]
    wgt = 1.0 / (1.0 + jnp.exp(-logit))
    wgt_ref[...] = wgt

    w3d = wgt.reshape(_BN, _K, 1)
    p3d = pcol.reshape(_BN, _K, 3)
    sw = jnp.sum(w3d, axis=1, keepdims=True)
    m = jnp.sum(w3d * p3d, axis=1, keepdims=True)
    cen = m / (sw + 1e-12)
    d = p3d - cen
    wd = (w3d * d).astype(bf).astype(jnp.float32)
    d = d.astype(bf).astype(jnp.float32)
    dx, dy, dz = d[:, :, 0:1], d[:, :, 1:2], d[:, :, 2:3]
    wx, wy, wz = wd[:, :, 0:1], wd[:, :, 1:2], wd[:, :, 2:3]
    c00 = jnp.sum(wx * dx, axis=1)
    c01 = jnp.sum(wy * dx, axis=1)
    c02 = jnp.sum(wz * dx, axis=1)
    c11 = jnp.sum(wy * dy, axis=1)
    c12 = jnp.sum(wz * dy, axis=1)
    c22 = jnp.sum(wz * dz, axis=1)
    zn = jnp.zeros((_BN, 1), jnp.float32)
    cov = jnp.concatenate([c00, c01, c02, c11, c12, c22, zn, zn], axis=1)
    cov_ref[...] = cov + nz_ref[...]


def _mlp_cov(g, wold, pos_rep, nrm_rep, sd, w1p, b1e, w2, b2, w3r, b3r, nz,
             interpret=False):
    grid = _N // _BN
    full = lambda a: pl.BlockSpec(a.shape, lambda i: (0,) * a.ndim)
    return pl.pallas_call(
        _mlp_cov_body,
        grid=(grid,),
        in_specs=[
            pl.BlockSpec((_BE, 8), lambda i: (i, 0)),
            pl.BlockSpec((_BE, 1), lambda i: (i, 0)),
            pl.BlockSpec((_BE, 3), lambda i: (i, 0)),
            pl.BlockSpec((_BE, 3), lambda i: (i, 0)),
            full(sd), full(w1p), full(b1e), full(w2), full(b2), full(w3r),
            full(b3r), full(nz),
        ],
        out_specs=[
            pl.BlockSpec((_BE, 1), lambda i: (i, 0)),
            pl.BlockSpec((_BN, 8), lambda i: (i, 0)),
        ],
        out_shape=[
            jax.ShapeDtypeStruct((_E, 1), jnp.float32),
            jax.ShapeDtypeStruct((_N, 8), jnp.float32),
        ],
        interpret=interpret,
    )(g, wold, pos_rep, nrm_rep, sd, w1p, b1e, w2, b2, w3r, b3r, nz)



_NPAD = 100352
_ER = 112
_EGRID = _NPAD // 128 // _ER
_NSWEEP = 6


def _rot(app, aqq, apq):
    nz = apq != 0.0
    safe = jnp.where(nz, apq, 1.0)
    tau = (aqq - app) / (2.0 * safe)
    root = jnp.sqrt(1.0 + tau * tau)
    t = jnp.where(tau >= 0.0, 1.0 / (tau + root), 1.0 / (tau - root))
    c = 1.0 / jnp.sqrt(1.0 + t * t)
    s = t * c
    c = jnp.where(nz, c, 1.0)
    s = jnp.where(nz, s, 0.0)
    return c, s


def _eigh3_body(c_ref, o_ref):
    a00 = c_ref[0]
    a01 = c_ref[1]
    a02 = c_ref[2]
    a11 = c_ref[3]
    a12 = c_ref[4]
    a22 = c_ref[5]
    one = jnp.ones_like(a00)
    zero = jnp.zeros_like(a00)
    v00, v01, v02 = one, zero, zero
    v10, v11, v12 = zero, one, zero
    v20, v21, v22 = zero, zero, one

    for _ in range(_NSWEEP):
        c, s = _rot(a00, a22, a02)
        n00 = c * (c * a00 - s * a02) - s * (c * a02 - s * a22)
        n22 = s * (s * a00 + c * a02) + c * (s * a02 + c * a22)
        n02 = c * (s * a00 + c * a02) - s * (s * a02 + c * a22)
        n01 = c * a01 - s * a12
        n12 = s * a01 + c * a12
        a00, a22, a02, a01, a12 = n00, n22, n02, n01, n12
        v00, v02 = c * v00 - s * v02, s * v00 + c * v02
        v10, v12 = c * v10 - s * v12, s * v10 + c * v12
        v20, v22 = c * v20 - s * v22, s * v20 + c * v22

        c, s = _rot(a11, a22, a12)
        n11 = c * (c * a11 - s * a12) - s * (c * a12 - s * a22)
        n22 = s * (s * a11 + c * a12) + c * (s * a12 + c * a22)
        n12 = c * (s * a11 + c * a12) - s * (s * a12 + c * a22)
        n01 = c * a01 - s * a02
        n02 = s * a01 + c * a02
        a11, a22, a12, a01, a02 = n11, n22, n12, n01, n02
        v01, v02 = c * v01 - s * v02, s * v01 + c * v02
        v11, v12 = c * v11 - s * v12, s * v11 + c * v12
        v21, v22 = c * v21 - s * v22, s * v21 + c * v22

        c, s = _rot(a00, a11, a01)
        n00 = c * (c * a00 - s * a01) - s * (c * a01 - s * a11)
        n11 = s * (s * a00 + c * a01) + c * (s * a01 + c * a11)
        n01 = c * (s * a00 + c * a01) - s * (s * a01 + c * a11)
        n02 = c * a02 - s * a12
        n12 = s * a02 + c * a12
        a00, a11, a01, a02, a12 = n00, n11, n01, n02, n12
        v00, v01 = c * v00 - s * v01, s * v00 + c * v01
        v10, v11 = c * v10 - s * v11, s * v10 + c * v11
        v20, v21 = c * v20 - s * v21, s * v20 + c * v21

    l0, l1, l2 = a00, a11, a22
    e0 = (l0, v00, v10, v20)
    e1 = (l1, v01, v11, v21)
    e2 = (l2, v02, v12, v22)

    def cswap(ea, eb):
        sw = ea[0] > eb[0]
        na = tuple(jnp.where(sw, b, a) for a, b in zip(ea, eb))
        nb = tuple(jnp.where(sw, a, b) for a, b in zip(ea, eb))
        return na, nb

    e0, e1 = cswap(e0, e1)
    e1, e2 = cswap(e1, e2)
    e0, e1 = cswap(e0, e1)

    bl, bx, by, bz = jnp.abs(e0[0]), e0[1], e0[2], e0[3]
    t1 = jnp.abs(e1[0]) < bl
    bl = jnp.where(t1, jnp.abs(e1[0]), bl)
    bx = jnp.where(t1, e1[1], bx)
    by = jnp.where(t1, e1[2], by)
    bz = jnp.where(t1, e1[3], bz)
    t2 = jnp.abs(e2[0]) < bl
    bx = jnp.where(t2, e2[1], bx)
    by = jnp.where(t2, e2[2], by)
    bz = jnp.where(t2, e2[3], bz)

    o_ref[0] = jnp.where(jnp.isnan(bx), 0.0, bx)
    o_ref[1] = jnp.where(jnp.isnan(by), 0.0, by)
    o_ref[2] = jnp.where(jnp.isnan(bz), 0.0, bz)


def _eigh3(cov6, interpret=False):
    return pl.pallas_call(
        _eigh3_body,
        grid=(_EGRID,),
        in_specs=[pl.BlockSpec((6, _ER, 128), lambda i: (0, i, 0))],
        out_specs=pl.BlockSpec((3, _ER, 128), lambda i: (0, i, 0)),
        out_shape=jax.ShapeDtypeStruct((3, _NPAD // 128, 128), jnp.float32),
        interpret=interpret,
    )(cov6)



def kernel(old_weights, pos, batch, normals, edge_idx_l, dense_l, stddev,
           W1, b1, W2, b2, W3, b3):
    col = edge_idx_l[1]

    table = jnp.concatenate(
        [pos, normals, jnp.zeros((_N, 2), jnp.float32)], axis=1)
    g = _sc_gather(table, col)

    pos_rep = jnp.repeat(pos, _K, axis=0)
    nrm_rep = jnp.repeat(normals, _K, axis=0)
    wold = old_weights.reshape(_E, 1)

    w1p = jnp.concatenate([W1, jnp.zeros((1, 32), jnp.float32)], axis=0)
    b1e = b1[None, :]
    sd = stddev.reshape(1, 1)
    w3r = W3
    b3r = b3.reshape(1, 1)

    noise = (jax.random.uniform(jax.random.key(7), (100, 3),
                                dtype=jnp.float32) - 0.5) * 1e-08
    nzd = jnp.diagonal(noise)
    nz = jnp.stack([nzd[0], nzd[0], nzd[0], nzd[1], nzd[1], nzd[2],
                    jnp.float32(0), jnp.float32(0)])[None, :]

    wgt, cov = _mlp_cov(g, wold, pos_rep, nrm_rep, sd, w1p, b1e, W2,
                        b2[None, :], w3r, b3r, nz)

    covp = jnp.pad(cov[:, 0:6], ((0, _NPAD - _N), (0, 0)))
    cov6 = covp.T.reshape(6, _NPAD // 128, 128)
    nrm3 = _eigh3(cov6)
    new_normals = nrm3.reshape(3, _NPAD)[:, :_N].T

    return (new_normals, wgt.reshape(_E))

# --- scband reference (transcript-rebuilt; emitter-appended) ---
"""Pipeline reference for scband-normal-estimation-72499047956660 (READ-ONLY COPY).

The authoritative reference and input builder live on the scoring server;
editing this copy changes nothing except your own understanding.
"""

import jax, jax.numpy as jnp
import numpy as np

N = 100000
K = 16
E = N * K


def setup_inputs(seed: int = 0):
    key = jax.random.key(seed)
    ks = jax.random.split(key, 12)
    pos = jax.random.normal(ks[0], (N, 3), dtype=jnp.float32)
    normals = jax.random.normal(ks[1], (N, 3), dtype=jnp.float32)
    normals = normals / (jnp.linalg.norm(normals, axis=-1, keepdims=True) + 1e-12)
    old_weights = jax.random.uniform(ks[2], (E,), dtype=jnp.float32)
    col = jax.random.randint(ks[3], (E,), 0, N, dtype=jnp.int32)
    row = jnp.repeat(jnp.arange(N, dtype=jnp.int32), K)
    edge_idx_l = jnp.stack([row, col], axis=0)
    dense_l = col.reshape(N, K)
    batch = jnp.zeros((N,), dtype=jnp.int32)
    stddev = jnp.array([0.05], dtype=jnp.float32)
    W1 = jax.random.normal(ks[4], (7, 32), dtype=jnp.float32) * 0.1
    b1 = jnp.zeros((32,), dtype=jnp.float32)
    W2 = jax.random.normal(ks[5], (64, 32), dtype=jnp.float32) * 0.1
    b2 = jnp.zeros((32,), dtype=jnp.float32)
    W3 = jax.random.normal(ks[6], (32, 1), dtype=jnp.float32) * 0.1
    b3 = jnp.zeros((1,), dtype=jnp.float32)
    return {"old_weights": old_weights, "pos": pos, "batch": batch, "normals": normals,
            "edge_idx_l": edge_idx_l, "dense_l": dense_l, "stddev": stddev,
            "W1": W1, "b1": b1, "W2": W2, "b2": b2, "W3": W3, "b3": b3}


def _gnn_fixed_k(pos, old_weights, normals, edge_idx_l, stddev, W1, b1, W2, b2, W3, b3):
    row = edge_idx_l[0]
    col = edge_idx_l[1]
    n = pos.shape[0]
    rel = pos[col] - pos[row]
    dist = jnp.linalg.norm(rel, axis=-1, keepdims=True)
    ndot = jnp.sum(normals[row] * normals[col], axis=-1, keepdims=True)
    sd = jnp.broadcast_to(jnp.reshape(stddev, (1, 1)), (rel.shape[0], 1))
    feat = jnp.concatenate([rel, dist, ndot, old_weights[:, None], sd], axis=-1)
    h1 = jax.nn.relu(feat @ W1 + b1)
    agg = jax.ops.segment_max(h1, row, num_segments=n)
    agg = jnp.where(jnp.isfinite(agg), agg, 0.0)
    h2 = jax.nn.relu(jnp.concatenate([h1, agg[row]], axis=-1) @ W2 + b2)
    return jax.nn.sigmoid((h2 @ W3 + b3)[:, 0])


def _weighted_cov_dense(pos, weights, dense_l):
    n, k = dense_l.shape
    w = weights.reshape(n, k)
    pos_nb = pos[dense_l]
    centroid = jnp.sum(w[:, :, None] * pos_nb, axis=1) / (jnp.sum(w, axis=1, keepdims=True) + 1e-12)
    d = pos_nb - centroid[:, None, :]
    return jnp.einsum('nk,nki,nkj->nij', w, d, d)


def reference(old_weights, pos, batch, normals, edge_idx_l, dense_l, stddev, W1, b1, W2, b2, W3, b3):
    weights = _gnn_fixed_k(pos, old_weights, normals, edge_idx_l, stddev, W1, b1, W2, b2, W3, b3)
    cov = _weighted_cov_dense(pos, weights, dense_l)
    # faithful to torch: torch.diag((rand(100,3)-0.5)*1e-8) -> length-3 diagonal vector, broadcast-added
    noise = (jax.random.uniform(jax.random.key(7), (100, 3), dtype=jnp.float32) - 0.5) * 1e-08
    cov = cov + jnp.diagonal(noise)
    eig_val, eig_vec = jnp.linalg.eigh(cov)
    order = jnp.argsort(jnp.abs(eig_val), axis=-1)
    eig_vec = jnp.take_along_axis(eig_vec, jnp.broadcast_to(order[:, None, :], eig_vec.shape), axis=2)
    new_normals = eig_vec[:, :, 0]
    new_normals = jnp.where(jnp.isnan(new_normals), 0.0, new_normals)
    return (new_normals, weights)

if __name__ == "__main__":
    import jax
    _d = setup_inputs()
    print(jax.jit(kernel)(*tuple(_d.values())))

</pallas_src>

<mosaic_0001>
#map = affine_map<(d0, d1) -> (0)>
#map1 = affine_map<(d0, d1) -> (0, 0)>
module attributes {stable_mosaic.version = 14 : i64} {
  func.func @gk(%arg0: i32, %arg1: i32, %arg2: memref<1600000xi32, #tpu.memory_space<hbm>>, %arg3: memref<100000x8xf32, #tpu.memory_space<hbm>>, %arg4: memref<1600000x8xf32, #tpu.memory_space<hbm>>, %arg5: memref<5000xi32, #tpu.memory_space<vmem>>, %arg6: memref<5000x8xf32, #tpu.memory_space<vmem>>, %arg7: memref<!tpu.dma_semaphore, #tpu.memory_space<semaphore_mem>>) attributes {dimension_semantics = [#tpu.dimension_semantics<core_parallel>, #tpu.dimension_semantics<subcore_parallel>], iteration_bounds = array<i64: 2, 16>, scalar_prefetch = 0 : i64, scratch_operands = 3 : i64, tpu.core_type = #tpu.core_type<sc_vector_subcore>, window_params = [{transform_indices = #map}, {transform_indices = #map1}, {transform_indices = #map1}]} {
    %mul3A = arith.constant 2 : i32
    %mul3A_0 = arith.muli %arg1, %mul3A : i32
    %add3A = arith.addi %mul3A_0, %arg0 : i32
    %mul3A_1 = arith.constant 50000 : i32
    %mul3A_2 = arith.muli %add3A, %mul3A_1 : i32
    %add3A_3 = arith.constant 0 : i32
    %add3A_4 = arith.addi %mul3A_2, %add3A_3 : i32
    "tpu.region"() ({
      %run_scoped3A = tpu.sem_alloc : memref<!tpu.dma_semaphore, #tpu.memory_space<semaphore_mem>>
      %dma_start3A_81 = tpu.memref_slice %arg2[%add3A_4] : memref<1600000xi32, #tpu.memory_space<hbm>> -> memref<5000xi32, #tpu.memory_space<hbm>>
      %dma_start3A_82 = tpu.memref_slice %arg2[%add3A_4] : memref<1600000xi32, #tpu.memory_space<hbm>> -> memref<5000xi32, #tpu.memory_space<hbm>>
      tpu.enqueue_dma source(%dma_start3A_82 : memref<5000xi32, #tpu.memory_space<hbm>>) target(%arg5 : memref<5000xi32, #tpu.memory_space<vmem>>) target_semaphore(%run_scoped3A : memref<!tpu.dma_semaphore, #tpu.memory_space<semaphore_mem>>)
      %dma_wait3A_83 = tpu.memref_slice %arg2[%add3A_4] : memref<1600000xi32, #tpu.memory_space<hbm>> -> memref<5000xi32, #tpu.memory_space<hbm>>
      %dma_wait3A_84 = tpu.memref_slice %arg2[%add3A_4] : memref<1600000xi32, #tpu.memory_space<hbm>> -> memref<5000xi32, #tpu.memory_space<hbm>>
      tpu.wait_dma2 semaphore(%run_scoped3A : memref<!tpu.dma_semaphore, #tpu.memory_space<semaphore_mem>>) src(%dma_wait3A_84 : memref<5000xi32, #tpu.memory_space<hbm>>) dst(%arg5 : memref<5000xi32, #tpu.memory_space<vmem>>)
      tpu.yield
    }) : () -> ()
    %dma_start3A = arith.constant 0 : i32
    %dma_start3A_5 = arith.constant 0 : i32
    %dma_start3A_6 = tpu.memref_slice %arg3[%dma_start3A, %dma_start3A_5] : memref<100000x8xf32, #tpu.memory_space<hbm>> -> memref<100000x8xf32, #tpu.memory_space<hbm>>
    tpu.enqueue_indirect_dma source(%dma_start3A_6 : memref<100000x8xf32, #tpu.memory_space<hbm>>) target(%arg6 : memref<5000x8xf32, #tpu.memory_space<vmem>>) offsets(%arg5 : memref<5000xi32, #tpu.memory_space<vmem>>) semaphore(%arg7 : memref<!tpu.dma_semaphore, #tpu.memory_space<semaphore_mem>>)
    %dma_wait3A = arith.constant 0 : i32
    %dma_wait3A_7 = arith.constant 0 : i32
    %dma_wait3A_8 = tpu.memref_slice %arg3[%dma_wait3A, %dma_wait3A_7] : memref<100000x8xf32, #tpu.memory_space<hbm>> -> memref<100000x8xf32, #tpu.memory_space<hbm>>
    tpu.wait_indirect_dma semaphore(%arg7 : memref<!tpu.dma_semaphore, #tpu.memory_space<semaphore_mem>>) src(%dma_wait3A_8 : memref<100000x8xf32, #tpu.memory_space<hbm>>) dst(%arg6 : memref<5000x8xf32, #tpu.memory_space<vmem>>)
    "tpu.region"() ({
      %run_scoped3A = tpu.sem_alloc : memref<!tpu.dma_semaphore, #tpu.memory_space<semaphore_mem>>
      %dma_start3A_81 = arith.constant 0 : i32
      %dma_start3A_82 = tpu.memref_slice %arg4[%add3A_4, %dma_start3A_81] : memref<1600000x8xf32, #tpu.memory_space<hbm>> -> memref<5000x8xf32, #tpu.memory_space<hbm>>
      %dma_start3A_83 = arith.constant 0 : i32
      %dma_start3A_84 = tpu.memref_slice %arg4[%add3A_4, %dma_start3A_83] : memref<1600000x8xf32, #tpu.memory_space<hbm>> -> memref<5000x8xf32, #tpu.memory_space<hbm>>
      tpu.enqueue_dma source(%arg6 : memref<5000x8xf32, #tpu.memory_space<vmem>>) target(%dma_start3A_84 : memref<5000x8xf32, #tpu.memory_space<hbm>>) target_semaphore(%run_scoped3A : memref<!tpu.dma_semaphore, #tpu.memory_space<semaphore_mem>>)
      %dma_wait3A_85 = arith.constant 0 : i32
      %dma_wait3A_86 = tpu.memref_slice %arg4[%add3A_4, %dma_wait3A_85] : memref<1600000x8xf32, #tpu.memory_space<hbm>> -> memref<5000x8xf32, #tpu.memory_space<hbm>>
      %dma_wait3A_87 = arith.constant 0 : i32
      %dma_wait3A_88 = tpu.memref_slice %arg4[%add3A_4, %dma_wait3A_87] : memref<1600000x8xf32, #tpu.memory_space<hbm>> -> memref<5000x8xf32, #tpu.memory_space<hbm>>
      tpu.wait_dma2 semaphore(%run_scoped3A : memref<!tpu.dma_semaphore, #tpu.memory_space<semaphore_mem>>) src(%arg6 : memref<5000x8xf32, #tpu.memory_space<vmem>>) dst(%dma_wait3A_88 : memref<5000x8xf32, #tpu.memory_space<hbm>>)
      tpu.yield
    }) : () -> ()
    %add3A_9 = arith.constant 5000 : i32
    %add3A_10 = arith.addi %mul3A_2, %add3A_9 : i32
    "tpu.region"() ({
      %run_scoped3A = tpu.sem_alloc : memref<!tpu.dma_semaphore, #tpu.memory_space<semaphore_mem>>
      %dma_start3A_81 = tpu.memref_slice %arg2[%add3A_10] : memref<1600000xi32, #tpu.memory_space<hbm>> -> memref<5000xi32, #tpu.memory_space<hbm>>
      %dma_start3A_82 = tpu.memref_slice %arg2[%add3A_10] : memref<1600000xi32, #tpu.memory_space<hbm>> -> memref<5000xi32, #tpu.memory_space<hbm>>
      tpu.enqueue_dma source(%dma_start3A_82 : memref<5000xi32, #tpu.memory_space<hbm>>) target(%arg5 : memref<5000xi32, #tpu.memory_space<vmem>>) target_semaphore(%run_scoped3A : memref<!tpu.dma_semaphore, #tpu.memory_space<semaphore_mem>>)
      %dma_wait3A_83 = tpu.memref_slice %arg2[%add3A_10] : memref<1600000xi32, #tpu.memory_space<hbm>> -> memref<5000xi32, #tpu.memory_space<hbm>>
      %dma_wait3A_84 = tpu.memref_slice %arg2[%add3A_10] : memref<1600000xi32, #tpu.memory_space<hbm>> -> memref<5000xi32, #tpu.memory_space<hbm>>
      tpu.wait_dma2 semaphore(%run_scoped3A : memref<!tpu.dma_semaphore, #tpu.memory_space<semaphore_mem>>) src(%dma_wait3A_84 : memref<5000xi32, #tpu.memory_space<hbm>>) dst(%arg5 : memref<5000xi32, #tpu.memory_space<vmem>>)
      tpu.yield
    }) : () -> ()
    %dma_start3A_11 = arith.constant 0 : i32
    %dma_start3A_12 = arith.constant 0 : i32
    %dma_start3A_13 = tpu.memref_slice %arg3[%dma_start3A_11, %dma_start3A_12] : memref<100000x8xf32, #tpu.memory_space<hbm>> -> memref<100000x8xf32, #tpu.memory_space<hbm>>
    tpu.enqueue_indirect_dma source(%dma_start3A_13 : memref<100000x8xf32, #tpu.memory_space<hbm>>) target(%arg6 : memref<5000x8xf32, #tpu.memory_space<vmem>>) offsets(%arg5 : memref<5000xi32, #tpu.memory_space<vmem>>) semaphore(%arg7 : memref<!tpu.dma_semaphore, #tpu.memory_space<semaphore_mem>>)
    %dma_wait3A_14 = arith.constant 0 : i32
    %dma_wait3A_15 = arith.constant 0 : i32
    %dma_wait3A_16 = tpu.memref_slice %arg3[%dma_wait3A_14, %dma_wait3A_15] : memref<100000x8xf32, #tpu.memory_space<hbm>> -> memref<100000x8xf32, #tpu.memory_space<hbm>>
    tpu.wait_indirect_dma semaphore(%arg7 : memref<!tpu.dma_semaphore, #tpu.memory_space<semaphore_mem>>) src(%dma_wait3A_16 : memref<100000x8xf32, #tpu.memory_space<hbm>>) dst(%arg6 : memref<5000x8xf32, #tpu.memory_space<vmem>>)
    "tpu.region"() ({
      %run_scoped3A = tpu.sem_alloc : memref<!tpu.dma_semaphore, #tpu.memory_space<semaphore_mem>>
      %dma_start3A_81 = arith.constant 0 : i32
      %dma_start3A_82 = tpu.memref_slice %arg4[%add3A_10, %dma_start3A_81] : memref<1600000x8xf32, #tpu.memory_space<hbm>> -> memref<5000x8xf32, #tpu.memory_space<hbm>>
      %dma_start3A_83 = arith.constant 0 : i32
      %dma_start3A_84 = tpu.memref_slice %arg4[%add3A_10, %dma_start3A_83] : memref<1600000x8xf32, #tpu.memory_space<hbm>> -> memref<5000x8xf32, #tpu.memory_space<hbm>>
      tpu.enqueue_dma source(%arg6 : memref<5000x8xf32, #tpu.memory_space<vmem>>) target(%dma_start3A_84 : memref<5000x8xf32, #tpu.memory_space<hbm>>) target_semaphore(%run_scoped3A : memref<!tpu.dma_semaphore, #tpu.memory_space<semaphore_mem>>)
      %dma_wait3A_85 = arith.constant 0 : i32
      %dma_wait3A_86 = tpu.memref_slice %arg4[%add3A_10, %dma_wait3A_85] : memref<1600000x8xf32, #tpu.memory_space<hbm>> -> memref<5000x8xf32, #tpu.memory_space<hbm>>
      %dma_wait3A_87 = arith.constant 0 : i32
      %dma_wait3A_88 = tpu.memref_slice %arg4[%add3A_10, %dma_wait3A_87] : memref<1600000x8xf32, #tpu.memory_space<hbm>> -> memref<5000x8xf32, #tpu.memory_space<hbm>>
      tpu.wait_dma2 semaphore(%run_scoped3A : memref<!tpu.dma_semaphore, #tpu.memory_space<semaphore_mem>>) src(%arg6 : memref<5000x8xf32, #tpu.memory_space<vmem>>) dst(%dma_wait3A_88 : memref<5000x8xf32, #tpu.memory_space<hbm>>)
      tpu.yield
    }) : () -> ()
    %add3A_17 = arith.constant 10000 : i32
    %add3A_18 = arith.addi %mul3A_2, %add3A_17 : i32
    "tpu.region"() ({
      %run_scoped3A = tpu.sem_alloc : memref<!tpu.dma_semaphore, #tpu.memory_space<semaphore_mem>>
      %dma_start3A_81 = tpu.memref_slice %arg2[%add3A_18] : memref<1600000xi32, #tpu.memory_space<hbm>> -> memref<5000xi32, #tpu.memory_space<hbm>>
      %dma_start3A_82 = tpu.memref_slice %arg2[%add3A_18] : memref<1600000xi32, #tpu.memory_space<hbm>> -> memref<5000xi32, #tpu.memory_space<hbm>>
      tpu.enqueue_dma source(%dma_start3A_82 : memref<5000xi32, #tpu.memory_space<hbm>>) target(%arg5 : memref<5000xi32, #tpu.memory_space<vmem>>) target_semaphore(%run_scoped3A : memref<!tpu.dma_semaphore, #tpu.memory_space<semaphore_mem>>)
      %dma_wait3A_83 = tpu.memref_slice %arg2[%add3A_18] : memref<1600000xi32, #tpu.memory_space<hbm>> -> memref<5000xi32, #tpu.memory_space<hbm>>
      %dma_wait3A_84 = tpu.memref_slice %arg2[%add3A_18] : memref<1600000xi32, #tpu.memory_space<hbm>> -> memref<5000xi32, #tpu.memory_space<hbm>>
      tpu.wait_dma2 semaphore(%run_scoped3A : memref<!tpu.dma_semaphore, #tpu.memory_space<semaphore_mem>>) src(%dma_wait3A_84 : memref<5000xi32, #tpu.memory_space<hbm>>) dst(%arg5 : memref<5000xi32, #tpu.memory_space<vmem>>)
      tpu.yield
    }) : () -> ()
    %dma_start3A_19 = arith.constant 0 : i32
    %dma_start3A_20 = arith.constant 0 : i32
    %dma_start3A_21 = tpu.memref_slice %arg3[%dma_start3A_19, %dma_start3A_20] : memref<100000x8xf32, #tpu.memory_space<hbm>> -> memref<100000x8xf32, #tpu.memory_space<hbm>>
    tpu.enqueue_indirect_dma source(%dma_start3A_21 : memref<100000x8xf32, #tpu.memory_space<hbm>>) target(%arg6 : memref<5000x8xf32, #tpu.memory_space<vmem>>) offsets(%arg5 : memref<5000xi32, #tpu.memory_space<vmem>>) semaphore(%arg7 : memref<!tpu.dma_semaphore, #tpu.memory_space<semaphore_mem>>)
    %dma_wait3A_22 = arith.constant 0 : i32
    %dma_wait3A_23 = arith.constant 0 : i32
    %dma_wait3A_24 = tpu.memref_slice %arg3[%dma_wait3A_22, %dma_wait3A_23] : memref<100000x8xf32, #tpu.memory_space<hbm>> -> memref<100000x8xf32, #tpu.memory_space<hbm>>
    tpu.wait_indirect_dma semaphore(%arg7 : memref<!tpu.dma_semaphore, #tpu.memory_space<semaphore_mem>>) src(%dma_wait3A_24 : memref<100000x8xf32, #tpu.memory_space<hbm>>) dst(%arg6 : memref<5000x8xf32, #tpu.memory_space<vmem>>)
    "tpu.region"() ({
      %run_scoped3A = tpu.sem_alloc : memref<!tpu.dma_semaphore, #tpu.memory_space<semaphore_mem>>
      %dma_start3A_81 = arith.constant 0 : i32
      %dma_start3A_82 = tpu.memref_slice %arg4[%add3A_18, %dma_start3A_81] : memref<1600000x8xf32, #tpu.memory_space<hbm>> -> memref<5000x8xf32, #tpu.memory_space<hbm>>
      %dma_start3A_83 = arith.constant 0 : i32
      %dma_start3A_84 = tpu.memref_slice %arg4[%add3A_18, %dma_start3A_83] : memref<1600000x8xf32, #tpu.memory_space<hbm>> -> memref<5000x8xf32, #tpu.memory_space<hbm>>
      tpu.enqueue_dma source(%arg6 : memref<5000x8xf32, #tpu.memory_space<vmem>>) target(%dma_start3A_84 : memref<5000x8xf32, #tpu.memory_space<hbm>>) target_semaphore(%run_scoped3A : memref<!tpu.dma_semaphore, #tpu.memory_space<semaphore_mem>>)
      %dma_wait3A_85 = arith.constant 0 : i32
      %dma_wait3A_86 = tpu.memref_slice %arg4[%add3A_18, %dma_wait3A_85] : memref<1600000x8xf32, #tpu.memory_space<hbm>> -> memref<5000x8xf32, #tpu.memory_space<hbm>>
      %dma_wait3A_87 = arith.constant 0 : i32
      %dma_wait3A_88 = tpu.memref_slice %arg4[%add3A_18, %dma_wait3A_87] : memref<1600000x8xf32, #tpu.memory_space<hbm>> -> memref<5000x8xf32, #tpu.memory_space<hbm>>
      tpu.wait_dma2 semaphore(%run_scoped3A : memref<!tpu.dma_semaphore, #tpu.memory_space<semaphore_mem>>) src(%arg6 : memref<5000x8xf32, #tpu.memory_space<vmem>>) dst(%dma_wait3A_88 : memref<5000x8xf32, #tpu.memory_space<hbm>>)
      tpu.yield
    }) : () -> ()
    %add3A_25 = arith.constant 15000 : i32
    %add3A_26 = arith.addi %mul3A_2, %add3A_25 : i32
    "tpu.region"() ({
      %run_scoped3A = tpu.sem_alloc : memref<!tpu.dma_semaphore, #tpu.memory_space<semaphore_mem>>
      %dma_start3A_81 = tpu.memref_slice %arg2[%add3A_26] : memref<1600000xi32, #tpu.memory_space<hbm>> -> memref<5000xi32, #tpu.memory_space<hbm>>
      %dma_start3A_82 = tpu.memref_slice %arg2[%add3A_26] : memref<1600000xi32, #tpu.memory_space<hbm>> -> memref<5000xi32, #tpu.memory_space<hbm>>
      tpu.enqueue_dma source(%dma_start3A_82 : memref<5000xi32, #tpu.memory_space<hbm>>) target(%arg5 : memref<5000xi32, #tpu.memory_space<vmem>>) target_semaphore(%run_scoped3A : memref<!tpu.dma_semaphore, #tpu.memory_space<semaphore_mem>>)
      %dma_wait3A_83 = tpu.memref_slice %arg2[%add3A_26] : memref<1600000xi32, #tpu.memory_space<hbm>> -> memref<5000xi32, #tpu.memory_space<hbm>>
      %dma_wait3A_84 = tpu.memref_slice %arg2[%add3A_26] : memref<1600000xi32, #tpu.memory_space<hbm>> -> memref<5000xi32, #tpu.memory_space<hbm>>
      tpu.wait_dma2 semaphore(%run_scoped3A : memref<!tpu.dma_semaphore, #tpu.memory_space<semaphore_mem>>) src(%dma_wait3A_84 : memref<5000xi32, #tpu.memory_space<hbm>>) dst(%arg5 : memref<5000xi32, #tpu.memory_space<vmem>>)
      tpu.yield
    }) : () -> ()
    %dma_start3A_27 = arith.constant 0 : i32
    %dma_start3A_28 = arith.constant 0 : i32
    %dma_start3A_29 = tpu.memref_slice %arg3[%dma_start3A_27, %dma_start3A_28] : memref<100000x8xf32, #tpu.memory_space<hbm>> -> memref<100000x8xf32, #tpu.memory_space<hbm>>
    tpu.enqueue_indirect_dma source(%dma_start3A_29 : memref<100000x8xf32, #tpu.memory_space<hbm>>) target(%arg6 : memref<5000x8xf32, #tpu.memory_space<vmem>>) offsets(%arg5 : memref<5000xi32, #tpu.memory_space<vmem>>) semaphore(%arg7 : memref<!tpu.dma_semaphore, #tpu.memory_space<semaphore_mem>>)
    %dma_wait3A_30 = arith.constant 0 : i32
    %dma_wait3A_31 = arith.constant 0 : i32
    %dma_wait3A_32 = tpu.memref_slice %arg3[%dma_wait3A_30, %dma_wait3A_31] : memref<100000x8xf32, #tpu.memory_space<hbm>> -> memref<100000x8xf32, #tpu.memory_space<hbm>>
    tpu.wait_indirect_dma semaphore(%arg7 : memref<!tpu.dma_semaphore, #tpu.memory_space<semaphore_mem>>) src(%dma_wait3A_32 : memref<100000x8xf32, #tpu.memory_space<hbm>>) dst(%arg6 : memref<5000x8xf32, #tpu.memory_space<vmem>>)
    "tpu.region"() ({
      %run_scoped3A = tpu.sem_alloc : memref<!tpu.dma_semaphore, #tpu.memory_space<semaphore_mem>>
      %dma_start3A_81 = arith.constant 0 : i32
      %dma_start3A_82 = tpu.memref_slice %arg4[%add3A_26, %dma_start3A_81] : memref<1600000x8xf32, #tpu.memory_space<hbm>> -> memref<5000x8xf32, #tpu.memory_space<hbm>>
      %dma_start3A_83 = arith.constant 0 : i32
      %dma_start3A_84 = tpu.memref_slice %arg4[%add3A_26, %dma_start3A_83] : memref<1600000x8xf32, #tpu.memory_space<hbm>> -> memref<5000x8xf32, #tpu.memory_space<hbm>>
      tpu.enqueue_dma source(%arg6 : memref<5000x8xf32, #tpu.memory_space<vmem>>) target(%dma_start3A_84 : memref<5000x8xf32, #tpu.memory_space<hbm>>) target_semaphore(%run_scoped3A : memref<!tpu.dma_semaphore, #tpu.memory_space<semaphore_mem>>)
      %dma_wait3A_85 = arith.constant 0 : i32
      %dma_wait3A_86 = tpu.memref_slice %arg4[%add3A_26, %dma_wait3A_85] : memref<1600000x8xf32, #tpu.memory_space<hbm>> -> memref<5000x8xf32, #tpu.memory_space<hbm>>
      %dma_wait3A_87 = arith.constant 0 : i32
      %dma_wait3A_88 = tpu.memref_slice %arg4[%add3A_26, %dma_wait3A_87] : memref<1600000x8xf32, #tpu.memory_space<hbm>> -> memref<5000x8xf32, #tpu.memory_space<hbm>>
      tpu.wait_dma2 semaphore(%run_scoped3A : memref<!tpu.dma_semaphore, #tpu.memory_space<semaphore_mem>>) src(%arg6 : memref<5000x8xf32, #tpu.memory_space<vmem>>) dst(%dma_wait3A_88 : memref<5000x8xf32, #tpu.memory_space<hbm>>)
      tpu.yield
    }) : () -> ()
    %add3A_33 = arith.constant 20000 : i32
    %add3A_34 = arith.addi %mul3A_2, %add3A_33 : i32
    "tpu.region"() ({
      %run_scoped3A = tpu.sem_alloc : memref<!tpu.dma_semaphore, #tpu.memory_space<semaphore_mem>>
      %dma_start3A_81 = tpu.memref_slice %arg2[%add3A_34] : memref<1600000xi32, #tpu.memory_space<hbm>> -> memref<5000xi32, #tpu.memory_space<hbm>>
      %dma_start3A_82 = tpu.memref_slice %arg2[%add3A_34] : memref<1600000xi32, #tpu.memory_space<hbm>> -> memref<5000xi32, #tpu.memory_space<hbm>>
      tpu.enqueue_dma source(%dma_start3A_82 : memref<5000xi32, #tpu.memory_space<hbm>>) target(%arg5 : memref<5000xi32, #tpu.memory_space<vmem>>) target_semaphore(%run_scoped3A : memref<!tpu.dma_semaphore, #tpu.memory_space<semaphore_mem>>)
      %dma_wait3A_83 = tpu.memref_slice %arg2[%add3A_34] : memref<1600000xi32, #tpu.memory_space<hbm>> -> memref<5000xi32, #tpu.memory_space<hbm>>
      %dma_wait3A_84 = tpu.memref_slice %arg2[%add3A_34] : memref<1600000xi32, #tpu.memory_space<hbm>> -> memref<5000xi32, #tpu.memory_space<hbm>>
      tpu.wait_dma2 semaphore(%run_scoped3A : memref<!tpu.dma_semaphore, #tpu.memory_space<semaphore_mem>>) src(%dma_wait3A_84 : memref<5000xi32, #tpu.memory_space<hbm>>) dst(%arg5 : memref<5000xi32, #tpu.memory_space<vmem>>)
      tpu.yield
    }) : () -> ()
    %dma_start3A_35 = arith.constant 0 : i32
    %dma_start3A_36 = arith.constant 0 : i32
    %dma_start3A_37 = tpu.memref_slice %arg3[%dma_start3A_35, %dma_start3A_36] : memref<100000x8xf32, #tpu.memory_space<hbm>> -> memref<100000x8xf32, #tpu.memory_space<hbm>>
    tpu.enqueue_indirect_dma source(%dma_start3A_37 : memref<100000x8xf32, #tpu.memory_space<hbm>>) target(%arg6 : memref<5000x8xf32, #tpu.memory_space<vmem>>) offsets(%arg5 : memref<5000xi32, #tpu.memory_space<vmem>>) semaphore(%arg7 : memref<!tpu.dma_semaphore, #tpu.memory_space<semaphore_mem>>)
    %dma_wait3A_38 = arith.constant 0 : i32
    %dma_wait3A_39 = arith.constant 0 : i32
    %dma_wait3A_40 = tpu.memref_slice %arg3[%dma_wait3A_38, %dma_wait3A_39] : memref<100000x8xf32, #tpu.memory_space<hbm>> -> memref<100000x8xf32, #tpu.memory_space<hbm>>
    tpu.wait_indirect_dma semaphore(%arg7 : memref<!tpu.dma_semaphore, #tpu.memory_space<semaphore_mem>>) src(%dma_wait3A_40 : memref<100000x8xf32, #tpu.memory_space<hbm>>) dst(%arg6 : memref<5000x8xf32, #tpu.memory_space<vmem>>)
    "tpu.region"() ({
      %run_scoped3A = tpu.sem_alloc : memref<!tpu.dma_semaphore, #tpu.memory_space<semaphore_mem>>
      %dma_start3A_81 = arith.constant 0 : i32
      %dma_start3A_82 = tpu.memref_slice %arg4[%add3A_34, %dma_start3A_81] : memref<1600000x8xf32, #tpu.memory_space<hbm>> -> memref<5000x8xf32, #tpu.memory_space<hbm>>
      %dma_start3A_83 = arith.constant 0 : i32
      %dma_start3A_84 = tpu.memref_slice %arg4[%add3A_34, %dma_start3A_83] : memref<1600000x8xf32, #tpu.memory_space<hbm>> -> memref<5000x8xf32, #tpu.memory_space<hbm>>
      tpu.enqueue_dma source(%arg6 : memref<5000x8xf32, #tpu.memory_space<vmem>>) target(%dma_start3A_84 : memref<5000x8xf32, #tpu.memory_space<hbm>>) target_semaphore(%run_scoped3A : memref<!tpu.dma_semaphore, #tpu.memory_space<semaphore_mem>>)
      %dma_wait3A_85 = arith.constant 0 : i32
      %dma_wait3A_86 = tpu.memref_slice %arg4[%add3A_34, %dma_wait3A_85] : memref<1600000x8xf32, #tpu.memory_space<hbm>> -> memref<5000x8xf32, #tpu.memory_space<hbm>>
      %dma_wait3A_87 = arith.constant 0 : i32
      %dma_wait3A_88 = tpu.memref_slice %arg4[%add3A_34, %dma_wait3A_87] : memref<1600000x8xf32, #tpu.memory_space<hbm>> -> memref<5000x8xf32, #tpu.memory_space<hbm>>
      tpu.wait_dma2 semaphore(%run_scoped3A : memref<!tpu.dma_semaphore, #tpu.memory_space<semaphore_mem>>) src(%arg6 : memref<5000x8xf32, #tpu.memory_space<vmem>>) dst(%dma_wait3A_88 : memref<5000x8xf32, #tpu.memory_space<hbm>>)
      tpu.yield
    }) : () -> ()
    %add3A_41 = arith.constant 25000 : i32
    %add3A_42 = arith.addi %mul3A_2, %add3A_41 : i32
    "tpu.region"() ({
      %run_scoped3A = tpu.sem_alloc : memref<!tpu.dma_semaphore, #tpu.memory_space<semaphore_mem>>
      %dma_start3A_81 = tpu.memref_slice %arg2[%add3A_42] : memref<1600000xi32, #tpu.memory_space<hbm>> -> memref<5000xi32, #tpu.memory_space<hbm>>
      %dma_start3A_82 = tpu.memref_slice %arg2[%add3A_42] : memref<1600000xi32, #tpu.memory_space<hbm>> -> memref<5000xi32, #tpu.memory_space<hbm>>
      tpu.enqueue_dma source(%dma_start3A_82 : memref<5000xi32, #tpu.memory_space<hbm>>) target(%arg5 : memref<5000xi32, #tpu.memory_space<vmem>>) target_semaphore(%run_scoped3A : memref<!tpu.dma_semaphore, #tpu.memory_space<semaphore_mem>>)
      %dma_wait3A_83 = tpu.memref_slice %arg2[%add3A_42] : memref<1600000xi32, #tpu.memory_space<hbm>> -> memref<5000xi32, #tpu.memory_space<hbm>>
      %dma_wait3A_84 = tpu.memref_slice %arg2[%add3A_42] : memref<1600000xi32, #tpu.memory_space<hbm>> -> memref<5000xi32, #tpu.memory_space<hbm>>
      tpu.wait_dma2 semaphore(%run_scoped3A : memref<!tpu.dma_semaphore, #tpu.memory_space<semaphore_mem>>) src(%dma_wait3A_84 : memref<5000xi32, #tpu.memory_space<hbm>>) dst(%arg5 : memref<5000xi32, #tpu.memory_space<vmem>>)
      tpu.yield
    }) : () -> ()
    %dma_start3A_43 = arith.constant 0 : i32
    %dma_start3A_44 = arith.constant 0 : i32
    %dma_start3A_45 = tpu.memref_slice %arg3[%dma_start3A_43, %dma_start3A_44] : memref<100000x8xf32, #tpu.memory_space<hbm>> -> memref<100000x8xf32, #tpu.memory_space<hbm>>
    tpu.enqueue_indirect_dma source(%dma_start3A_45 : memref<100000x8xf32, #tpu.memory_space<hbm>>) target(%arg6 : memref<5000x8xf32, #tpu.memory_space<vmem>>) offsets(%arg5 : memref<5000xi32, #tpu.memory_space<vmem>>) semaphore(%arg7 : memref<!tpu.dma_semaphore, #tpu.memory_space<semaphore_mem>>)
    %dma_wait3A_46 = arith.constant 0 : i32
    %dma_wait3A_47 = arith.constant 0 : i32
    %dma_wait3A_48 = tpu.memref_slice %arg3[%dma_wait3A_46, %dma_wait3A_47] : memref<100000x8xf32, #tpu.memory_space<hbm>> -> memref<100000x8xf32, #tpu.memory_space<hbm>>
    tpu.wait_indirect_dma semaphore(%arg7 : memref<!tpu.dma_semaphore, #tpu.memory_space<semaphore_mem>>) src(%dma_wait3A_48 : memref<100000x8xf32, #tpu.memory_space<hbm>>) dst(%arg6 : memref<5000x8xf32, #tpu.memory_space<vmem>>)
    "tpu.region"() ({
      %run_scoped3A = tpu.sem_alloc : memref<!tpu.dma_semaphore, #tpu.memory_space<semaphore_mem>>
      %dma_start3A_81 = arith.constant 0 : i32
      %dma_start3A_82 = tpu.memref_slice %arg4[%add3A_42, %dma_start3A_81] : memref<1600000x8xf32, #tpu.memory_space<hbm>> -> memref<5000x8xf32, #tpu.memory_space<hbm>>
      %dma_start3A_83 = arith.constant 0 : i32
      %dma_start3A_84 = tpu.memref_slice %arg4[%add3A_42, %dma_start3A_83] : memref<1600000x8xf32, #tpu.memory_space<hbm>> -> memref<5000x8xf32, #tpu.memory_space<hbm>>
      tpu.enqueue_dma source(%arg6 : memref<5000x8xf32, #tpu.memory_space<vmem>>) target(%dma_start3A_84 : memref<5000x8xf32, #tpu.memory_space<hbm>>) target_semaphore(%run_scoped3A : memref<!tpu.dma_semaphore, #tpu.memory_space<semaphore_mem>>)
      %dma_wait3A_85 = arith.constant 0 : i32
      %dma_wait3A_86 = tpu.memref_slice %arg4[%add3A_42, %dma_wait3A_85] : memref<1600000x8xf32, #tpu.memory_space<hbm>> -> memref<5000x8xf32, #tpu.memory_space<hbm>>
      %dma_wait3A_87 = arith.constant 0 : i32
      %dma_wait3A_88 = tpu.memref_slice %arg4[%add3A_42, %dma_wait3A_87] : memref<1600000x8xf32, #tpu.memory_space<hbm>> -> memref<5000x8xf32, #tpu.memory_space<hbm>>
      tpu.wait_dma2 semaphore(%run_scoped3A : memref<!tpu.dma_semaphore, #tpu.memory_space<semaphore_mem>>) src(%arg6 : memref<5000x8xf32, #tpu.memory_space<vmem>>) dst(%dma_wait3A_88 : memref<5000x8xf32, #tpu.memory_space<hbm>>)
      tpu.yield
    }) : () -> ()
    %add3A_49 = arith.constant 30000 : i32
    %add3A_50 = arith.addi %mul3A_2, %add3A_49 : i32
    "tpu.region"() ({
      %run_scoped3A = tpu.sem_alloc : memref<!tpu.dma_semaphore, #tpu.memory_space<semaphore_mem>>
      %dma_start3A_81 = tpu.memref_slice %arg2[%add3A_50] : memref<1600000xi32, #tpu.memory_space<hbm>> -> memref<5000xi32, #tpu.memory_space<hbm>>
      %dma_start3A_82 = tpu.memref_slice %arg2[%add3A_50] : memref<1600000xi32, #tpu.memory_space<hbm>> -> memref<5000xi32, #tpu.memory_space<hbm>>
      tpu.enqueue_dma source(%dma_start3A_82 : memref<5000xi32, #tpu.memory_space<hbm>>) target(%arg5 : memref<5000xi32, #tpu.memory_space<vmem>>) target_semaphore(%run_scoped3A : memref<!tpu.dma_semaphore, #tpu.memory_space<semaphore_mem>>)
      %dma_wait3A_83 = tpu.memref_slice %arg2[%add3A_50] : memref<1600000xi32, #tpu.memory_space<hbm>> -> memref<5000xi32, #tpu.memory_space<hbm>>
      %dma_wait3A_84 = tpu.memref_slice %arg2[%add3A_50] : memref<1600000xi32, #tpu.memory_space<hbm>> -> memref<5000xi32, #tpu.memory_space<hbm>>
      tpu.wait_dma2 semaphore(%run_scoped3A : memref<!tpu.dma_semaphore, #tpu.memory_space<semaphore_mem>>) src(%dma_wait3A_84 : memref<5000xi32, #tpu.memory_space<hbm>>) dst(%arg5 : memref<5000xi32, #tpu.memory_space<vmem>>)
      tpu.yield
    }) : () -> ()
    %dma_start3A_51 = arith.constant 0 : i32
    %dma_start3A_52 = arith.constant 0 : i32
    %dma_start3A_53 = tpu.memref_slice %arg3[%dma_start3A_51, %dma_start3A_52] : memref<100000x8xf32, #tpu.memory_space<hbm>> -> memref<100000x8xf32, #tpu.memory_space<hbm>>
    tpu.enqueue_indirect_dma source(%dma_start3A_53 : memref<100000x8xf32, #tpu.memory_space<hbm>>) target(%arg6 : memref<5000x8xf32, #tpu.memory_space<vmem>>) offsets(%arg5 : memref<5000xi32, #tpu.memory_space<vmem>>) semaphore(%arg7 : memref<!tpu.dma_semaphore, #tpu.memory_space<semaphore_mem>>)
    %dma_wait3A_54 = arith.constant 0 : i32
    %dma_wait3A_55 = arith.constant 0 : i32
    %dma_wait3A_56 = tpu.memref_slice %arg3[%dma_wait3A_54, %dma_wait3A_55] : memref<100000x8xf32, #tpu.memory_space<hbm>> -> memref<100000x8xf32, #tpu.memory_space<hbm>>
    tpu.wait_indirect_dma semaphore(%arg7 : memref<!tpu.dma_semaphore, #tpu.memory_space<semaphore_mem>>) src(%dma_wait3A_56 : memref<100000x8xf32, #tpu.memory_space<hbm>>) dst(%arg6 : memref<5000x8xf32, #tpu.memory_space<vmem>>)
    "tpu.region"() ({
      %run_scoped3A = tpu.sem_alloc : memref<!tpu.dma_semaphore, #tpu.memory_space<semaphore_mem>>
      %dma_start3A_81 = arith.constant 0 : i32
      %dma_start3A_82 = tpu.memref_slice %arg4[%add3A_50, %dma_start3A_81] : memref<1600000x8xf32, #tpu.memory_space<hbm>> -> memref<5000x8xf32, #tpu.memory_space<hbm>>
      %dma_start3A_83 = arith.constant 0 : i32
      %dma_start3A_84 = tpu.memref_slice %arg4[%add3A_50, %dma_start3A_83] : memref<1600000x8xf32, #tpu.memory_space<hbm>> -> memref<5000x8xf32, #tpu.memory_space<hbm>>
      tpu.enqueue_dma source(%arg6 : memref<5000x8xf32, #tpu.memory_space<vmem>>) target(%dma_start3A_84 : memref<5000x8xf32, #tpu.memory_space<hbm>>) target_semaphore(%run_scoped3A : memref<!tpu.dma_semaphore, #tpu.memory_space<semaphore_mem>>)
      %dma_wait3A_85 = arith.constant 0 : i32
      %dma_wait3A_86 = tpu.memref_slice %arg4[%add3A_50, %dma_wait3A_85] : memref<1600000x8xf32, #tpu.memory_space<hbm>> -> memref<5000x8xf32, #tpu.memory_space<hbm>>
      %dma_wait3A_87 = arith.constant 0 : i32
      %dma_wait3A_88 = tpu.memref_slice %arg4[%add3A_50, %dma_wait3A_87] : memref<1600000x8xf32, #tpu.memory_space<hbm>> -> memref<5000x8xf32, #tpu.memory_space<hbm>>
      tpu.wait_dma2 semaphore(%run_scoped3A : memref<!tpu.dma_semaphore, #tpu.memory_space<semaphore_mem>>) src(%arg6 : memref<5000x8xf32, #tpu.memory_space<vmem>>) dst(%dma_wait3A_88 : memref<5000x8xf32, #tpu.memory_space<hbm>>)
      tpu.yield
    }) : () -> ()
    %add3A_57 = arith.constant 35000 : i32
    %add3A_58 = arith.addi %mul3A_2, %add3A_57 : i32
    "tpu.region"() ({
      %run_scoped3A = tpu.sem_alloc : memref<!tpu.dma_semaphore, #tpu.memory_space<semaphore_mem>>
      %dma_start3A_81 = tpu.memref_slice %arg2[%add3A_58] : memref<1600000xi32, #tpu.memory_space<hbm>> -> memref<5000xi32, #tpu.memory_space<hbm>>
      %dma_start3A_82 = tpu.memref_slice %arg2[%add3A_58] : memref<1600000xi32, #tpu.memory_space<hbm>> -> memref<5000xi32, #tpu.memory_space<hbm>>
      tpu.enqueue_dma source(%dma_start3A_82 : memref<5000xi32, #tpu.memory_space<hbm>>) target(%arg5 : memref<5000xi32, #tpu.memory_space<vmem>>) target_semaphore(%run_scoped3A : memref<!tpu.dma_semaphore, #tpu.memory_space<semaphore_mem>>)
      %dma_wait3A_83 = tpu.memref_slice %arg2[%add3A_58] : memref<1600000xi32, #tpu.memory_space<hbm>> -> memref<5000xi32, #tpu.memory_space<hbm>>
      %dma_wait3A_84 = tpu.memref_slice %arg2[%add3A_58] : memref<1600000xi32, #tpu.memory_space<hbm>> -> memref<5000xi32, #tpu.memory_space<hbm>>
      tpu.wait_dma2 semaphore(%run_scoped3A : memref<!tpu.dma_semaphore, #tpu.memory_space<semaphore_mem>>) src(%dma_wait3A_84 : memref<5000xi32, #tpu.memory_space<hbm>>) dst(%arg5 : memref<5000xi32, #tpu.memory_space<vmem>>)
      tpu.yield
    }) : () -> ()
    %dma_start3A_59 = arith.constant 0 : i32
    %dma_start3A_60 = arith.constant 0 : i32
    %dma_start3A_61 = tpu.memref_slice %arg3[%dma_start3A_59, %dma_start3A_60] : memref<100000x8xf32, #tpu.memory_space<hbm>> -> memref<100000x8xf32, #tpu.memory_space<hbm>>
    tpu.enqueue_indirect_dma source(%dma_start3A_61 : memref<100000x8xf32, #tpu.memory_space<hbm>>) target(%arg6 : memref<5000x8xf32, #tpu.memory_space<vmem>>) offsets(%arg5 : memref<5000xi32, #tpu.memory_space<vmem>>) semaphore(%arg7 : memref<!tpu.dma_semaphore, #tpu.memory_space<semaphore_mem>>)
    %dma_wait3A_62 = arith.constant 0 : i32
    %dma_wait3A_63 = arith.constant 0 : i32
    %dma_wait3A_64 = tpu.memref_slice %arg3[%dma_wait3A_62, %dma_wait3A_63] : memref<100000x8xf32, #tpu.memory_space<hbm>> -> memref<100000x8xf32, #tpu.memory_space<hbm>>
    tpu.wait_indirect_dma semaphore(%arg7 : memref<!tpu.dma_semaphore, #tpu.memory_space<semaphore_mem>>) src(%dma_wait3A_64 : memref<100000x8xf32, #tpu.memory_space<hbm>>) dst(%arg6 : memref<5000x8xf32, #tpu.memory_space<vmem>>)
    "tpu.region"() ({
      %run_scoped3A = tpu.sem_alloc : memref<!tpu.dma_semaphore, #tpu.memory_space<semaphore_mem>>
      %dma_start3A_81 = arith.constant 0 : i32
      %dma_start3A_82 = tpu.memref_slice %arg4[%add3A_58, %dma_start3A_81] : memref<1600000x8xf32, #tpu.memory_space<hbm>> -> memref<5000x8xf32, #tpu.memory_space<hbm>>
      %dma_start3A_83 = arith.constant 0 : i32
      %dma_start3A_84 = tpu.memref_slice %arg4[%add3A_58, %dma_start3A_83] : memref<1600000x8xf32, #tpu.memory_space<hbm>> -> memref<5000x8xf32, #tpu.memory_space<hbm>>
      tpu.enqueue_dma source(%arg6 : memref<5000x8xf32, #tpu.memory_space<vmem>>) target(%dma_start3A_84 : memref<5000x8xf32, #tpu.memory_space<hbm>>) target_semaphore(%run_scoped3A : memref<!tpu.dma_semaphore, #tpu.memory_space<semaphore_mem>>)
      %dma_wait3A_85 = arith.constant 0 : i32
      %dma_wait3A_86 = tpu.memref_slice %arg4[%add3A_58, %dma_wait3A_85] : memref<1600000x8xf32, #tpu.memory_space<hbm>> -> memref<5000x8xf32, #tpu.memory_space<hbm>>
      %dma_wait3A_87 = arith.constant 0 : i32
      %dma_wait3A_88 = tpu.memref_slice %arg4[%add3A_58, %dma_wait3A_87] : memref<1600000x8xf32, #tpu.memory_space<hbm>> -> memref<5000x8xf32, #tpu.memory_space<hbm>>
      tpu.wait_dma2 semaphore(%run_scoped3A : memref<!tpu.dma_semaphore, #tpu.memory_space<semaphore_mem>>) src(%arg6 : memref<5000x8xf32, #tpu.memory_space<vmem>>) dst(%dma_wait3A_88 : memref<5000x8xf32, #tpu.memory_space<hbm>>)
      tpu.yield
    }) : () -> ()
    %add3A_65 = arith.constant 40000 : i32
    %add3A_66 = arith.addi %mul3A_2, %add3A_65 : i32
    "tpu.region"() ({
      %run_scoped3A = tpu.sem_alloc : memref<!tpu.dma_semaphore, #tpu.memory_space<semaphore_mem>>
      %dma_start3A_81 = tpu.memref_slice %arg2[%add3A_66] : memref<1600000xi32, #tpu.memory_space<hbm>> -> memref<5000xi32, #tpu.memory_space<hbm>>
      %dma_start3A_82 = tpu.memref_slice %arg2[%add3A_66] : memref<1600000xi32, #tpu.memory_space<hbm>> -> memref<5000xi32, #tpu.memory_space<hbm>>
      tpu.enqueue_dma source(%dma_start3A_82 : memref<5000xi32, #tpu.memory_space<hbm>>) target(%arg5 : memref<5000xi32, #tpu.memory_space<vmem>>) target_semaphore(%run_scoped3A : memref<!tpu.dma_semaphore, #tpu.memory_space<semaphore_mem>>)
      %dma_wait3A_83 = tpu.memref_slice %arg2[%add3A_66] : memref<1600000xi32, #tpu.memory_space<hbm>> -> memref<5000xi32, #tpu.memory_space<hbm>>
      %dma_wait3A_84 = tpu.memref_slice %arg2[%add3A_66] : memref<1600000xi32, #tpu.memory_space<hbm>> -> memref<5000xi32, #tpu.memory_space<hbm>>
      tpu.wait_dma2 semaphore(%run_scoped3A : memref<!tpu.dma_semaphore, #tpu.memory_space<semaphore_mem>>) src(%dma_wait3A_84 : memref<5000xi32, #tpu.memory_space<hbm>>) dst(%arg5 : memref<5000xi32, #tpu.memory_space<vmem>>)
      tpu.yield
    }) : () -> ()
    %dma_start3A_67 = arith.constant 0 : i32
    %dma_start3A_68 = arith.constant 0 : i32
    %dma_start3A_69 = tpu.memref_slice %arg3[%dma_start3A_67, %dma_start3A_68] : memref<100000x8xf32, #tpu.memory_space<hbm>> -> memref<100000x8xf32, #tpu.memory_space<hbm>>
    tpu.enqueue_indirect_dma source(%dma_start3A_69 : memref<100000x8xf32, #tpu.memory_space<hbm>>) target(%arg6 : memref<5000x8xf32, #tpu.memory_space<vmem>>) offsets(%arg5 : memref<5000xi32, #tpu.memory_space<vmem>>) semaphore(%arg7 : memref<!tpu.dma_semaphore, #tpu.memory_space<semaphore_mem>>)
    %dma_wait3A_70 = arith.constant 0 : i32
    %dma_wait3A_71 = arith.constant 0 : i32
    %dma_wait3A_72 = tpu.memref_slice %arg3[%dma_wait3A_70, %dma_wait3A_71] : memref<100000x8xf32, #tpu.memory_space<hbm>> -> memref<100000x8xf32, #tpu.memory_space<hbm>>
    tpu.wait_indirect_dma semaphore(%arg7 : memref<!tpu.dma_semaphore, #tpu.memory_space<semaphore_mem>>) src(%dma_wait3A_72 : memref<100000x8xf32, #tpu.memory_space<hbm>>) dst(%arg6 : memref<5000x8xf32, #tpu.memory_space<vmem>>)
    "tpu.region"() ({
      %run_scoped3A = tpu.sem_alloc : memref<!tpu.dma_semaphore, #tpu.memory_space<semaphore_mem>>
      %dma_start3A_81 = arith.constant 0 : i32
      %dma_start3A_82 = tpu.memref_slice %arg4[%add3A_66, %dma_start3A_81] : memref<1600000x8xf32, #tpu.memory_space<hbm>> -> memref<5000x8xf32, #tpu.memory_space<hbm>>
      %dma_start3A_83 = arith.constant 0 : i32
      %dma_start3A_84 = tpu.memref_slice %arg4[%add3A_66, %dma_start3A_83] : memref<1600000x8xf32, #tpu.memory_space<hbm>> -> memref<5000x8xf32, #tpu.memory_space<hbm>>
      tpu.enqueue_dma source(%arg6 : memref<5000x8xf32, #tpu.memory_space<vmem>>) target(%dma_start3A_84 : memref<5000x8xf32, #tpu.memory_space<hbm>>) target_semaphore(%run_scoped3A : memref<!tpu.dma_semaphore, #tpu.memory_space<semaphore_mem>>)
      %dma_wait3A_85 = arith.constant 0 : i32
      %dma_wait3A_86 = tpu.memref_slice %arg4[%add3A_66, %dma_wait3A_85] : memref<1600000x8xf32, #tpu.memory_space<hbm>> -> memref<5000x8xf32, #tpu.memory_space<hbm>>
      %dma_wait3A_87 = arith.constant 0 : i32
      %dma_wait3A_88 = tpu.memref_slice %arg4[%add3A_66, %dma_wait3A_87] : memref<1600000x8xf32, #tpu.memory_space<hbm>> -> memref<5000x8xf32, #tpu.memory_space<hbm>>
      tpu.wait_dma2 semaphore(%run_scoped3A : memref<!tpu.dma_semaphore, #tpu.memory_space<semaphore_mem>>) src(%arg6 : memref<5000x8xf32, #tpu.memory_space<vmem>>) dst(%dma_wait3A_88 : memref<5000x8xf32, #tpu.memory_space<hbm>>)
      tpu.yield
    }) : () -> ()
    %add3A_73 = arith.constant 45000 : i32
    %add3A_74 = arith.addi %mul3A_2, %add3A_73 : i32
    "tpu.region"() ({
      %run_scoped3A = tpu.sem_alloc : memref<!tpu.dma_semaphore, #tpu.memory_space<semaphore_mem>>
      %dma_start3A_81 = tpu.memref_slice %arg2[%add3A_74] : memref<1600000xi32, #tpu.memory_space<hbm>> -> memref<5000xi32, #tpu.memory_space<hbm>>
      %dma_start3A_82 = tpu.memref_slice %arg2[%add3A_74] : memref<1600000xi32, #tpu.memory_space<hbm>> -> memref<5000xi32, #tpu.memory_space<hbm>>
      tpu.enqueue_dma source(%dma_start3A_82 : memref<5000xi32, #tpu.memory_space<hbm>>) target(%arg5 : memref<5000xi32, #tpu.memory_space<vmem>>) target_semaphore(%run_scoped3A : memref<!tpu.dma_semaphore, #tpu.memory_space<semaphore_mem>>)
      %dma_wait3A_83 = tpu.memref_slice %arg2[%add3A_74] : memref<1600000xi32, #tpu.memory_space<hbm>> -> memref<5000xi32, #tpu.memory_space<hbm>>
      %dma_wait3A_84 = tpu.memref_slice %arg2[%add3A_74] : memref<1600000xi32, #tpu.memory_space<hbm>> -> memref<5000xi32, #tpu.memory_space<hbm>>
      tpu.wait_dma2 semaphore(%run_scoped3A : memref<!tpu.dma_semaphore, #tpu.memory_space<semaphore_mem>>) src(%dma_wait3A_84 : memref<5000xi32, #tpu.memory_space<hbm>>) dst(%arg5 : memref<5000xi32, #tpu.memory_space<vmem>>)
      tpu.yield
    }) : () -> ()
    %dma_start3A_75 = arith.constant 0 : i32
    %dma_start3A_76 = arith.constant 0 : i32
    %dma_start3A_77 = tpu.memref_slice %arg3[%dma_start3A_75, %dma_start3A_76] : memref<100000x8xf32, #tpu.memory_space<hbm>> -> memref<100000x8xf32, #tpu.memory_space<hbm>>
    tpu.enqueue_indirect_dma source(%dma_start3A_77 : memref<100000x8xf32, #tpu.memory_space<hbm>>) target(%arg6 : memref<5000x8xf32, #tpu.memory_space<vmem>>) offsets(%arg5 : memref<5000xi32, #tpu.memory_space<vmem>>) semaphore(%arg7 : memref<!tpu.dma_semaphore, #tpu.memory_space<semaphore_mem>>)
    %dma_wait3A_78 = arith.constant 0 : i32
    %dma_wait3A_79 = arith.constant 0 : i32
    %dma_wait3A_80 = tpu.memref_slice %arg3[%dma_wait3A_78, %dma_wait3A_79] : memref<100000x8xf32, #tpu.memory_space<hbm>> -> memref<100000x8xf32, #tpu.memory_space<hbm>>
    tpu.wait_indirect_dma semaphore(%arg7 : memref<!tpu.dma_semaphore, #tpu.memory_space<semaphore_mem>>) src(%dma_wait3A_80 : memref<100000x8xf32, #tpu.memory_space<hbm>>) dst(%arg6 : memref<5000x8xf32, #tpu.memory_space<vmem>>)
    "tpu.region"() ({
      %run_scoped3A = tpu.sem_alloc : memref<!tpu.dma_semaphore, #tpu.memory_space<semaphore_mem>>
      %dma_start3A_81 = arith.constant 0 : i32
      %dma_start3A_82 = tpu.memref_slice %arg4[%add3A_74, %dma_start3A_81] : memref<1600000x8xf32, #tpu.memory_space<hbm>> -> memref<5000x8xf32, #tpu.memory_space<hbm>>
      %dma_start3A_83 = arith.constant 0 : i32
      %dma_start3A_84 = tpu.memref_slice %arg4[%add3A_74, %dma_start3A_83] : memref<1600000x8xf32, #tpu.memory_space<hbm>> -> memref<5000x8xf32, #tpu.memory_space<hbm>>
      tpu.enqueue_dma source(%arg6 : memref<5000x8xf32, #tpu.memory_space<vmem>>) target(%dma_start3A_84 : memref<5000x8xf32, #tpu.memory_space<hbm>>) target_semaphore(%run_scoped3A : memref<!tpu.dma_semaphore, #tpu.memory_space<semaphore_mem>>)
      %dma_wait3A_85 = arith.constant 0 : i32
      %dma_wait3A_86 = tpu.memref_slice %arg4[%add3A_74, %dma_wait3A_85] : memref<1600000x8xf32, #tpu.memory_space<hbm>> -> memref<5000x8xf32, #tpu.memory_space<hbm>>
      %dma_wait3A_87 = arith.constant 0 : i32
      %dma_wait3A_88 = tpu.memref_slice %arg4[%add3A_74, %dma_wait3A_87] : memref<1600000x8xf32, #tpu.memory_space<hbm>> -> memref<5000x8xf32, #tpu.memory_space<hbm>>
      tpu.wait_dma2 semaphore(%run_scoped3A : memref<!tpu.dma_semaphore, #tpu.memory_space<semaphore_mem>>) src(%arg6 : memref<5000x8xf32, #tpu.memory_space<vmem>>) dst(%dma_wait3A_88 : memref<5000x8xf32, #tpu.memory_space<hbm>>)
      tpu.yield
    }) : () -> ()
    return
  }
}

module attributes {stable_mosaic.version = 14 : i64} {
  func.func @_mlp_cov_body(%arg0: i32, %arg1: memref<3200x8xf32, #tpu.memory_space<vmem>>, %arg2: memref<3200x1xf32, #tpu.memory_space<vmem>>, %arg3: memref<3200x3xf32, #tpu.memory_space<vmem>>, %arg4: memref<3200x3xf32, #tpu.memory_space<vmem>>, %arg5: memref<1x1xf32, #tpu.memory_space<vmem>>, %arg6: memref<8x32xf32, #tpu.memory_space<vmem>>, %arg7: memref<1x32xf32, #tpu.memory_space<vmem>>, %arg8: memref<64x32xf32, #tpu.memory_space<vmem>>, %arg9: memref<1x32xf32, #tpu.memory_space<vmem>>, %arg10: memref<32x1xf32, #tpu.memory_space<vmem>>, %arg11: memref<1x1xf32, #tpu.memory_space<vmem>>, %arg12: memref<1x8xf32, #tpu.memory_space<vmem>>, %arg13: memref<3200x1xf32, #tpu.memory_space<vmem>>, %arg14: memref<200x8xf32, #tpu.memory_space<vmem>>) attributes {dimension_semantics = [#tpu.dimension_semantics<arbitrary>], iteration_bounds = array<i64: 500>, scalar_prefetch = 0 : i64, scratch_operands = 0 : i64, tpu.core_type = #tpu.core_type<tc>, window_params = [{transform_indices = @transform_0, window_bounds = array<i64: 3200, 8>}, {transform_indices = @transform_1, window_bounds = array<i64: 3200, 1>}, {transform_indices = @transform_2, window_bounds = array<i64: 3200, 3>}, {transform_indices = @transform_3, window_bounds = array<i64: 3200, 3>}, {pipeline_mode = #tpu.pipeline_mode<synchronous>, transform_indices = @transform_4, window_bounds = array<i64: 1, 1>}, {pipeline_mode = #tpu.pipeline_mode<synchronous>, transform_indices = @transform_5, window_bounds = array<i64: 8, 32>}, {pipeline_mode = #tpu.pipeline_mode<synchronous>, transform_indices = @transform_6, window_bounds = array<i64: 1, 32>}, {pipeline_mode = #tpu.pipeline_mode<synchronous>, transform_indices = @transform_7, window_bounds = array<i64: 64, 32>}, {pipeline_mode = #tpu.pipeline_mode<synchronous>, transform_indices = @transform_8, window_bounds = array<i64: 1, 32>}, {pipeline_mode = #tpu.pipeline_mode<synchronous>, transform_indices = @transform_9, window_bounds = array<i64: 32, 1>}, {pipeline_mode = #tpu.pipeline_mode<synchronous>, transform_indices = @transform_10, window_bounds = array<i64: 1, 1>}, {pipeline_mode = #tpu.pipeline_mode<synchronous>, transform_indices = @transform_11, window_bounds = array<i64: 1, 8>}, {transform_indices = @transform_12, window_bounds = array<i64: 3200, 1>}, {transform_indices = @transform_13, window_bounds = array<i64: 200, 8>}]} {
    %get3A = arith.constant 0 : index
    %get3A_0 = arith.constant 0 : index
    %get3A_1 = vector.load %arg1[%get3A, %get3A_0] : memref<3200x8xf32, #tpu.memory_space<vmem>>, vector<3200x8xf32>
    %slice3A = vector.extract_strided_slice %get3A_1 {offsets = [0, 0], sizes = [3200, 3], strides = [1, 1]} : vector<3200x8xf32> to vector<3200x3xf32>
    %slice3A_2 = vector.extract_strided_slice %get3A_1 {offsets = [0, 3], sizes = [3200, 3], strides = [1, 1]} : vector<3200x8xf32> to vector<3200x3xf32>
    %get3A_3 = arith.constant 0 : index
    %get3A_4 = arith.constant 0 : index
    %get3A_5 = vector.load %arg3[%get3A_3, %get3A_4] : memref<3200x3xf32, #tpu.memory_space<vmem>>, vector<3200x3xf32>
    %get3A_6 = arith.constant 0 : index
    %get3A_7 = arith.constant 0 : index
    %get3A_8 = vector.load %arg4[%get3A_6, %get3A_7] : memref<3200x3xf32, #tpu.memory_space<vmem>>, vector<3200x3xf32>
    %sub3A = arith.subf %slice3A, %get3A_5 : vector<3200x3xf32>
    %mul3A = arith.mulf %sub3A, %sub3A : vector<3200x3xf32>
    %reduce_sum3A = arith.constant dense<0.000000e+00> : vector<3200xf32>
    %reduce_sum3A_9 = vector.multi_reduction <add>, %mul3A, %reduce_sum3A [1] : vector<3200x3xf32> to vector<3200xf32>
    %broadcast_in_dim3A = vector.shape_cast %reduce_sum3A_9 : vector<3200xf32> to vector<3200x1xf32>
    %sqrt3A = math.sqrt %broadcast_in_dim3A : vector<3200x1xf32>
    %mul3A_10 = arith.mulf %get3A_8, %slice3A_2 : vector<3200x3xf32>
    %reduce_sum3A_11 = arith.constant dense<0.000000e+00> : vector<3200xf32>
    %reduce_sum3A_12 = vector.multi_reduction <add>, %mul3A_10, %reduce_sum3A_11 [1] : vector<3200x3xf32> to vector<3200xf32>
    %broadcast_in_dim3A_13 = vector.shape_cast %reduce_sum3A_12 : vector<3200xf32> to vector<3200x1xf32>
    %get3A_14 = arith.constant 0 : index
    %get3A_15 = arith.constant 0 : index
    %get3A_16 = vector.load %arg2[%get3A_14, %get3A_15] : memref<3200x1xf32, #tpu.memory_space<vmem>>, vector<3200x1xf32>
    %get3A_17 = arith.constant 0 : index
    %get3A_18 = arith.constant 0 : index
    %get3A_19 = vector.load %arg5[%get3A_17, %get3A_18] : memref<1x1xf32, #tpu.memory_space<vmem>>, vector<1x1xf32>
    %broadcast_in_dim3A_20 = vector.shape_cast %get3A_19 : vector<1x1xf32> to vector<1x1xf32>
    %broadcast_in_dim3A_21 = vector.broadcast %broadcast_in_dim3A_20 : vector<1x1xf32> to vector<3200x1xf32>
    %broadcast_in_dim3A_22 = arith.constant 0.000000e+00 : f32
    %broadcast_in_dim3A_23 = vector.broadcast %broadcast_in_dim3A_22 : f32 to vector<3200x1xf32>
    %concatenate3A = tpu.concatenate %sub3A, %sqrt3A, %broadcast_in_dim3A_13, %get3A_16, %broadcast_in_dim3A_21, %broadcast_in_dim3A_23 in 1 : vector<3200x3xf32>, vector<3200x1xf32>, vector<3200x1xf32>, vector<3200x1xf32>, vector<3200x1xf32>, vector<3200x1xf32> -> vector<3200x8xf32>
    %convert_element_type3A = arith.truncf %concatenate3A : vector<3200x8xf32> to vector<3200x8xbf16>
    %get3A_24 = arith.constant 0 : index
    %get3A_25 = arith.constant 0 : index
    %get3A_26 = vector.load %arg6[%get3A_24, %get3A_25] : memref<8x32xf32, #tpu.memory_space<vmem>>, vector<8x32xf32>
    %convert_element_type3A_27 = arith.truncf %get3A_26 : vector<8x32xf32> to vector<8x32xbf16>
    %dot_general3A = arith.constant dense<0.000000e+00> : vector<3200x32xf32>
    %dot_general3A_28 = tpu.matmul %convert_element_type3A, %convert_element_type3A_27, %dot_general3A {dimension_numbers = #tpu.dot_dimension_numbers<[1], [0], [0], [1], [0, 0, 1, 1], [], []>, transpose_lhs_hint = false} : vector<3200x8xbf16>, vector<8x32xbf16>, vector<3200x32xf32> -> vector<3200x32xf32>
    %get3A_29 = arith.constant 0 : index
    %get3A_30 = arith.constant 0 : index
    %get3A_31 = vector.load %arg7[%get3A_29, %get3A_30] : memref<1x32xf32, #tpu.memory_space<vmem>>, vector<1x32xf32>
    %add3A = vector.broadcast %get3A_31 : vector<1x32xf32> to vector<3200x32xf32>
    %add3A_32 = arith.addf %dot_general3A_28, %add3A : vector<3200x32xf32>
    %max3A = arith.constant 0.000000e+00 : f32
    %max3A_33 = vector.broadcast %max3A : f32 to vector<3200x32xf32>
    %max3A_34 = arith.maximumf %add3A_32, %max3A_33 : vector<3200x32xf32>
    %reshape3A = vector.shape_cast %max3A_34 : vector<3200x32xf32> to vector<200x16x32xf32>
    %reduce_max3A = arith.constant dense<0xFF800000> : vector<200x32xf32>
    %reduce_max3A_35 = vector.multi_reduction <maximumf>, %reshape3A, %reduce_max3A [1] : vector<200x16x32xf32> to vector<200x32xf32>
    %broadcast_in_dim3A_36 = vector.shape_cast %reduce_max3A_35 : vector<200x32xf32> to vector<200x1x32xf32>
    %broadcast_in_dim3A_37 = vector.shape_cast %broadcast_in_dim3A_36 : vector<200x1x32xf32> to vector<200x1x32xf32>
    %broadcast_in_dim3A_38 = vector.broadcast %broadcast_in_dim3A_37 : vector<200x1x32xf32> to vector<200x16x32xf32>
    %reshape3A_39 = vector.shape_cast %broadcast_in_dim3A_38 : vector<200x16x32xf32> to vector<3200x32xf32>
    %concatenate3A_40 = tpu.concatenate %max3A_34, %reshape3A_39 in 1 : vector<3200x32xf32>, vector<3200x32xf32> -> vector<3200x64xf32>
    %convert_element_type3A_41 = arith.truncf %concatenate3A_40 : vector<3200x64xf32> to vector<3200x64xbf16>
    %get3A_42 = arith.constant 0 : index
    %get3A_43 = arith.constant 0 : index
    %get3A_44 = vector.load %arg8[%get3A_42, %get3A_43] : memref<64x32xf32, #tpu.memory_space<vmem>>, vector<64x32xf32>
    %convert_element_type3A_45 = arith.truncf %get3A_44 : vector<64x32xf32> to vector<64x32xbf16>
    %dot_general3A_46 = arith.constant dense<0.000000e+00> : vector<3200x32xf32>
    %dot_general3A_47 = tpu.matmul %convert_element_type3A_41, %convert_element_type3A_45, %dot_general3A_46 {dimension_numbers = #tpu.dot_dimension_numbers<[1], [0], [0], [1], [0, 0, 1, 1], [], []>, transpose_lhs_hint = false} : vector<3200x64xbf16>, vector<64x32xbf16>, vector<3200x32xf32> -> vector<3200x32xf32>
    %get3A_48 = arith.constant 0 : index
    %get3A_49 = arith.constant 0 : index
    %get3A_50 = vector.load %arg9[%get3A_48, %get3A_49] : memref<1x32xf32, #tpu.memory_space<vmem>>, vector<1x32xf32>
    %add3A_51 = vector.broadcast %get3A_50 : vector<1x32xf32> to vector<3200x32xf32>
    %add3A_52 = arith.addf %dot_general3A_47, %add3A_51 : vector<3200x32xf32>
    %max3A_53 = arith.constant 0.000000e+00 : f32
    %max3A_54 = vector.broadcast %max3A_53 : f32 to vector<3200x32xf32>
    %max3A_55 = arith.maximumf %add3A_52, %max3A_54 : vector<3200x32xf32>
    %convert_element_type3A_56 = arith.truncf %max3A_55 : vector<3200x32xf32> to vector<3200x32xbf16>
    %get3A_57 = arith.constant 0 : index
    %get3A_58 = arith.constant 0 : index
    %get3A_59 = vector.load %arg10[%get3A_57, %get3A_58] : memref<32x1xf32, #tpu.memory_space<vmem>>, vector<32x1xf32>
    %convert_element_type3A_60 = arith.truncf %get3A_59 : vector<32x1xf32> to vector<32x1xbf16>
    %dot_general3A_61 = arith.constant dense<0.000000e+00> : vector<3200x1xf32>
    %dot_general3A_62 = tpu.matmul %convert_element_type3A_56, %convert_element_type3A_60, %dot_general3A_61 {dimension_numbers = #tpu.dot_dimension_numbers<[1], [0], [0], [1], [0, 0, 1, 1], [], []>, transpose_lhs_hint = false} : vector<3200x32xbf16>, vector<32x1xbf16>, vector<3200x1xf32> -> vector<3200x1xf32>
    %get3A_63 = arith.constant 0 : index
    %get3A_64 = arith.constant 0 : index
    %get3A_65 = vector.load %arg11[%get3A_63, %get3A_64] : memref<1x1xf32, #tpu.memory_space<vmem>>, vector<1x1xf32>
    %add3A_66 = vector.broadcast %get3A_65 : vector<1x1xf32> to vector<3200x1xf32>
    %add3A_67 = arith.addf %dot_general3A_62, %add3A_66 : vector<3200x1xf32>
    %neg3A = arith.constant 0.000000e+00 : f32
    %neg3A_68 = vector.broadcast %neg3A : f32 to vector<3200x1xf32>
    %neg3A_69 = arith.subf %neg3A_68, %add3A_67 : vector<3200x1xf32>
    %exp3A = math.exp %neg3A_69 : vector<3200x1xf32>
    %add3A_70 = arith.constant 1.000000e+00 : f32
    %add3A_71 = vector.broadcast %add3A_70 : f32 to vector<3200x1xf32>
    %add3A_72 = arith.addf %add3A_71, %exp3A : vector<3200x1xf32>
    %div3A = arith.constant 1.000000e+00 : f32
    %div3A_73 = vector.broadcast %div3A : f32 to vector<3200x1xf32>
    %div3A_74 = arith.divf %div3A_73, %add3A_72 : vector<3200x1xf32>
    %swap3A = arith.constant 0 : index
    %swap3A_75 = arith.constant 0 : index
    %swap3A_76 = vector.load %arg13[%swap3A, %swap3A_75] : memref<3200x1xf32, #tpu.memory_space<vmem>>, vector<3200x1xf32>
    tpu.vector_store %arg13[%swap3A, %swap3A_75], %div3A_74 {strides = array<i32>} : memref<3200x1xf32, #tpu.memory_space<vmem>>, vector<3200x1xf32>,
    %reshape3A_77 = vector.shape_cast %div3A_74 : vector<3200x1xf32> to vector<200x16x1xf32>
    %reshape3A_78 = vector.shape_cast %slice3A : vector<3200x3xf32> to vector<200x16x3xf32>
    %reduce_sum3A_79 = arith.constant dense<0.000000e+00> : vector<200x1xf32>
    %reduce_sum3A_80 = vector.multi_reduction <add>, %reshape3A_77, %reduce_sum3A_79 [1] : vector<200x16x1xf32> to vector<200x1xf32>
    %broadcast_in_dim3A_81 = vector.shape_cast %reduce_sum3A_80 : vector<200x1xf32> to vector<200x1x1xf32>
    %mul3A_82 = vector.broadcast %reshape3A_77 : vector<200x16x1xf32> to vector<200x16x3xf32>
    %mul3A_83 = arith.mulf %mul3A_82, %reshape3A_78 : vector<200x16x3xf32>
    %reduce_sum3A_84 = arith.constant dense<0.000000e+00> : vector<200x3xf32>
    %reduce_sum3A_85 = vector.multi_reduction <add>, %mul3A_83, %reduce_sum3A_84 [1] : vector<200x16x3xf32> to vector<200x3xf32>
    %broadcast_in_dim3A_86 = vector.shape_cast %reduce_sum3A_85 : vector<200x3xf32> to vector<200x1x3xf32>
    %add3A_87 = arith.constant 9.99999996E-13 : f32
    %add3A_88 = vector.broadcast %add3A_87 : f32 to vector<200x1x1xf32>
    %add3A_89 = arith.addf %broadcast_in_dim3A_81, %add3A_88 : vector<200x1x1xf32>
    %div3A_90 = vector.broadcast %add3A_89 : vector<200x1x1xf32> to vector<200x1x3xf32>
    %div3A_91 = arith.divf %broadcast_in_dim3A_86, %div3A_90 : vector<200x1x3xf32>
    %sub3A_92 = vector.broadcast %div3A_91 : vector<200x1x3xf32> to vector<200x16x3xf32>
    %sub3A_93 = arith.subf %reshape3A_78, %sub3A_92 : vector<200x16x3xf32>
    %mul3A_94 = vector.broadcast %reshape3A_77 : vector<200x16x1xf32> to vector<200x16x3xf32>
    %mul3A_95 = arith.mulf %mul3A_94, %sub3A_93 : vector<200x16x3xf32>
    %convert_element_type3A_96 = arith.truncf %mul3A_95 : vector<200x16x3xf32> to vector<200x16x3xbf16>
    %convert_element_type3A_97 = arith.extf %convert_element_type3A_96 : vector<200x16x3xbf16> to vector<200x16x3xf32>
    %convert_element_type3A_98 = arith.truncf %sub3A_93 : vector<200x16x3xf32> to vector<200x16x3xbf16>
    %convert_element_type3A_99 = arith.extf %convert_element_type3A_98 : vector<200x16x3xbf16> to vector<200x16x3xf32>
    %slice3A_100 = vector.extract_strided_slice %convert_element_type3A_99 {offsets = [0, 0, 0], sizes = [200, 16, 1], strides = [1, 1, 1]} : vector<200x16x3xf32> to vector<200x16x1xf32>
    %slice3A_101 = vector.extract_strided_slice %convert_element_type3A_99 {offsets = [0, 0, 1], sizes = [200, 16, 1], strides = [1, 1, 1]} : vector<200x16x3xf32> to vector<200x16x1xf32>
    %slice3A_102 = vector.extract_strided_slice %convert_element_type3A_99 {offsets = [0, 0, 2], sizes = [200, 16, 1], strides = [1, 1, 1]} : vector<200x16x3xf32> to vector<200x16x1xf32>
    %slice3A_103 = vector.extract_strided_slice %convert_element_type3A_97 {offsets = [0, 0, 0], sizes = [200, 16, 1], strides = [1, 1, 1]} : vector<200x16x3xf32> to vector<200x16x1xf32>
    %slice3A_104 = vector.extract_strided_slice %convert_element_type3A_97 {offsets = [0, 0, 1], sizes = [200, 16, 1], strides = [1, 1, 1]} : vector<200x16x3xf32> to vector<200x16x1xf32>
    %slice3A_105 = vector.extract_strided_slice %convert_element_type3A_97 {offsets = [0, 0, 2], sizes = [200, 16, 1], strides = [1, 1, 1]} : vector<200x16x3xf32> to vector<200x16x1xf32>
    %mul3A_106 = arith.mulf %slice3A_103, %slice3A_100 : vector<200x16x1xf32>
    %reduce_sum3A_107 = arith.constant dense<0.000000e+00> : vector<200x1xf32>
    %reduce_sum3A_108 = vector.multi_reduction <add>, %mul3A_106, %reduce_sum3A_107 [1] : vector<200x16x1xf32> to vector<200x1xf32>
    %mul3A_109 = arith.mulf %slice3A_104, %slice3A_100 : vector<200x16x1xf32>
    %reduce_sum3A_110 = arith.constant dense<0.000000e+00> : vector<200x1xf32>
    %reduce_sum3A_111 = vector.multi_reduction <add>, %mul3A_109, %reduce_sum3A_110 [1] : vector<200x16x1xf32> to vector<200x1xf32>
    %mul3A_112 = arith.mulf %slice3A_105, %slice3A_100 : vector<200x16x1xf32>
    %reduce_sum3A_113 = arith.constant dense<0.000000e+00> : vector<200x1xf32>
    %reduce_sum3A_114 = vector.multi_reduction <add>, %mul3A_112, %reduce_sum3A_113 [1] : vector<200x16x1xf32> to vector<200x1xf32>
    %mul3A_115 = arith.mulf %slice3A_104, %slice3A_101 : vector<200x16x1xf32>
    %reduce_sum3A_116 = arith.constant dense<0.000000e+00> : vector<200x1xf32>
    %reduce_sum3A_117 = vector.multi_reduction <add>, %mul3A_115, %reduce_sum3A_116 [1] : vector<200x16x1xf32> to vector<200x1xf32>
    %mul3A_118 = arith.mulf %slice3A_105, %slice3A_101 : vector<200x16x1xf32>
    %reduce_sum3A_119 = arith.constant dense<0.000000e+00> : vector<200x1xf32>
    %reduce_sum3A_120 = vector.multi_reduction <add>, %mul3A_118, %reduce_sum3A_119 [1] : vector<200x16x1xf32> to vector<200x1xf32>
    %mul3A_121 = arith.mulf %slice3A_105, %slice3A_102 : vector<200x16x1xf32>
    %reduce_sum3A_122 = arith.constant dense<0.000000e+00> : vector<200x1xf32>
    %reduce_sum3A_123 = vector.multi_reduction <add>, %mul3A_121, %reduce_sum3A_122 [1] : vector<200x16x1xf32> to vector<200x1xf32>
    %broadcast_in_dim3A_124 = arith.constant 0.000000e+00 : f32
    %broadcast_in_dim3A_125 = vector.broadcast %broadcast_in_dim3A_124 : f32 to vector<200x1xf32>
    %concatenate3A_126 = tpu.concatenate %reduce_sum3A_108, %reduce_sum3A_111, %reduce_sum3A_114, %reduce_sum3A_117, %reduce_sum3A_120, %reduce_sum3A_123, %broadcast_in_dim3A_125, %broadcast_in_dim3A_125 in 1 : vector<200x1xf32>, vector<200x1xf32>, vector<200x1xf32>, vector<200x1xf32>, vector<200x1xf32>, vector<200x1xf32>, vector<200x1xf32>, vector<200x1xf32> -> vector<200x8xf32>
    %get3A_127 = arith.constant 0 : index
    %get3A_128 = arith.constant 0 : index
    %get3A_129 = vector.load %arg12[%get3A_127, %get3A_128] : memref<1x8xf32, #tpu.memory_space<vmem>>, vector<1x8xf32>
    %add3A_130 = vector.broadcast %get3A_129 : vector<1x8xf32> to vector<200x8xf32>
    %add3A_131 = arith.addf %concatenate3A_126, %add3A_130 : vector<200x8xf32>
    %swap3A_132 = arith.constant 0 : index
    %swap3A_133 = arith.constant 0 : index
    %swap3A_134 = vector.load %arg14[%swap3A_132, %swap3A_133] : memref<200x8xf32, #tpu.memory_space<vmem>>, vector<200x8xf32>
    tpu.vector_store %arg14[%swap3A_132, %swap3A_133], %add3A_131 {strides = array<i32>} : memref<200x8xf32, #tpu.memory_space<vmem>>, vector<200x8xf32>,
    return
  }
  func.func @transform_0(%arg0: i32) -> (i32, i32) {
    %c0_i32 = arith.constant 0 : i32
    %c0_i32_0 = arith.constant 0 : i32
    return %arg0, %c0_i32 : i32, i32
  }
  func.func @transform_1(%arg0: i32) -> (i32, i32) {
    %c0_i32 = arith.constant 0 : i32
    %c0_i32_0 = arith.constant 0 : i32
    return %arg0, %c0_i32 : i32, i32
  }
  func.func @transform_2(%arg0: i32) -> (i32, i32) {
    %c0_i32 = arith.constant 0 : i32
    %c0_i32_0 = arith.constant 0 : i32
    return %arg0, %c0_i32 : i32, i32
  }
  func.func @transform_3(%arg0: i32) -> (i32, i32) {
    %c0_i32 = arith.constant 0 : i32
    %c0_i32_0 = arith.constant 0 : i32
    return %arg0, %c0_i32 : i32, i32
  }
  func.func @transform_4(%arg0: i32) -> (i32, i32) {
    %c0_i32 = arith.constant 0 : i32
    %c0_i32_0 = arith.constant 0 : i32
    %c0_i32_1 = arith.constant 0 : i32
    return %c0_i32, %c0_i32_0 : i32, i32
  }
  func.func @transform_5(%arg0: i32) -> (i32, i32) {
    %c0_i32 = arith.constant 0 : i32
    %c0_i32_0 = arith.constant 0 : i32
    %c0_i32_1 = arith.constant 0 : i32
    return %c0_i32, %c0_i32_0 : i32, i32
  }
  func.func @transform_6(%arg0: i32) -> (i32, i32) {
    %c0_i32 = arith.constant 0 : i32
    %c0_i32_0 = arith.constant 0 : i32
    %c0_i32_1 = arith.constant 0 : i32
    return %c0_i32, %c0_i32_0 : i32, i32
  }
  func.func @transform_7(%arg0: i32) -> (i32, i32) {
    %c0_i32 = arith.constant 0 : i32
    %c0_i32_0 = arith.constant 0 : i32
    %c0_i32_1 = arith.constant 0 : i32
    return %c0_i32, %c0_i32_0 : i32, i32
  }
  func.func @transform_8(%arg0: i32) -> (i32, i32) {
    %c0_i32 = arith.constant 0 : i32
    %c0_i32_0 = arith.constant 0 : i32
    %c0_i32_1 = arith.constant 0 : i32
    return %c0_i32, %c0_i32_0 : i32, i32
  }
  func.func @transform_9(%arg0: i32) -> (i32, i32) {
    %c0_i32 = arith.constant 0 : i32
    %c0_i32_0 = arith.constant 0 : i32
    %c0_i32_1 = arith.constant 0 : i32
    return %c0_i32, %c0_i32_0 : i32, i32
  }
  func.func @transform_10(%arg0: i32) -> (i32, i32) {
    %c0_i32 = arith.constant 0 : i32
    %c0_i32_0 = arith.constant 0 : i32
    %c0_i32_1 = arith.constant 0 : i32
    return %c0_i32, %c0_i32_0 : i32, i32
  }
  func.func @transform_11(%arg0: i32) -> (i32, i32) {
    %c0_i32 = arith.constant 0 : i32
    %c0_i32_0 = arith.constant 0 : i32
    %c0_i32_1 = arith.constant 0 : i32
    return %c0_i32, %c0_i32_0 : i32, i32
  }
  func.func @transform_12(%arg0: i32) -> (i32, i32) {
    %c0_i32 = arith.constant 0 : i32
    %c0_i32_0 = arith.constant 0 : i32
    return %arg0, %c0_i32 : i32, i32
  }
  func.func @transform_13(%arg0: i32) -> (i32, i32) {
    %c0_i32 = arith.constant 0 : i32
    %c0_i32_0 = arith.constant 0 : i32
    return %arg0, %c0_i32 : i32, i32
  }
}

module attributes {stable_mosaic.version = 14 : i64} {
  func.func @_eigh3_body(%arg0: i32, %arg1: memref<6x112x128xf32, #tpu.memory_space<vmem>>, %arg2: memref<3x112x128xf32, #tpu.memory_space<vmem>>) attributes {dimension_semantics = [#tpu.dimension_semantics<arbitrary>], iteration_bounds = array<i64: 7>, scalar_prefetch = 0 : i64, scratch_operands = 0 : i64, tpu.core_type = #tpu.core_type<tc>, window_params = [{transform_indices = @transform_0, window_bounds = array<i64: 6, 112, 128>}, {transform_indices = @transform_1, window_bounds = array<i64: 3, 112, 128>}]} {
    %get3A = arith.constant 0 : index
    %get3A_0 = arith.constant 0 : index
    %get3A_1 = arith.constant 0 : index
    %get3A_2 = vector.load %arg1[%get3A, %get3A_0, %get3A_1] : memref<6x112x128xf32, #tpu.memory_space<vmem>>, vector<1x112x128xf32>
    %get3A_3 = vector.shape_cast %get3A_2 : vector<1x112x128xf32> to vector<112x128xf32>
    %get3A_4 = arith.constant 1 : index
    %get3A_5 = arith.constant 0 : index
    %get3A_6 = arith.constant 0 : index
    %get3A_7 = vector.load %arg1[%get3A_4, %get3A_5, %get3A_6] : memref<6x112x128xf32, #tpu.memory_space<vmem>>, vector<1x112x128xf32>
    %get3A_8 = vector.shape_cast %get3A_7 : vector<1x112x128xf32> to vector<112x128xf32>
    %get3A_9 = arith.constant 2 : index
    %get3A_10 = arith.constant 0 : index
    %get3A_11 = arith.constant 0 : index
    %get3A_12 = vector.load %arg1[%get3A_9, %get3A_10, %get3A_11] : memref<6x112x128xf32, #tpu.memory_space<vmem>>, vector<1x112x128xf32>
    %get3A_13 = vector.shape_cast %get3A_12 : vector<1x112x128xf32> to vector<112x128xf32>
    %get3A_14 = arith.constant 3 : index
    %get3A_15 = arith.constant 0 : index
    %get3A_16 = arith.constant 0 : index
    %get3A_17 = vector.load %arg1[%get3A_14, %get3A_15, %get3A_16] : memref<6x112x128xf32, #tpu.memory_space<vmem>>, vector<1x112x128xf32>
    %get3A_18 = vector.shape_cast %get3A_17 : vector<1x112x128xf32> to vector<112x128xf32>
    %get3A_19 = arith.constant 4 : index
    %get3A_20 = arith.constant 0 : index
    %get3A_21 = arith.constant 0 : index
    %get3A_22 = vector.load %arg1[%get3A_19, %get3A_20, %get3A_21] : memref<6x112x128xf32, #tpu.memory_space<vmem>>, vector<1x112x128xf32>
    %get3A_23 = vector.shape_cast %get3A_22 : vector<1x112x128xf32> to vector<112x128xf32>
    %get3A_24 = arith.constant 5 : index
    %get3A_25 = arith.constant 0 : index
    %get3A_26 = arith.constant 0 : index
    %get3A_27 = vector.load %arg1[%get3A_24, %get3A_25, %get3A_26] : memref<6x112x128xf32, #tpu.memory_space<vmem>>, vector<1x112x128xf32>
    %get3A_28 = vector.shape_cast %get3A_27 : vector<1x112x128xf32> to vector<112x128xf32>
    %broadcast_in_dim3A = arith.constant 1.000000e+00 : f32
    %broadcast_in_dim3A_29 = vector.broadcast %broadcast_in_dim3A : f32 to vector<112x128xf32>
    %broadcast_in_dim3A_30 = arith.constant 0.000000e+00 : f32
    %broadcast_in_dim3A_31 = vector.broadcast %broadcast_in_dim3A_30 : f32 to vector<112x128xf32>
    %ne3A = arith.constant 0.000000e+00 : f32
    %ne3A_32 = vector.broadcast %ne3A : f32 to vector<112x128xf32>
    %ne3A_33 = arith.cmpf one, %get3A_13, %ne3A_32 : vector<112x128xf32>
    %jit3A = arith.constant 1.000000e+00 : f32
    %broadcast_in_dim3A_34 = vector.broadcast %jit3A : f32 to vector<112x128xf32>
    %select_n3A = arith.select %ne3A_33, %get3A_13, %broadcast_in_dim3A_34 : vector<112x128xi1>, vector<112x128xf32>
    %sub3A = arith.subf %get3A_28, %get3A_3 : vector<112x128xf32>
    %mul3A = arith.constant 2.000000e+00 : f32
    %mul3A_35 = vector.broadcast %mul3A : f32 to vector<112x128xf32>
    %mul3A_36 = arith.mulf %mul3A_35, %select_n3A : vector<112x128xf32>
    %div3A = arith.divf %sub3A, %mul3A_36 : vector<112x128xf32>
    %mul3A_37 = arith.mulf %div3A, %div3A : vector<112x128xf32>
    %add3A = arith.constant 1.000000e+00 : f32
    %add3A_38 = vector.broadcast %add3A : f32 to vector<112x128xf32>
    %add3A_39 = arith.addf %add3A_38, %mul3A_37 : vector<112x128xf32>
    %sqrt3A = math.sqrt %add3A_39 : vector<112x128xf32>
    %ge3A = arith.constant 0.000000e+00 : f32
    %ge3A_40 = vector.broadcast %ge3A : f32 to vector<112x128xf32>
    %ge3A_41 = arith.cmpf oge, %div3A, %ge3A_40 : vector<112x128xf32>
    %add3A_42 = arith.addf %div3A, %sqrt3A : vector<112x128xf32>
    %div3A_43 = arith.constant 1.000000e+00 : f32
    %div3A_44 = vector.broadcast %div3A_43 : f32 to vector<112x128xf32>
    %div3A_45 = arith.divf %div3A_44, %add3A_42 : vector<112x128xf32>
    %sub3A_46 = arith.subf %div3A, %sqrt3A : vector<112x128xf32>
    %div3A_47 = arith.constant 1.000000e+00 : f32
    %div3A_48 = vector.broadcast %div3A_47 : f32 to vector<112x128xf32>
    %div3A_49 = arith.divf %div3A_48, %sub3A_46 : vector<112x128xf32>
    %select_n3A_50 = arith.select %ge3A_41, %div3A_45, %div3A_49 : vector<112x128xi1>, vector<112x128xf32>
    %mul3A_51 = arith.mulf %select_n3A_50, %select_n3A_50 : vector<112x128xf32>
    %add3A_52 = arith.constant 1.000000e+00 : f32
    %add3A_53 = vector.broadcast %add3A_52 : f32 to vector<112x128xf32>
    %add3A_54 = arith.addf %add3A_53, %mul3A_51 : vector<112x128xf32>
    %sqrt3A_55 = math.sqrt %add3A_54 : vector<112x128xf32>
    %div3A_56 = arith.constant 1.000000e+00 : f32
    %div3A_57 = vector.broadcast %div3A_56 : f32 to vector<112x128xf32>
    %div3A_58 = arith.divf %div3A_57, %sqrt3A_55 : vector<112x128xf32>
    %mul3A_59 = arith.mulf %select_n3A_50, %div3A_58 : vector<112x128xf32>
    %jit3A_60 = arith.constant 1.000000e+00 : f32
    %broadcast_in_dim3A_61 = vector.broadcast %jit3A_60 : f32 to vector<112x128xf32>
    %select_n3A_62 = arith.select %ne3A_33, %div3A_58, %broadcast_in_dim3A_61 : vector<112x128xi1>, vector<112x128xf32>
    %jit3A_63 = arith.constant 0.000000e+00 : f32
    %broadcast_in_dim3A_64 = vector.broadcast %jit3A_63 : f32 to vector<112x128xf32>
    %select_n3A_65 = arith.select %ne3A_33, %mul3A_59, %broadcast_in_dim3A_64 : vector<112x128xi1>, vector<112x128xf32>
    %mul3A_66 = arith.mulf %select_n3A_62, %get3A_3 : vector<112x128xf32>
    %mul3A_67 = arith.mulf %select_n3A_65, %get3A_13 : vector<112x128xf32>
    %sub3A_68 = arith.subf %mul3A_66, %mul3A_67 : vector<112x128xf32>
    %mul3A_69 = arith.mulf %select_n3A_62, %sub3A_68 : vector<112x128xf32>
    %mul3A_70 = arith.mulf %select_n3A_62, %get3A_13 : vector<112x128xf32>
    %mul3A_71 = arith.mulf %select_n3A_65, %get3A_28 : vector<112x128xf32>
    %sub3A_72 = arith.subf %mul3A_70, %mul3A_71 : vector<112x128xf32>
    %mul3A_73 = arith.mulf %select_n3A_65, %sub3A_72 : vector<112x128xf32>
    %sub3A_74 = arith.subf %mul3A_69, %mul3A_73 : vector<112x128xf32>
    %mul3A_75 = arith.mulf %select_n3A_65, %get3A_3 : vector<112x128xf32>
    %mul3A_76 = arith.mulf %select_n3A_62, %get3A_13 : vector<112x128xf32>
    %add3A_77 = arith.addf %mul3A_75, %mul3A_76 : vector<112x128xf32>
    %mul3A_78 = arith.mulf %select_n3A_65, %add3A_77 : vector<112x128xf32>
    %mul3A_79 = arith.mulf %select_n3A_65, %get3A_13 : vector<112x128xf32>
    %mul3A_80 = arith.mulf %select_n3A_62, %get3A_28 : vector<112x128xf32>
    %add3A_81 = arith.addf %mul3A_79, %mul3A_80 : vector<112x128xf32>
    %mul3A_82 = arith.mulf %select_n3A_62, %add3A_81 : vector<112x128xf32>
    %add3A_83 = arith.addf %mul3A_78, %mul3A_82 : vector<112x128xf32>
    %mul3A_84 = arith.mulf %select_n3A_65, %get3A_3 : vector<112x128xf32>
    %mul3A_85 = arith.mulf %select_n3A_62, %get3A_13 : vector<112x128xf32>
    %add3A_86 = arith.addf %mul3A_84, %mul3A_85 : vector<112x128xf32>
    %mul3A_87 = arith.mulf %select_n3A_62, %add3A_86 : vector<112x128xf32>
    %mul3A_88 = arith.mulf %select_n3A_65, %get3A_13 : vector<112x128xf32>
    %mul3A_89 = arith.mulf %select_n3A_62, %get3A_28 : vector<112x128xf32>
    %add3A_90 = arith.addf %mul3A_88, %mul3A_89 : vector<112x128xf32>
    %mul3A_91 = arith.mulf %select_n3A_65, %add3A_90 : vector<112x128xf32>
    %sub3A_92 = arith.subf %mul3A_87, %mul3A_91 : vector<112x128xf32>
    %mul3A_93 = arith.mulf %select_n3A_62, %get3A_8 : vector<112x128xf32>
    %mul3A_94 = arith.mulf %select_n3A_65, %get3A_23 : vector<112x128xf32>
    %sub3A_95 = arith.subf %mul3A_93, %mul3A_94 : vector<112x128xf32>
    %mul3A_96 = arith.mulf %select_n3A_65, %get3A_8 : vector<112x128xf32>
    %mul3A_97 = arith.mulf %select_n3A_62, %get3A_23 : vector<112x128xf32>
    %add3A_98 = arith.addf %mul3A_96, %mul3A_97 : vector<112x128xf32>
    %mul3A_99 = arith.mulf %select_n3A_62, %broadcast_in_dim3A_29 : vector<112x128xf32>
    %mul3A_100 = arith.mulf %select_n3A_65, %broadcast_in_dim3A_31 : vector<112x128xf32>
    %sub3A_101 = arith.subf %mul3A_99, %mul3A_100 : vector<112x128xf32>
    %mul3A_102 = arith.mulf %select_n3A_65, %broadcast_in_dim3A_29 : vector<112x128xf32>
    %mul3A_103 = arith.mulf %select_n3A_62, %broadcast_in_dim3A_31 : vector<112x128xf32>
    %add3A_104 = arith.addf %mul3A_102, %mul3A_103 : vector<112x128xf32>
    %mul3A_105 = arith.mulf %select_n3A_62, %broadcast_in_dim3A_31 : vector<112x128xf32>
    %mul3A_106 = arith.mulf %select_n3A_65, %broadcast_in_dim3A_31 : vector<112x128xf32>
    %sub3A_107 = arith.subf %mul3A_105, %mul3A_106 : vector<112x128xf32>
    %mul3A_108 = arith.mulf %select_n3A_65, %broadcast_in_dim3A_31 : vector<112x128xf32>
    %mul3A_109 = arith.mulf %select_n3A_62, %broadcast_in_dim3A_31 : vector<112x128xf32>
    %add3A_110 = arith.addf %mul3A_108, %mul3A_109 : vector<112x128xf32>
    %mul3A_111 = arith.mulf %select_n3A_62, %broadcast_in_dim3A_31 : vector<112x128xf32>
    %mul3A_112 = arith.mulf %select_n3A_65, %broadcast_in_dim3A_29 : vector<112x128xf32>
    %sub3A_113 = arith.subf %mul3A_111, %mul3A_112 : vector<112x128xf32>
    %mul3A_114 = arith.mulf %select_n3A_65, %broadcast_in_dim3A_31 : vector<112x128xf32>
    %mul3A_115 = arith.mulf %select_n3A_62, %broadcast_in_dim3A_29 : vector<112x128xf32>
    %add3A_116 = arith.addf %mul3A_114, %mul3A_115 : vector<112x128xf32>
    %ne3A_117 = arith.constant 0.000000e+00 : f32
    %ne3A_118 = vector.broadcast %ne3A_117 : f32 to vector<112x128xf32>
    %ne3A_119 = arith.cmpf one, %add3A_98, %ne3A_118 : vector<112x128xf32>
    %jit3A_120 = arith.constant 1.000000e+00 : f32
    %broadcast_in_dim3A_121 = vector.broadcast %jit3A_120 : f32 to vector<112x128xf32>
    %select_n3A_122 = arith.select %ne3A_119, %add3A_98, %broadcast_in_dim3A_121 : vector<112x128xi1>, vector<112x128xf32>
    %sub3A_123 = arith.subf %add3A_83, %get3A_18 : vector<112x128xf32>
    %mul3A_124 = arith.constant 2.000000e+00 : f32
    %mul3A_125 = vector.broadcast %mul3A_124 : f32 to vector<112x128xf32>
    %mul3A_126 = arith.mulf %mul3A_125, %select_n3A_122 : vector<112x128xf32>
    %div3A_127 = arith.divf %sub3A_123, %mul3A_126 : vector<112x128xf32>
    %mul3A_128 = arith.mulf %div3A_127, %div3A_127 : vector<112x128xf32>
    %add3A_129 = arith.constant 1.000000e+00 : f32
    %add3A_130 = vector.broadcast %add3A_129 : f32 to vector<112x128xf32>
    %add3A_131 = arith.addf %add3A_130, %mul3A_128 : vector<112x128xf32>
    %sqrt3A_132 = math.sqrt %add3A_131 : vector<112x128xf32>
    %ge3A_133 = arith.constant 0.000000e+00 : f32
    %ge3A_134 = vector.broadcast %ge3A_133 : f32 to vector<112x128xf32>
    %ge3A_135 = arith.cmpf oge, %div3A_127, %ge3A_134 : vector<112x128xf32>
    %add3A_136 = arith.addf %div3A_127, %sqrt3A_132 : vector<112x128xf32>
    %div3A_137 = arith.constant 1.000000e+00 : f32
    %div3A_138 = vector.broadcast %div3A_137 : f32 to vector<112x128xf32>
    %div3A_139 = arith.divf %div3A_138, %add3A_136 : vector<112x128xf32>
    %sub3A_140 = arith.subf %div3A_127, %sqrt3A_132 : vector<112x128xf32>
    %div3A_141 = arith.constant 1.000000e+00 : f32
    %div3A_142 = vector.broadcast %div3A_141 : f32 to vector<112x128xf32>
    %div3A_143 = arith.divf %div3A_142, %sub3A_140 : vector<112x128xf32>
    %select_n3A_144 = arith.select %ge3A_135, %div3A_139, %div3A_143 : vector<112x128xi1>, vector<112x128xf32>
    %mul3A_145 = arith.mulf %select_n3A_144, %select_n3A_144 : vector<112x128xf32>
    %add3A_146 = arith.constant 1.000000e+00 : f32
    %add3A_147 = vector.broadcast %add3A_146 : f32 to vector<112x128xf32>
    %add3A_148 = arith.addf %add3A_147, %mul3A_145 : vector<112x128xf32>
    %sqrt3A_149 = math.sqrt %add3A_148 : vector<112x128xf32>
    %div3A_150 = arith.constant 1.000000e+00 : f32
    %div3A_151 = vector.broadcast %div3A_150 : f32 to vector<112x128xf32>
    %div3A_152 = arith.divf %div3A_151, %sqrt3A_149 : vector<112x128xf32>
    %mul3A_153 = arith.mulf %select_n3A_144, %div3A_152 : vector<112x128xf32>
    %jit3A_154 = arith.constant 1.000000e+00 : f32
    %broadcast_in_dim3A_155 = vector.broadcast %jit3A_154 : f32 to vector<112x128xf32>
    %select_n3A_156 = arith.select %ne3A_119, %div3A_152, %broadcast_in_dim3A_155 : vector<112x128xi1>, vector<112x128xf32>
    %jit3A_157 = arith.constant 0.000000e+00 : f32
    %broadcast_in_dim3A_158 = vector.broadcast %jit3A_157 : f32 to vector<112x128xf32>
    %select_n3A_159 = arith.select %ne3A_119, %mul3A_153, %broadcast_in_dim3A_158 : vector<112x128xi1>, vector<112x128xf32>
    %mul3A_160 = arith.mulf %select_n3A_156, %get3A_18 : vector<112x128xf32>
    %mul3A_161 = arith.mulf %select_n3A_159, %add3A_98 : vector<112x128xf32>
    %sub3A_162 = arith.subf %mul3A_160, %mul3A_161 : vector<112x128xf32>
    %mul3A_163 = arith.mulf %select_n3A_156, %sub3A_162 : vector<112x128xf32>
    %mul3A_164 = arith.mulf %select_n3A_156, %add3A_98 : vector<112x128xf32>
    %mul3A_165 = arith.mulf %select_n3A_159, %add3A_83 : vector<112x128xf32>
    %sub3A_166 = arith.subf %mul3A_164, %mul3A_165 : vector<112x128xf32>
    %mul3A_167 = arith.mulf %select_n3A_159, %sub3A_166 : vector<112x128xf32>
    %sub3A_168 = arith.subf %mul3A_163, %mul3A_167 : vector<112x128xf32>
    %mul3A_169 = arith.mulf %select_n3A_159, %get3A_18 : vector<112x128xf32>
    %mul3A_170 = arith.mulf %select_n3A_156, %add3A_98 : vector<112x128xf32>
    %add3A_171 = arith.addf %mul3A_169, %mul3A_170 : vector<112x128xf32>
    %mul3A_172 = arith.mulf %select_n3A_159, %add3A_171 : vector<112x128xf32>
    %mul3A_173 = arith.mulf %select_n3A_159, %add3A_98 : vector<112x128xf32>
    %mul3A_174 = arith.mulf %select_n3A_156, %add3A_83 : vector<112x128xf32>
    %add3A_175 = arith.addf %mul3A_173, %mul3A_174 : vector<112x128xf32>
    %mul3A_176 = arith.mulf %select_n3A_156, %add3A_175 : vector<112x128xf32>
    %add3A_177 = arith.addf %mul3A_172, %mul3A_176 : vector<112x128xf32>
    %mul3A_178 = arith.mulf %select_n3A_159, %get3A_18 : vector<112x128xf32>
    %mul3A_179 = arith.mulf %select_n3A_156, %add3A_98 : vector<112x128xf32>
    %add3A_180 = arith.addf %mul3A_178, %mul3A_179 : vector<112x128xf32>
    %mul3A_181 = arith.mulf %select_n3A_156, %add3A_180 : vector<112x128xf32>
    %mul3A_182 = arith.mulf %select_n3A_159, %add3A_98 : vector<112x128xf32>
    %mul3A_183 = arith.mulf %select_n3A_156, %add3A_83 : vector<112x128xf32>
    %add3A_184 = arith.addf %mul3A_182, %mul3A_183 : vector<112x128xf32>
    %mul3A_185 = arith.mulf %select_n3A_159, %add3A_184 : vector<112x128xf32>
    %sub3A_186 = arith.subf %mul3A_181, %mul3A_185 : vector<112x128xf32>
    %mul3A_187 = arith.mulf %select_n3A_156, %sub3A_95 : vector<112x128xf32>
    %mul3A_188 = arith.mulf %select_n3A_159, %sub3A_92 : vector<112x128xf32>
    %sub3A_189 = arith.subf %mul3A_187, %mul3A_188 : vector<112x128xf32>
    %mul3A_190 = arith.mulf %select_n3A_159, %sub3A_95 : vector<112x128xf32>
    %mul3A_191 = arith.mulf %select_n3A_156, %sub3A_92 : vector<112x128xf32>
    %add3A_192 = arith.addf %mul3A_190, %mul3A_191 : vector<112x128xf32>
    %mul3A_193 = arith.mulf %select_n3A_156, %broadcast_in_dim3A_31 : vector<112x128xf32>
    %mul3A_194 = arith.mulf %select_n3A_159, %add3A_104 : vector<112x128xf32>
    %sub3A_195 = arith.subf %mul3A_193, %mul3A_194 : vector<112x128xf32>
    %mul3A_196 = arith.mulf %select_n3A_159, %broadcast_in_dim3A_31 : vector<112x128xf32>
    %mul3A_197 = arith.mulf %select_n3A_156, %add3A_104 : vector<112x128xf32>
    %add3A_198 = arith.addf %mul3A_196, %mul3A_197 : vector<112x128xf32>
    %mul3A_199 = arith.mulf %select_n3A_156, %broadcast_in_dim3A_29 : vector<112x128xf32>
    %mul3A_200 = arith.mulf %select_n3A_159, %add3A_110 : vector<112x128xf32>
    %sub3A_201 = arith.subf %mul3A_199, %mul3A_200 : vector<112x128xf32>
    %mul3A_202 = arith.mulf %select_n3A_159, %broadcast_in_dim3A_29 : vector<112x128xf32>
    %mul3A_203 = arith.mulf %select_n3A_156, %add3A_110 : vector<112x128xf32>
    %add3A_204 = arith.addf %mul3A_202, %mul3A_203 : vector<112x128xf32>
    %mul3A_205 = arith.mulf %select_n3A_156, %broadcast_in_dim3A_31 : vector<112x128xf32>
    %mul3A_206 = arith.mulf %select_n3A_159, %add3A_116 : vector<112x128xf32>
    %sub3A_207 = arith.subf %mul3A_205, %mul3A_206 : vector<112x128xf32>
    %mul3A_208 = arith.mulf %select_n3A_159, %broadcast_in_dim3A_31 : vector<112x128xf32>
    %mul3A_209 = arith.mulf %select_n3A_156, %add3A_116 : vector<112x128xf32>
    %add3A_210 = arith.addf %mul3A_208, %mul3A_209 : vector<112x128xf32>
    %ne3A_211 = arith.constant 0.000000e+00 : f32
    %ne3A_212 = vector.broadcast %ne3A_211 : f32 to vector<112x128xf32>
    %ne3A_213 = arith.cmpf one, %sub3A_189, %ne3A_212 : vector<112x128xf32>
    %jit3A_214 = arith.constant 1.000000e+00 : f32
    %broadcast_in_dim3A_215 = vector.broadcast %jit3A_214 : f32 to vector<112x128xf32>
    %select_n3A_216 = arith.select %ne3A_213, %sub3A_189, %broadcast_in_dim3A_215 : vector<112x128xi1>, vector<112x128xf32>
    %sub3A_217 = arith.subf %sub3A_168, %sub3A_74 : vector<112x128xf32>
    %mul3A_218 = arith.constant 2.000000e+00 : f32
    %mul3A_219 = vector.broadcast %mul3A_218 : f32 to vector<112x128xf32>
    %mul3A_220 = arith.mulf %mul3A_219, %select_n3A_216 : vector<112x128xf32>
    %div3A_221 = arith.divf %sub3A_217, %mul3A_220 : vector<112x128xf32>
    %mul3A_222 = arith.mulf %div3A_221, %div3A_221 : vector<112x128xf32>
    %add3A_223 = arith.constant 1.000000e+00 : f32
    %add3A_224 = vector.broadcast %add3A_223 : f32 to vector<112x128xf32>
    %add3A_225 = arith.addf %add3A_224, %mul3A_222 : vector<112x128xf32>
    %sqrt3A_226 = math.sqrt %add3A_225 : vector<112x128xf32>
    %ge3A_227 = arith.constant 0.000000e+00 : f32
    %ge3A_228 = vector.broadcast %ge3A_227 : f32 to vector<112x128xf32>
    %ge3A_229 = arith.cmpf oge, %div3A_221, %ge3A_228 : vector<112x128xf32>
    %add3A_230 = arith.addf %div3A_221, %sqrt3A_226 : vector<112x128xf32>
    %div3A_231 = arith.constant 1.000000e+00 : f32
    %div3A_232 = vector.broadcast %div3A_231 : f32 to vector<112x128xf32>
    %div3A_233 = arith.divf %div3A_232, %add3A_230 : vector<112x128xf32>
    %sub3A_234 = arith.subf %div3A_221, %sqrt3A_226 : vector<112x128xf32>
    %div3A_235 = arith.constant 1.000000e+00 : f32
    %div3A_236 = vector.broadcast %div3A_235 : f32 to vector<112x128xf32>
    %div3A_237 = arith.divf %div3A_236, %sub3A_234 : vector<112x128xf32>
    %select_n3A_238 = arith.select %ge3A_229, %div3A_233, %div3A_237 : vector<112x128xi1>, vector<112x128xf32>
    %mul3A_239 = arith.mulf %select_n3A_238, %select_n3A_238 : vector<112x128xf32>
    %add3A_240 = arith.constant 1.000000e+00 : f32
    %add3A_241 = vector.broadcast %add3A_240 : f32 to vector<112x128xf32>
    %add3A_242 = arith.addf %add3A_241, %mul3A_239 : vector<112x128xf32>
    %sqrt3A_243 = math.sqrt %add3A_242 : vector<112x128xf32>
    %div3A_244 = arith.constant 1.000000e+00 : f32
    %div3A_245 = vector.broadcast %div3A_244 : f32 to vector<112x128xf32>
    %div3A_246 = arith.divf %div3A_245, %sqrt3A_243 : vector<112x128xf32>
    %mul3A_247 = arith.mulf %select_n3A_238, %div3A_246 : vector<112x128xf32>
    %jit3A_248 = arith.constant 1.000000e+00 : f32
    %broadcast_in_dim3A_249 = vector.broadcast %jit3A_248 : f32 to vector<112x128xf32>
    %select_n3A_250 = arith.select %ne3A_213, %div3A_246, %broadcast_in_dim3A_249 : vector<112x128xi1>, vector<112x128xf32>
    %jit3A_251 = arith.constant 0.000000e+00 : f32
    %broadcast_in_dim3A_252 = vector.broadcast %jit3A_251 : f32 to vector<112x128xf32>
    %select_n3A_253 = arith.select %ne3A_213, %mul3A_247, %broadcast_in_dim3A_252 : vector<112x128xi1>, vector<112x128xf32>
    %mul3A_254 = arith.mulf %select_n3A_250, %sub3A_74 : vector<112x128xf32>
    %mul3A_255 = arith.mulf %select_n3A_253, %sub3A_189 : vector<112x128xf32>
    %sub3A_256 = arith.subf %mul3A_254, %mul3A_255 : vector<112x128xf32>
    %mul3A_257 = arith.mulf %select_n3A_250, %sub3A_256 : vector<112x128xf32>
    %mul3A_258 = arith.mulf %select_n3A_250, %sub3A_189 : vector<112x128xf32>
    %mul3A_259 = arith.mulf %select_n3A_253, %sub3A_168 : vector<112x128xf32>
    %sub3A_260 = arith.subf %mul3A_258, %mul3A_259 : vector<112x128xf32>
    %mul3A_261 = arith.mulf %select_n3A_253, %sub3A_260 : vector<112x128xf32>
    %sub3A_262 = arith.subf %mul3A_257, %mul3A_261 : vector<112x128xf32>
    %mul3A_263 = arith.mulf %select_n3A_253, %sub3A_74 : vector<112x128xf32>
    %mul3A_264 = arith.mulf %select_n3A_250, %sub3A_189 : vector<112x128xf32>
    %add3A_265 = arith.addf %mul3A_263, %mul3A_264 : vector<112x128xf32>
    %mul3A_266 = arith.mulf %select_n3A_253, %add3A_265 : vector<112x128xf32>
    %mul3A_267 = arith.mulf %select_n3A_253, %sub3A_189 : vector<112x128xf32>
    %mul3A_268 = arith.mulf %select_n3A_250, %sub3A_168 : vector<112x128xf32>
    %add3A_269 = arith.addf %mul3A_267, %mul3A_268 : vector<112x128xf32>
    %mul3A_270 = arith.mulf %select_n3A_250, %add3A_269 : vector<112x128xf32>
    %add3A_271 = arith.addf %mul3A_266, %mul3A_270 : vector<112x128xf32>
    %mul3A_272 = arith.mulf %select_n3A_253, %sub3A_74 : vector<112x128xf32>
    %mul3A_273 = arith.mulf %select_n3A_250, %sub3A_189 : vector<112x128xf32>
    %add3A_274 = arith.addf %mul3A_272, %mul3A_273 : vector<112x128xf32>
    %mul3A_275 = arith.mulf %select_n3A_250, %add3A_274 : vector<112x128xf32>
    %mul3A_276 = arith.mulf %select_n3A_253, %sub3A_189 : vector<112x128xf32>
    %mul3A_277 = arith.mulf %select_n3A_250, %sub3A_168 : vector<112x128xf32>
    %add3A_278 = arith.addf %mul3A_276, %mul3A_277 : vector<112x128xf32>
    %mul3A_279 = arith.mulf %select_n3A_253, %add3A_278 : vector<112x128xf32>
    %sub3A_280 = arith.subf %mul3A_275, %mul3A_279 : vector<112x128xf32>
    %mul3A_281 = arith.mulf %select_n3A_250, %add3A_192 : vector<112x128xf32>
    %mul3A_282 = arith.mulf %select_n3A_253, %sub3A_186 : vector<112x128xf32>
    %sub3A_283 = arith.subf %mul3A_281, %mul3A_282 : vector<112x128xf32>
    %mul3A_284 = arith.mulf %select_n3A_253, %add3A_192 : vector<112x128xf32>
    %mul3A_285 = arith.mulf %select_n3A_250, %sub3A_186 : vector<112x128xf32>
    %add3A_286 = arith.addf %mul3A_284, %mul3A_285 : vector<112x128xf32>
    %mul3A_287 = arith.mulf %select_n3A_250, %sub3A_101 : vector<112x128xf32>
    %mul3A_288 = arith.mulf %select_n3A_253, %sub3A_195 : vector<112x128xf32>
    %sub3A_289 = arith.subf %mul3A_287, %mul3A_288 : vector<112x128xf32>
    %mul3A_290 = arith.mulf %select_n3A_253, %sub3A_101 : vector<112x128xf32>
    %mul3A_291 = arith.mulf %select_n3A_250, %sub3A_195 : vector<112x128xf32>
    %add3A_292 = arith.addf %mul3A_290, %mul3A_291 : vector<112x128xf32>
    %mul3A_293 = arith.mulf %select_n3A_250, %sub3A_107 : vector<112x128xf32>
    %mul3A_294 = arith.mulf %select_n3A_253, %sub3A_201 : vector<112x128xf32>
    %sub3A_295 = arith.subf %mul3A_293, %mul3A_294 : vector<112x128xf32>
    %mul3A_296 = arith.mulf %select_n3A_253, %sub3A_107 : vector<112x128xf32>
    %mul3A_297 = arith.mulf %select_n3A_250, %sub3A_201 : vector<112x128xf32>
    %add3A_298 = arith.addf %mul3A_296, %mul3A_297 : vector<112x128xf32>
    %mul3A_299 = arith.mulf %select_n3A_250, %sub3A_113 : vector<112x128xf32>
    %mul3A_300 = arith.mulf %select_n3A_253, %sub3A_207 : vector<112x128xf32>
    %sub3A_301 = arith.subf %mul3A_299, %mul3A_300 : vector<112x128xf32>
    %mul3A_302 = arith.mulf %select_n3A_253, %sub3A_113 : vector<112x128xf32>
    %mul3A_303 = arith.mulf %select_n3A_250, %sub3A_207 : vector<112x128xf32>
    %add3A_304 = arith.addf %mul3A_302, %mul3A_303 : vector<112x128xf32>
    %ne3A_305 = arith.constant 0.000000e+00 : f32
    %ne3A_306 = vector.broadcast %ne3A_305 : f32 to vector<112x128xf32>
    %ne3A_307 = arith.cmpf one, %sub3A_283, %ne3A_306 : vector<112x128xf32>
    %jit3A_308 = arith.constant 1.000000e+00 : f32
    %broadcast_in_dim3A_309 = vector.broadcast %jit3A_308 : f32 to vector<112x128xf32>
    %select_n3A_310 = arith.select %ne3A_307, %sub3A_283, %broadcast_in_dim3A_309 : vector<112x128xi1>, vector<112x128xf32>
    %sub3A_311 = arith.subf %add3A_177, %sub3A_262 : vector<112x128xf32>
    %mul3A_312 = arith.constant 2.000000e+00 : f32
    %mul3A_313 = vector.broadcast %mul3A_312 : f32 to vector<112x128xf32>
    %mul3A_314 = arith.mulf %mul3A_313, %select_n3A_310 : vector<112x128xf32>
    %div3A_315 = arith.divf %sub3A_311, %mul3A_314 : vector<112x128xf32>
    %mul3A_316 = arith.mulf %div3A_315, %div3A_315 : vector<112x128xf32>
    %add3A_317 = arith.constant 1.000000e+00 : f32
    %add3A_318 = vector.broadcast %add3A_317 : f32 to vector<112x128xf32>
    %add3A_319 = arith.addf %add3A_318, %mul3A_316 : vector<112x128xf32>
    %sqrt3A_320 = math.sqrt %add3A_319 : vector<112x128xf32>
    %ge3A_321 = arith.constant 0.000000e+00 : f32
    %ge3A_322 = vector.broadcast %ge3A_321 : f32 to vector<112x128xf32>
    %ge3A_323 = arith.cmpf oge, %div3A_315, %ge3A_322 : vector<112x128xf32>
    %add3A_324 = arith.addf %div3A_315, %sqrt3A_320 : vector<112x128xf32>
    %div3A_325 = arith.constant 1.000000e+00 : f32
    %div3A_326 = vector.broadcast %div3A_325 : f32 to vector<112x128xf32>
    %div3A_327 = arith.divf %div3A_326, %add3A_324 : vector<112x128xf32>
    %sub3A_328 = arith.subf %div3A_315, %sqrt3A_320 : vector<112x128xf32>
    %div3A_329 = arith.constant 1.000000e+00 : f32
    %div3A_330 = vector.broadcast %div3A_329 : f32 to vector<112x128xf32>
    %div3A_331 = arith.divf %div3A_330, %sub3A_328 : vector<112x128xf32>
    %select_n3A_332 = arith.select %ge3A_323, %div3A_327, %div3A_331 : vector<112x128xi1>, vector<112x128xf32>
    %mul3A_333 = arith.mulf %select_n3A_332, %select_n3A_332 : vector<112x128xf32>
    %add3A_334 = arith.constant 1.000000e+00 : f32
    %add3A_335 = vector.broadcast %add3A_334 : f32 to vector<112x128xf32>
    %add3A_336 = arith.addf %add3A_335, %mul3A_333 : vector<112x128xf32>
    %sqrt3A_337 = math.sqrt %add3A_336 : vector<112x128xf32>
    %div3A_338 = arith.constant 1.000000e+00 : f32
    %div3A_339 = vector.broadcast %div3A_338 : f32 to vector<112x128xf32>
    %div3A_340 = arith.divf %div3A_339, %sqrt3A_337 : vector<112x128xf32>
    %mul3A_341 = arith.mulf %select_n3A_332, %div3A_340 : vector<112x128xf32>
    %jit3A_342 = arith.constant 1.000000e+00 : f32
    %broadcast_in_dim3A_343 = vector.broadcast %jit3A_342 : f32 to vector<112x128xf32>
    %select_n3A_344 = arith.select %ne3A_307, %div3A_340, %broadcast_in_dim3A_343 : vector<112x128xi1>, vector<112x128xf32>
    %jit3A_345 = arith.constant 0.000000e+00 : f32
    %broadcast_in_dim3A_346 = vector.broadcast %jit3A_345 : f32 to vector<112x128xf32>
    %select_n3A_347 = arith.select %ne3A_307, %mul3A_341, %broadcast_in_dim3A_346 : vector<112x128xi1>, vector<112x128xf32>
    %mul3A_348 = arith.mulf %select_n3A_344, %sub3A_262 : vector<112x128xf32>
    %mul3A_349 = arith.mulf %select_n3A_347, %sub3A_283 : vector<112x128xf32>
    %sub3A_350 = arith.subf %mul3A_348, %mul3A_349 : vector<112x128xf32>
    %mul3A_351 = arith.mulf %select_n3A_344, %sub3A_350 : vector<112x128xf32>
    %mul3A_352 = arith.mulf %select_n3A_344, %sub3A_283 : vector<112x128xf32>
    %mul3A_353 = arith.mulf %select_n3A_347, %add3A_177 : vector<112x128xf32>
    %sub3A_354 = arith.subf %mul3A_352, %mul3A_353 : vector<112x128xf32>
    %mul3A_355 = arith.mulf %select_n3A_347, %sub3A_354 : vector<112x128xf32>
    %sub3A_356 = arith.subf %mul3A_351, %mul3A_355 : vector<112x128xf32>
    %mul3A_357 = arith.mulf %select_n3A_347, %sub3A_262 : vector<112x128xf32>
    %mul3A_358 = arith.mulf %select_n3A_344, %sub3A_283 : vector<112x128xf32>
    %add3A_359 = arith.addf %mul3A_357, %mul3A_358 : vector<112x128xf32>
    %mul3A_360 = arith.mulf %select_n3A_347, %add3A_359 : vector<112x128xf32>
    %mul3A_361 = arith.mulf %select_n3A_347, %sub3A_283 : vector<112x128xf32>
    %mul3A_362 = arith.mulf %select_n3A_344, %add3A_177 : vector<112x128xf32>
    %add3A_363 = arith.addf %mul3A_361, %mul3A_362 : vector<112x128xf32>
    %mul3A_364 = arith.mulf %select_n3A_344, %add3A_363 : vector<112x128xf32>
    %add3A_365 = arith.addf %mul3A_360, %mul3A_364 : vector<112x128xf32>
    %mul3A_366 = arith.mulf %select_n3A_347, %sub3A_262 : vector<112x128xf32>
    %mul3A_367 = arith.mulf %select_n3A_344, %sub3A_283 : vector<112x128xf32>
    %add3A_368 = arith.addf %mul3A_366, %mul3A_367 : vector<112x128xf32>
    %mul3A_369 = arith.mulf %select_n3A_344, %add3A_368 : vector<112x128xf32>
    %mul3A_370 = arith.mulf %select_n3A_347, %sub3A_283 : vector<112x128xf32>
    %mul3A_371 = arith.mulf %select_n3A_344, %add3A_177 : vector<112x128xf32>
    %add3A_372 = arith.addf %mul3A_370, %mul3A_371 : vector<112x128xf32>
    %mul3A_373 = arith.mulf %select_n3A_347, %add3A_372 : vector<112x128xf32>
    %sub3A_374 = arith.subf %mul3A_369, %mul3A_373 : vector<112x128xf32>
    %mul3A_375 = arith.mulf %select_n3A_344, %sub3A_280 : vector<112x128xf32>
    %mul3A_376 = arith.mulf %select_n3A_347, %add3A_286 : vector<112x128xf32>
    %sub3A_377 = arith.subf %mul3A_375, %mul3A_376 : vector<112x128xf32>
    %mul3A_378 = arith.mulf %select_n3A_347, %sub3A_280 : vector<112x128xf32>
    %mul3A_379 = arith.mulf %select_n3A_344, %add3A_286 : vector<112x128xf32>
    %add3A_380 = arith.addf %mul3A_378, %mul3A_379 : vector<112x128xf32>
    %mul3A_381 = arith.mulf %select_n3A_344, %sub3A_289 : vector<112x128xf32>
    %mul3A_382 = arith.mulf %select_n3A_347, %add3A_198 : vector<112x128xf32>
    %sub3A_383 = arith.subf %mul3A_381, %mul3A_382 : vector<112x128xf32>
    %mul3A_384 = arith.mulf %select_n3A_347, %sub3A_289 : vector<112x128xf32>
    %mul3A_385 = arith.mulf %select_n3A_344, %add3A_198 : vector<112x128xf32>
    %add3A_386 = arith.addf %mul3A_384, %mul3A_385 : vector<112x128xf32>
    %mul3A_387 = arith.mulf %select_n3A_344, %sub3A_295 : vector<112x128xf32>
    %mul3A_388 = arith.mulf %select_n3A_347, %add3A_204 : vector<112x128xf32>
    %sub3A_389 = arith.subf %mul3A_387, %mul3A_388 : vector<112x128xf32>
    %mul3A_390 = arith.mulf %select_n3A_347, %sub3A_295 : vector<112x128xf32>
    %mul3A_391 = arith.mulf %select_n3A_344, %add3A_204 : vector<112x128xf32>
    %add3A_392 = arith.addf %mul3A_390, %mul3A_391 : vector<112x128xf32>
    %mul3A_393 = arith.mulf %select_n3A_344, %sub3A_301 : vector<112x128xf32>
    %mul3A_394 = arith.mulf %select_n3A_347, %add3A_210 : vector<112x128xf32>
    %sub3A_395 = arith.subf %mul3A_393, %mul3A_394 : vector<112x128xf32>
    %mul3A_396 = arith.mulf %select_n3A_347, %sub3A_301 : vector<112x128xf32>
    %mul3A_397 = arith.mulf %select_n3A_344, %add3A_210 : vector<112x128xf32>
    %add3A_398 = arith.addf %mul3A_396, %mul3A_397 : vector<112x128xf32>
    %ne3A_399 = arith.constant 0.000000e+00 : f32
    %ne3A_400 = vector.broadcast %ne3A_399 : f32 to vector<112x128xf32>
    %ne3A_401 = arith.cmpf one, %add3A_380, %ne3A_400 : vector<112x128xf32>
    %jit3A_402 = arith.constant 1.000000e+00 : f32
    %broadcast_in_dim3A_403 = vector.broadcast %jit3A_402 : f32 to vector<112x128xf32>
    %select_n3A_404 = arith.select %ne3A_401, %add3A_380, %broadcast_in_dim3A_403 : vector<112x128xi1>, vector<112x128xf32>
    %sub3A_405 = arith.subf %add3A_365, %add3A_271 : vector<112x128xf32>
    %mul3A_406 = arith.constant 2.000000e+00 : f32
    %mul3A_407 = vector.broadcast %mul3A_406 : f32 to vector<112x128xf32>
    %mul3A_408 = arith.mulf %mul3A_407, %select_n3A_404 : vector<112x128xf32>
    %div3A_409 = arith.divf %sub3A_405, %mul3A_408 : vector<112x128xf32>
    %mul3A_410 = arith.mulf %div3A_409, %div3A_409 : vector<112x128xf32>
    %add3A_411 = arith.constant 1.000000e+00 : f32
    %add3A_412 = vector.broadcast %add3A_411 : f32 to vector<112x128xf32>
    %add3A_413 = arith.addf %add3A_412, %mul3A_410 : vector<112x128xf32>
    %sqrt3A_414 = math.sqrt %add3A_413 : vector<112x128xf32>
    %ge3A_415 = arith.constant 0.000000e+00 : f32
    %ge3A_416 = vector.broadcast %ge3A_415 : f32 to vector<112x128xf32>
    %ge3A_417 = arith.cmpf oge, %div3A_409, %ge3A_416 : vector<112x128xf32>
    %add3A_418 = arith.addf %div3A_409, %sqrt3A_414 : vector<112x128xf32>
    %div3A_419 = arith.constant 1.000000e+00 : f32
    %div3A_420 = vector.broadcast %div3A_419 : f32 to vector<112x128xf32>
    %div3A_421 = arith.divf %div3A_420, %add3A_418 : vector<112x128xf32>
    %sub3A_422 = arith.subf %div3A_409, %sqrt3A_414 : vector<112x128xf32>
    %div3A_423 = arith.constant 1.000000e+00 : f32
    %div3A_424 = vector.broadcast %div3A_423 : f32 to vector<112x128xf32>
    %div3A_425 = arith.divf %div3A_424, %sub3A_422 : vector<112x128xf32>
    %select_n3A_426 = arith.select %ge3A_417, %div3A_421, %div3A_425 : vector<112x128xi1>, vector<112x128xf32>
    %mul3A_427 = arith.mulf %select_n3A_426, %select_n3A_426 : vector<112x128xf32>
    %add3A_428 = arith.constant 1.000000e+00 : f32
    %add3A_429 = vector.broadcast %add3A_428 : f32 to vector<112x128xf32>
    %add3A_430 = arith.addf %add3A_429, %mul3A_427 : vector<112x128xf32>
    %sqrt3A_431 = math.sqrt %add3A_430 : vector<112x128xf32>
    %div3A_432 = arith.constant 1.000000e+00 : f32
    %div3A_433 = vector.broadcast %div3A_432 : f32 to vector<112x128xf32>
    %div3A_434 = arith.divf %div3A_433, %sqrt3A_431 : vector<112x128xf32>
    %mul3A_435 = arith.mulf %select_n3A_426, %div3A_434 : vector<112x128xf32>
    %jit3A_436 = arith.constant 1.000000e+00 : f32
    %broadcast_in_dim3A_437 = vector.broadcast %jit3A_436 : f32 to vector<112x128xf32>
    %select_n3A_438 = arith.select %ne3A_401, %div3A_434, %broadcast_in_dim3A_437 : vector<112x128xi1>, vector<112x128xf32>
    %jit3A_439 = arith.constant 0.000000e+00 : f32
    %broadcast_in_dim3A_440 = vector.broadcast %jit3A_439 : f32 to vector<112x128xf32>
    %select_n3A_441 = arith.select %ne3A_401, %mul3A_435, %broadcast_in_dim3A_440 : vector<112x128xi1>, vector<112x128xf32>
    %mul3A_442 = arith.mulf %select_n3A_438, %add3A_271 : vector<112x128xf32>
    %mul3A_443 = arith.mulf %select_n3A_441, %add3A_380 : vector<112x128xf32>
    %sub3A_444 = arith.subf %mul3A_442, %mul3A_443 : vector<112x128xf32>
    %mul3A_445 = arith.mulf %select_n3A_438, %sub3A_444 : vector<112x128xf32>
    %mul3A_446 = arith.mulf %select_n3A_438, %add3A_380 : vector<112x128xf32>
    %mul3A_447 = arith.mulf %select_n3A_441, %add3A_365 : vector<112x128xf32>
    %sub3A_448 = arith.subf %mul3A_446, %mul3A_447 : vector<112x128xf32>
    %mul3A_449 = arith.mulf %select_n3A_441, %sub3A_448 : vector<112x128xf32>
    %sub3A_450 = arith.subf %mul3A_445, %mul3A_449 : vector<112x128xf32>
    %mul3A_451 = arith.mulf %select_n3A_441, %add3A_271 : vector<112x128xf32>
    %mul3A_452 = arith.mulf %select_n3A_438, %add3A_380 : vector<112x128xf32>
    %add3A_453 = arith.addf %mul3A_451, %mul3A_452 : vector<112x128xf32>
    %mul3A_454 = arith.mulf %select_n3A_441, %add3A_453 : vector<112x128xf32>
    %mul3A_455 = arith.mulf %select_n3A_441, %add3A_380 : vector<112x128xf32>
    %mul3A_456 = arith.mulf %select_n3A_438, %add3A_365 : vector<112x128xf32>
    %add3A_457 = arith.addf %mul3A_455, %mul3A_456 : vector<112x128xf32>
    %mul3A_458 = arith.mulf %select_n3A_438, %add3A_457 : vector<112x128xf32>
    %add3A_459 = arith.addf %mul3A_454, %mul3A_458 : vector<112x128xf32>
    %mul3A_460 = arith.mulf %select_n3A_441, %add3A_271 : vector<112x128xf32>
    %mul3A_461 = arith.mulf %select_n3A_438, %add3A_380 : vector<112x128xf32>
    %add3A_462 = arith.addf %mul3A_460, %mul3A_461 : vector<112x128xf32>
    %mul3A_463 = arith.mulf %select_n3A_438, %add3A_462 : vector<112x128xf32>
    %mul3A_464 = arith.mulf %select_n3A_441, %add3A_380 : vector<112x128xf32>
    %mul3A_465 = arith.mulf %select_n3A_438, %add3A_365 : vector<112x128xf32>
    %add3A_466 = arith.addf %mul3A_464, %mul3A_465 : vector<112x128xf32>
    %mul3A_467 = arith.mulf %select_n3A_441, %add3A_466 : vector<112x128xf32>
    %sub3A_468 = arith.subf %mul3A_463, %mul3A_467 : vector<112x128xf32>
    %mul3A_469 = arith.mulf %select_n3A_438, %sub3A_377 : vector<112x128xf32>
    %mul3A_470 = arith.mulf %select_n3A_441, %sub3A_374 : vector<112x128xf32>
    %sub3A_471 = arith.subf %mul3A_469, %mul3A_470 : vector<112x128xf32>
    %mul3A_472 = arith.mulf %select_n3A_441, %sub3A_377 : vector<112x128xf32>
    %mul3A_473 = arith.mulf %select_n3A_438, %sub3A_374 : vector<112x128xf32>
    %add3A_474 = arith.addf %mul3A_472, %mul3A_473 : vector<112x128xf32>
    %mul3A_475 = arith.mulf %select_n3A_438, %add3A_292 : vector<112x128xf32>
    %mul3A_476 = arith.mulf %select_n3A_441, %add3A_386 : vector<112x128xf32>
    %sub3A_477 = arith.subf %mul3A_475, %mul3A_476 : vector<112x128xf32>
    %mul3A_478 = arith.mulf %select_n3A_441, %add3A_292 : vector<112x128xf32>
    %mul3A_479 = arith.mulf %select_n3A_438, %add3A_386 : vector<112x128xf32>
    %add3A_480 = arith.addf %mul3A_478, %mul3A_479 : vector<112x128xf32>
    %mul3A_481 = arith.mulf %select_n3A_438, %add3A_298 : vector<112x128xf32>
    %mul3A_482 = arith.mulf %select_n3A_441, %add3A_392 : vector<112x128xf32>
    %sub3A_483 = arith.subf %mul3A_481, %mul3A_482 : vector<112x128xf32>
    %mul3A_484 = arith.mulf %select_n3A_441, %add3A_298 : vector<112x128xf32>
    %mul3A_485 = arith.mulf %select_n3A_438, %add3A_392 : vector<112x128xf32>
    %add3A_486 = arith.addf %mul3A_484, %mul3A_485 : vector<112x128xf32>
    %mul3A_487 = arith.mulf %select_n3A_438, %add3A_304 : vector<112x128xf32>
    %mul3A_488 = arith.mulf %select_n3A_441, %add3A_398 : vector<112x128xf32>
    %sub3A_489 = arith.subf %mul3A_487, %mul3A_488 : vector<112x128xf32>
    %mul3A_490 = arith.mulf %select_n3A_441, %add3A_304 : vector<112x128xf32>
    %mul3A_491 = arith.mulf %select_n3A_438, %add3A_398 : vector<112x128xf32>
    %add3A_492 = arith.addf %mul3A_490, %mul3A_491 : vector<112x128xf32>
    %ne3A_493 = arith.constant 0.000000e+00 : f32
    %ne3A_494 = vector.broadcast %ne3A_493 : f32 to vector<112x128xf32>
    %ne3A_495 = arith.cmpf one, %sub3A_471, %ne3A_494 : vector<112x128xf32>
    %jit3A_496 = arith.constant 1.000000e+00 : f32
    %broadcast_in_dim3A_497 = vector.broadcast %jit3A_496 : f32 to vector<112x128xf32>
    %select_n3A_498 = arith.select %ne3A_495, %sub3A_471, %broadcast_in_dim3A_497 : vector<112x128xi1>, vector<112x128xf32>
    %sub3A_499 = arith.subf %sub3A_450, %sub3A_356 : vector<112x128xf32>
    %mul3A_500 = arith.constant 2.000000e+00 : f32
    %mul3A_501 = vector.broadcast %mul3A_500 : f32 to vector<112x128xf32>
    %mul3A_502 = arith.mulf %mul3A_501, %select_n3A_498 : vector<112x128xf32>
    %div3A_503 = arith.divf %sub3A_499, %mul3A_502 : vector<112x128xf32>
    %mul3A_504 = arith.mulf %div3A_503, %div3A_503 : vector<112x128xf32>
    %add3A_505 = arith.constant 1.000000e+00 : f32
    %add3A_506 = vector.broadcast %add3A_505 : f32 to vector<112x128xf32>
    %add3A_507 = arith.addf %add3A_506, %mul3A_504 : vector<112x128xf32>
    %sqrt3A_508 = math.sqrt %add3A_507 : vector<112x128xf32>
    %ge3A_509 = arith.constant 0.000000e+00 : f32
    %ge3A_510 = vector.broadcast %ge3A_509 : f32 to vector<112x128xf32>
    %ge3A_511 = arith.cmpf oge, %div3A_503, %ge3A_510 : vector<112x128xf32>
    %add3A_512 = arith.addf %div3A_503, %sqrt3A_508 : vector<112x128xf32>
    %div3A_513 = arith.constant 1.000000e+00 : f32
    %div3A_514 = vector.broadcast %div3A_513 : f32 to vector<112x128xf32>
    %div3A_515 = arith.divf %div3A_514, %add3A_512 : vector<112x128xf32>
    %sub3A_516 = arith.subf %div3A_503, %sqrt3A_508 : vector<112x128xf32>
    %div3A_517 = arith.constant 1.000000e+00 : f32
    %div3A_518 = vector.broadcast %div3A_517 : f32 to vector<112x128xf32>
    %div3A_519 = arith.divf %div3A_518, %sub3A_516 : vector<112x128xf32>
    %select_n3A_520 = arith.select %ge3A_511, %div3A_515, %div3A_519 : vector<112x128xi1>, vector<112x128xf32>
    %mul3A_521 = arith.mulf %select_n3A_520, %select_n3A_520 : vector<112x128xf32>
    %add3A_522 = arith.constant 1.000000e+00 : f32
    %add3A_523 = vector.broadcast %add3A_522 : f32 to vector<112x128xf32>
    %add3A_524 = arith.addf %add3A_523, %mul3A_521 : vector<112x128xf32>
    %sqrt3A_525 = math.sqrt %add3A_524 : vector<112x128xf32>
    %div3A_526 = arith.constant 1.000000e+00 : f32
    %div3A_527 = vector.broadcast %div3A_526 : f32 to vector<112x128xf32>
    %div3A_528 = arith.divf %div3A_527, %sqrt3A_525 : vector<112x128xf32>
    %mul3A_529 = arith.mulf %select_n3A_520, %div3A_528 : vector<112x128xf32>
    %jit3A_530 = arith.constant 1.000000e+00 : f32
    %broadcast_in_dim3A_531 = vector.broadcast %jit3A_530 : f32 to vector<112x128xf32>
    %select_n3A_532 = arith.select %ne3A_495, %div3A_528, %broadcast_in_dim3A_531 : vector<112x128xi1>, vector<112x128xf32>
    %jit3A_533 = arith.constant 0.000000e+00 : f32
    %broadcast_in_dim3A_534 = vector.broadcast %jit3A_533 : f32 to vector<112x128xf32>
    %select_n3A_535 = arith.select %ne3A_495, %mul3A_529, %broadcast_in_dim3A_534 : vector<112x128xi1>, vector<112x128xf32>
    %mul3A_536 = arith.mulf %select_n3A_532, %sub3A_356 : vector<112x128xf32>
    %mul3A_537 = arith.mulf %select_n3A_535, %sub3A_471 : vector<112x128xf32>
    %sub3A_538 = arith.subf %mul3A_536, %mul3A_537 : vector<112x128xf32>
    %mul3A_539 = arith.mulf %select_n3A_532, %sub3A_538 : vector<112x128xf32>
    %mul3A_540 = arith.mulf %select_n3A_532, %sub3A_471 : vector<112x128xf32>
    %mul3A_541 = arith.mulf %select_n3A_535, %sub3A_450 : vector<112x128xf32>
    %sub3A_542 = arith.subf %mul3A_540, %mul3A_541 : vector<112x128xf32>
    %mul3A_543 = arith.mulf %select_n3A_535, %sub3A_542 : vector<112x128xf32>
    %sub3A_544 = arith.subf %mul3A_539, %mul3A_543 : vector<112x128xf32>
    %mul3A_545 = arith.mulf %select_n3A_535, %sub3A_356 : vector<112x128xf32>
    %mul3A_546 = arith.mulf %select_n3A_532, %sub3A_471 : vector<112x128xf32>
    %add3A_547 = arith.addf %mul3A_545, %mul3A_546 : vector<112x128xf32>
    %mul3A_548 = arith.mulf %select_n3A_535, %add3A_547 : vector<112x128xf32>
    %mul3A_549 = arith.mulf %select_n3A_535, %sub3A_471 : vector<112x128xf32>
    %mul3A_550 = arith.mulf %select_n3A_532, %sub3A_450 : vector<112x128xf32>
    %add3A_551 = arith.addf %mul3A_549, %mul3A_550 : vector<112x128xf32>
    %mul3A_552 = arith.mulf %select_n3A_532, %add3A_551 : vector<112x128xf32>
    %add3A_553 = arith.addf %mul3A_548, %mul3A_552 : vector<112x128xf32>
    %mul3A_554 = arith.mulf %select_n3A_535, %sub3A_356 : vector<112x128xf32>
    %mul3A_555 = arith.mulf %select_n3A_532, %sub3A_471 : vector<112x128xf32>
    %add3A_556 = arith.addf %mul3A_554, %mul3A_555 : vector<112x128xf32>
    %mul3A_557 = arith.mulf %select_n3A_532, %add3A_556 : vector<112x128xf32>
    %mul3A_558 = arith.mulf %select_n3A_535, %sub3A_471 : vector<112x128xf32>
    %mul3A_559 = arith.mulf %select_n3A_532, %sub3A_450 : vector<112x128xf32>
    %add3A_560 = arith.addf %mul3A_558, %mul3A_559 : vector<112x128xf32>
    %mul3A_561 = arith.mulf %select_n3A_535, %add3A_560 : vector<112x128xf32>
    %sub3A_562 = arith.subf %mul3A_557, %mul3A_561 : vector<112x128xf32>
    %mul3A_563 = arith.mulf %select_n3A_532, %add3A_474 : vector<112x128xf32>
    %mul3A_564 = arith.mulf %select_n3A_535, %sub3A_468 : vector<112x128xf32>
    %sub3A_565 = arith.subf %mul3A_563, %mul3A_564 : vector<112x128xf32>
    %mul3A_566 = arith.mulf %select_n3A_535, %add3A_474 : vector<112x128xf32>
    %mul3A_567 = arith.mulf %select_n3A_532, %sub3A_468 : vector<112x128xf32>
    %add3A_568 = arith.addf %mul3A_566, %mul3A_567 : vector<112x128xf32>
    %mul3A_569 = arith.mulf %select_n3A_532, %sub3A_383 : vector<112x128xf32>
    %mul3A_570 = arith.mulf %select_n3A_535, %sub3A_477 : vector<112x128xf32>
    %sub3A_571 = arith.subf %mul3A_569, %mul3A_570 : vector<112x128xf32>
    %mul3A_572 = arith.mulf %select_n3A_535, %sub3A_383 : vector<112x128xf32>
    %mul3A_573 = arith.mulf %select_n3A_532, %sub3A_477 : vector<112x128xf32>
    %add3A_574 = arith.addf %mul3A_572, %mul3A_573 : vector<112x128xf32>
    %mul3A_575 = arith.mulf %select_n3A_532, %sub3A_389 : vector<112x128xf32>
    %mul3A_576 = arith.mulf %select_n3A_535, %sub3A_483 : vector<112x128xf32>
    %sub3A_577 = arith.subf %mul3A_575, %mul3A_576 : vector<112x128xf32>
    %mul3A_578 = arith.mulf %select_n3A_535, %sub3A_389 : vector<112x128xf32>
    %mul3A_579 = arith.mulf %select_n3A_532, %sub3A_483 : vector<112x128xf32>
    %add3A_580 = arith.addf %mul3A_578, %mul3A_579 : vector<112x128xf32>
    %mul3A_581 = arith.mulf %select_n3A_532, %sub3A_395 : vector<112x128xf32>
    %mul3A_582 = arith.mulf %select_n3A_535, %sub3A_489 : vector<112x128xf32>
    %sub3A_583 = arith.subf %mul3A_581, %mul3A_582 : vector<112x128xf32>
    %mul3A_584 = arith.mulf %select_n3A_535, %sub3A_395 : vector<112x128xf32>
    %mul3A_585 = arith.mulf %select_n3A_532, %sub3A_489 : vector<112x128xf32>
    %add3A_586 = arith.addf %mul3A_584, %mul3A_585 : vector<112x128xf32>
    %ne3A_587 = arith.constant 0.000000e+00 : f32
    %ne3A_588 = vector.broadcast %ne3A_587 : f32 to vector<112x128xf32>
    %ne3A_589 = arith.cmpf one, %sub3A_565, %ne3A_588 : vector<112x128xf32>
    %jit3A_590 = arith.constant 1.000000e+00 : f32
    %broadcast_in_dim3A_591 = vector.broadcast %jit3A_590 : f32 to vector<112x128xf32>
    %select_n3A_592 = arith.select %ne3A_589, %sub3A_565, %broadcast_in_dim3A_591 : vector<112x128xi1>, vector<112x128xf32>
    %sub3A_593 = arith.subf %add3A_459, %sub3A_544 : vector<112x128xf32>
    %mul3A_594 = arith.constant 2.000000e+00 : f32
    %mul3A_595 = vector.broadcast %mul3A_594 : f32 to vector<112x128xf32>
    %mul3A_596 = arith.mulf %mul3A_595, %select_n3A_592 : vector<112x128xf32>
    %div3A_597 = arith.divf %sub3A_593, %mul3A_596 : vector<112x128xf32>
    %mul3A_598 = arith.mulf %div3A_597, %div3A_597 : vector<112x128xf32>
    %add3A_599 = arith.constant 1.000000e+00 : f32
    %add3A_600 = vector.broadcast %add3A_599 : f32 to vector<112x128xf32>
    %add3A_601 = arith.addf %add3A_600, %mul3A_598 : vector<112x128xf32>
    %sqrt3A_602 = math.sqrt %add3A_601 : vector<112x128xf32>
    %ge3A_603 = arith.constant 0.000000e+00 : f32
    %ge3A_604 = vector.broadcast %ge3A_603 : f32 to vector<112x128xf32>
    %ge3A_605 = arith.cmpf oge, %div3A_597, %ge3A_604 : vector<112x128xf32>
    %add3A_606 = arith.addf %div3A_597, %sqrt3A_602 : vector<112x128xf32>
    %div3A_607 = arith.constant 1.000000e+00 : f32
    %div3A_608 = vector.broadcast %div3A_607 : f32 to vector<112x128xf32>
    %div3A_609 = arith.divf %div3A_608, %add3A_606 : vector<112x128xf32>
    %sub3A_610 = arith.subf %div3A_597, %sqrt3A_602 : vector<112x128xf32>
    %div3A_611 = arith.constant 1.000000e+00 : f32
    %div3A_612 = vector.broadcast %div3A_611 : f32 to vector<112x128xf32>
    %div3A_613 = arith.divf %div3A_612, %sub3A_610 : vector<112x128xf32>
    %select_n3A_614 = arith.select %ge3A_605, %div3A_609, %div3A_613 : vector<112x128xi1>, vector<112x128xf32>
    %mul3A_615 = arith.mulf %select_n3A_614, %select_n3A_614 : vector<112x128xf32>
    %add3A_616 = arith.constant 1.000000e+00 : f32
    %add3A_617 = vector.broadcast %add3A_616 : f32 to vector<112x128xf32>
    %add3A_618 = arith.addf %add3A_617, %mul3A_615 : vector<112x128xf32>
    %sqrt3A_619 = math.sqrt %add3A_618 : vector<112x128xf32>
    %div3A_620 = arith.constant 1.000000e+00 : f32
    %div3A_621 = vector.broadcast %div3A_620 : f32 to vector<112x128xf32>
    %div3A_622 = arith.divf %div3A_621, %sqrt3A_619 : vector<112x128xf32>
    %mul3A_623 = arith.mulf %select_n3A_614, %div3A_622 : vector<112x128xf32>
    %jit3A_624 = arith.constant 1.000000e+00 : f32
    %broadcast_in_dim3A_625 = vector.broadcast %jit3A_624 : f32 to vector<112x128xf32>
    %select_n3A_626 = arith.select %ne3A_589, %div3A_622, %broadcast_in_dim3A_625 : vector<112x128xi1>, vector<112x128xf32>
    %jit3A_627 = arith.constant 0.000000e+00 : f32
    %broadcast_in_dim3A_628 = vector.broadcast %jit3A_627 : f32 to vector<112x128xf32>
    %select_n3A_629 = arith.select %ne3A_589, %mul3A_623, %broadcast_in_dim3A_628 : vector<112x128xi1>, vector<112x128xf32>
    %mul3A_630 = arith.mulf %select_n3A_626, %sub3A_544 : vector<112x128xf32>
    %mul3A_631 = arith.mulf %select_n3A_629, %sub3A_565 : vector<112x128xf32>
    %sub3A_632 = arith.subf %mul3A_630, %mul3A_631 : vector<112x128xf32>
    %mul3A_633 = arith.mulf %select_n3A_626, %sub3A_632 : vector<112x128xf32>
    %mul3A_634 = arith.mulf %select_n3A_626, %sub3A_565 : vector<112x128xf32>
    %mul3A_635 = arith.mulf %select_n3A_629, %add3A_459 : vector<112x128xf32>
    %sub3A_636 = arith.subf %mul3A_634, %mul3A_635 : vector<112x128xf32>
    %mul3A_637 = arith.mulf %select_n3A_629, %sub3A_636 : vector<112x128xf32>
    %sub3A_638 = arith.subf %mul3A_633, %mul3A_637 : vector<112x128xf32>
    %mul3A_639 = arith.mulf %select_n3A_629, %sub3A_544 : vector<112x128xf32>
    %mul3A_640 = arith.mulf %select_n3A_626, %sub3A_565 : vector<112x128xf32>
    %add3A_641 = arith.addf %mul3A_639, %mul3A_640 : vector<112x128xf32>
    %mul3A_642 = arith.mulf %select_n3A_629, %add3A_641 : vector<112x128xf32>
    %mul3A_643 = arith.mulf %select_n3A_629, %sub3A_565 : vector<112x128xf32>
    %mul3A_644 = arith.mulf %select_n3A_626, %add3A_459 : vector<112x128xf32>
    %add3A_645 = arith.addf %mul3A_643, %mul3A_644 : vector<112x128xf32>
    %mul3A_646 = arith.mulf %select_n3A_626, %add3A_645 : vector<112x128xf32>
    %add3A_647 = arith.addf %mul3A_642, %mul3A_646 : vector<112x128xf32>
    %mul3A_648 = arith.mulf %select_n3A_629, %sub3A_544 : vector<112x128xf32>
    %mul3A_649 = arith.mulf %select_n3A_626, %sub3A_565 : vector<112x128xf32>
    %add3A_650 = arith.addf %mul3A_648, %mul3A_649 : vector<112x128xf32>
    %mul3A_651 = arith.mulf %select_n3A_626, %add3A_650 : vector<112x128xf32>
    %mul3A_652 = arith.mulf %select_n3A_629, %sub3A_565 : vector<112x128xf32>
    %mul3A_653 = arith.mulf %select_n3A_626, %add3A_459 : vector<112x128xf32>
    %add3A_654 = arith.addf %mul3A_652, %mul3A_653 : vector<112x128xf32>
    %mul3A_655 = arith.mulf %select_n3A_629, %add3A_654 : vector<112x128xf32>
    %sub3A_656 = arith.subf %mul3A_651, %mul3A_655 : vector<112x128xf32>
    %mul3A_657 = arith.mulf %select_n3A_626, %sub3A_562 : vector<112x128xf32>
    %mul3A_658 = arith.mulf %select_n3A_629, %add3A_568 : vector<112x128xf32>
    %sub3A_659 = arith.subf %mul3A_657, %mul3A_658 : vector<112x128xf32>
    %mul3A_660 = arith.mulf %select_n3A_629, %sub3A_562 : vector<112x128xf32>
    %mul3A_661 = arith.mulf %select_n3A_626, %add3A_568 : vector<112x128xf32>
    %add3A_662 = arith.addf %mul3A_660, %mul3A_661 : vector<112x128xf32>
    %mul3A_663 = arith.mulf %select_n3A_626, %sub3A_571 : vector<112x128xf32>
    %mul3A_664 = arith.mulf %select_n3A_629, %add3A_480 : vector<112x128xf32>
    %sub3A_665 = arith.subf %mul3A_663, %mul3A_664 : vector<112x128xf32>
    %mul3A_666 = arith.mulf %select_n3A_629, %sub3A_571 : vector<112x128xf32>
    %mul3A_667 = arith.mulf %select_n3A_626, %add3A_480 : vector<112x128xf32>
    %add3A_668 = arith.addf %mul3A_666, %mul3A_667 : vector<112x128xf32>
    %mul3A_669 = arith.mulf %select_n3A_626, %sub3A_577 : vector<112x128xf32>
    %mul3A_670 = arith.mulf %select_n3A_629, %add3A_486 : vector<112x128xf32>
    %sub3A_671 = arith.subf %mul3A_669, %mul3A_670 : vector<112x128xf32>
    %mul3A_672 = arith.mulf %select_n3A_629, %sub3A_577 : vector<112x128xf32>
    %mul3A_673 = arith.mulf %select_n3A_626, %add3A_486 : vector<112x128xf32>
    %add3A_674 = arith.addf %mul3A_672, %mul3A_673 : vector<112x128xf32>
    %mul3A_675 = arith.mulf %select_n3A_626, %sub3A_583 : vector<112x128xf32>
    %mul3A_676 = arith.mulf %select_n3A_629, %add3A_492 : vector<112x128xf32>
    %sub3A_677 = arith.subf %mul3A_675, %mul3A_676 : vector<112x128xf32>
    %mul3A_678 = arith.mulf %select_n3A_629, %sub3A_583 : vector<112x128xf32>
    %mul3A_679 = arith.mulf %select_n3A_626, %add3A_492 : vector<112x128xf32>
    %add3A_680 = arith.addf %mul3A_678, %mul3A_679 : vector<112x128xf32>
    %ne3A_681 = arith.constant 0.000000e+00 : f32
    %ne3A_682 = vector.broadcast %ne3A_681 : f32 to vector<112x128xf32>
    %ne3A_683 = arith.cmpf one, %add3A_662, %ne3A_682 : vector<112x128xf32>
    %jit3A_684 = arith.constant 1.000000e+00 : f32
    %broadcast_in_dim3A_685 = vector.broadcast %jit3A_684 : f32 to vector<112x128xf32>
    %select_n3A_686 = arith.select %ne3A_683, %add3A_662, %broadcast_in_dim3A_685 : vector<112x128xi1>, vector<112x128xf32>
    %sub3A_687 = arith.subf %add3A_647, %add3A_553 : vector<112x128xf32>
    %mul3A_688 = arith.constant 2.000000e+00 : f32
    %mul3A_689 = vector.broadcast %mul3A_688 : f32 to vector<112x128xf32>
    %mul3A_690 = arith.mulf %mul3A_689, %select_n3A_686 : vector<112x128xf32>
    %div3A_691 = arith.divf %sub3A_687, %mul3A_690 : vector<112x128xf32>
    %mul3A_692 = arith.mulf %div3A_691, %div3A_691 : vector<112x128xf32>
    %add3A_693 = arith.constant 1.000000e+00 : f32
    %add3A_694 = vector.broadcast %add3A_693 : f32 to vector<112x128xf32>
    %add3A_695 = arith.addf %add3A_694, %mul3A_692 : vector<112x128xf32>
    %sqrt3A_696 = math.sqrt %add3A_695 : vector<112x128xf32>
    %ge3A_697 = arith.constant 0.000000e+00 : f32
    %ge3A_698 = vector.broadcast %ge3A_697 : f32 to vector<112x128xf32>
    %ge3A_699 = arith.cmpf oge, %div3A_691, %ge3A_698 : vector<112x128xf32>
    %add3A_700 = arith.addf %div3A_691, %sqrt3A_696 : vector<112x128xf32>
    %div3A_701 = arith.constant 1.000000e+00 : f32
    %div3A_702 = vector.broadcast %div3A_701 : f32 to vector<112x128xf32>
    %div3A_703 = arith.divf %div3A_702, %add3A_700 : vector<112x128xf32>
    %sub3A_704 = arith.subf %div3A_691, %sqrt3A_696 : vector<112x128xf32>
    %div3A_705 = arith.constant 1.000000e+00 : f32
    %div3A_706 = vector.broadcast %div3A_705 : f32 to vector<112x128xf32>
    %div3A_707 = arith.divf %div3A_706, %sub3A_704 : vector<112x128xf32>
    %select_n3A_708 = arith.select %ge3A_699, %div3A_703, %div3A_707 : vector<112x128xi1>, vector<112x128xf32>
    %mul3A_709 = arith.mulf %select_n3A_708, %select_n3A_708 : vector<112x128xf32>
    %add3A_710 = arith.constant 1.000000e+00 : f32
    %add3A_711 = vector.broadcast %add3A_710 : f32 to vector<112x128xf32>
    %add3A_712 = arith.addf %add3A_711, %mul3A_709 : vector<112x128xf32>
    %sqrt3A_713 = math.sqrt %add3A_712 : vector<112x128xf32>
    %div3A_714 = arith.constant 1.000000e+00 : f32
    %div3A_715 = vector.broadcast %div3A_714 : f32 to vector<112x128xf32>
    %div3A_716 = arith.divf %div3A_715, %sqrt3A_713 : vector<112x128xf32>
    %mul3A_717 = arith.mulf %select_n3A_708, %div3A_716 : vector<112x128xf32>
    %jit3A_718 = arith.constant 1.000000e+00 : f32
    %broadcast_in_dim3A_719 = vector.broadcast %jit3A_718 : f32 to vector<112x128xf32>
    %select_n3A_720 = arith.select %ne3A_683, %div3A_716, %broadcast_in_dim3A_719 : vector<112x128xi1>, vector<112x128xf32>
    %jit3A_721 = arith.constant 0.000000e+00 : f32
    %broadcast_in_dim3A_722 = vector.broadcast %jit3A_721 : f32 to vector<112x128xf32>
    %select_n3A_723 = arith.select %ne3A_683, %mul3A_717, %broadcast_in_dim3A_722 : vector<112x128xi1>, vector<112x128xf32>
    %mul3A_724 = arith.mulf %select_n3A_720, %add3A_553 : vector<112x128xf32>
    %mul3A_725 = arith.mulf %select_n3A_723, %add3A_662 : vector<112x128xf32>
    %sub3A_726 = arith.subf %mul3A_724, %mul3A_725 : vector<112x128xf32>
    %mul3A_727 = arith.mulf %select_n3A_720, %sub3A_726 : vector<112x128xf32>
    %mul3A_728 = arith.mulf %select_n3A_720, %add3A_662 : vector<112x128xf32>
    %mul3A_729 = arith.mulf %select_n3A_723, %add3A_647 : vector<112x128xf32>
    %sub3A_730 = arith.subf %mul3A_728, %mul3A_729 : vector<112x128xf32>
    %mul3A_731 = arith.mulf %select_n3A_723, %sub3A_730 : vector<112x128xf32>
    %sub3A_732 = arith.subf %mul3A_727, %mul3A_731 : vector<112x128xf32>
    %mul3A_733 = arith.mulf %select_n3A_723, %add3A_553 : vector<112x128xf32>
    %mul3A_734 = arith.mulf %select_n3A_720, %add3A_662 : vector<112x128xf32>
    %add3A_735 = arith.addf %mul3A_733, %mul3A_734 : vector<112x128xf32>
    %mul3A_736 = arith.mulf %select_n3A_723, %add3A_735 : vector<112x128xf32>
    %mul3A_737 = arith.mulf %select_n3A_723, %add3A_662 : vector<112x128xf32>
    %mul3A_738 = arith.mulf %select_n3A_720, %add3A_647 : vector<112x128xf32>
    %add3A_739 = arith.addf %mul3A_737, %mul3A_738 : vector<112x128xf32>
    %mul3A_740 = arith.mulf %select_n3A_720, %add3A_739 : vector<112x128xf32>
    %add3A_741 = arith.addf %mul3A_736, %mul3A_740 : vector<112x128xf32>
    %mul3A_742 = arith.mulf %select_n3A_723, %add3A_553 : vector<112x128xf32>
    %mul3A_743 = arith.mulf %select_n3A_720, %add3A_662 : vector<112x128xf32>
    %add3A_744 = arith.addf %mul3A_742, %mul3A_743 : vector<112x128xf32>
    %mul3A_745 = arith.mulf %select_n3A_720, %add3A_744 : vector<112x128xf32>
    %mul3A_746 = arith.mulf %select_n3A_723, %add3A_662 : vector<112x128xf32>
    %mul3A_747 = arith.mulf %select_n3A_720, %add3A_647 : vector<112x128xf32>
    %add3A_748 = arith.addf %mul3A_746, %mul3A_747 : vector<112x128xf32>
    %mul3A_749 = arith.mulf %select_n3A_723, %add3A_748 : vector<112x128xf32>
    %sub3A_750 = arith.subf %mul3A_745, %mul3A_749 : vector<112x128xf32>
    %mul3A_751 = arith.mulf %select_n3A_720, %sub3A_659 : vector<112x128xf32>
    %mul3A_752 = arith.mulf %select_n3A_723, %sub3A_656 : vector<112x128xf32>
    %sub3A_753 = arith.subf %mul3A_751, %mul3A_752 : vector<112x128xf32>
    %mul3A_754 = arith.mulf %select_n3A_723, %sub3A_659 : vector<112x128xf32>
    %mul3A_755 = arith.mulf %select_n3A_720, %sub3A_656 : vector<112x128xf32>
    %add3A_756 = arith.addf %mul3A_754, %mul3A_755 : vector<112x128xf32>
    %mul3A_757 = arith.mulf %select_n3A_720, %add3A_574 : vector<112x128xf32>
    %mul3A_758 = arith.mulf %select_n3A_723, %add3A_668 : vector<112x128xf32>
    %sub3A_759 = arith.subf %mul3A_757, %mul3A_758 : vector<112x128xf32>
    %mul3A_760 = arith.mulf %select_n3A_723, %add3A_574 : vector<112x128xf32>
    %mul3A_761 = arith.mulf %select_n3A_720, %add3A_668 : vector<112x128xf32>
    %add3A_762 = arith.addf %mul3A_760, %mul3A_761 : vector<112x128xf32>
    %mul3A_763 = arith.mulf %select_n3A_720, %add3A_580 : vector<112x128xf32>
    %mul3A_764 = arith.mulf %select_n3A_723, %add3A_674 : vector<112x128xf32>
    %sub3A_765 = arith.subf %mul3A_763, %mul3A_764 : vector<112x128xf32>
    %mul3A_766 = arith.mulf %select_n3A_723, %add3A_580 : vector<112x128xf32>
    %mul3A_767 = arith.mulf %select_n3A_720, %add3A_674 : vector<112x128xf32>
    %add3A_768 = arith.addf %mul3A_766, %mul3A_767 : vector<112x128xf32>
    %mul3A_769 = arith.mulf %select_n3A_720, %add3A_586 : vector<112x128xf32>
    %mul3A_770 = arith.mulf %select_n3A_723, %add3A_680 : vector<112x128xf32>
    %sub3A_771 = arith.subf %mul3A_769, %mul3A_770 : vector<112x128xf32>
    %mul3A_772 = arith.mulf %select_n3A_723, %add3A_586 : vector<112x128xf32>
    %mul3A_773 = arith.mulf %select_n3A_720, %add3A_680 : vector<112x128xf32>
    %add3A_774 = arith.addf %mul3A_772, %mul3A_773 : vector<112x128xf32>
    %ne3A_775 = arith.constant 0.000000e+00 : f32
    %ne3A_776 = vector.broadcast %ne3A_775 : f32 to vector<112x128xf32>
    %ne3A_777 = arith.cmpf one, %sub3A_753, %ne3A_776 : vector<112x128xf32>
    %jit3A_778 = arith.constant 1.000000e+00 : f32
    %broadcast_in_dim3A_779 = vector.broadcast %jit3A_778 : f32 to vector<112x128xf32>
    %select_n3A_780 = arith.select %ne3A_777, %sub3A_753, %broadcast_in_dim3A_779 : vector<112x128xi1>, vector<112x128xf32>
    %sub3A_781 = arith.subf %sub3A_732, %sub3A_638 : vector<112x128xf32>
    %mul3A_782 = arith.constant 2.000000e+00 : f32
    %mul3A_783 = vector.broadcast %mul3A_782 : f32 to vector<112x128xf32>
    %mul3A_784 = arith.mulf %mul3A_783, %select_n3A_780 : vector<112x128xf32>
    %div3A_785 = arith.divf %sub3A_781, %mul3A_784 : vector<112x128xf32>
    %mul3A_786 = arith.mulf %div3A_785, %div3A_785 : vector<112x128xf32>
    %add3A_787 = arith.constant 1.000000e+00 : f32
    %add3A_788 = vector.broadcast %add3A_787 : f32 to vector<112x128xf32>
    %add3A_789 = arith.addf %add3A_788, %mul3A_786 : vector<112x128xf32>
    %sqrt3A_790 = math.sqrt %add3A_789 : vector<112x128xf32>
    %ge3A_791 = arith.constant 0.000000e+00 : f32
    %ge3A_792 = vector.broadcast %ge3A_791 : f32 to vector<112x128xf32>
    %ge3A_793 = arith.cmpf oge, %div3A_785, %ge3A_792 : vector<112x128xf32>
    %add3A_794 = arith.addf %div3A_785, %sqrt3A_790 : vector<112x128xf32>
    %div3A_795 = arith.constant 1.000000e+00 : f32
    %div3A_796 = vector.broadcast %div3A_795 : f32 to vector<112x128xf32>
    %div3A_797 = arith.divf %div3A_796, %add3A_794 : vector<112x128xf32>
    %sub3A_798 = arith.subf %div3A_785, %sqrt3A_790 : vector<112x128xf32>
    %div3A_799 = arith.constant 1.000000e+00 : f32
    %div3A_800 = vector.broadcast %div3A_799 : f32 to vector<112x128xf32>
    %div3A_801 = arith.divf %div3A_800, %sub3A_798 : vector<112x128xf32>
    %select_n3A_802 = arith.select %ge3A_793, %div3A_797, %div3A_801 : vector<112x128xi1>, vector<112x128xf32>
    %mul3A_803 = arith.mulf %select_n3A_802, %select_n3A_802 : vector<112x128xf32>
    %add3A_804 = arith.constant 1.000000e+00 : f32
    %add3A_805 = vector.broadcast %add3A_804 : f32 to vector<112x128xf32>
    %add3A_806 = arith.addf %add3A_805, %mul3A_803 : vector<112x128xf32>
    %sqrt3A_807 = math.sqrt %add3A_806 : vector<112x128xf32>
    %div3A_808 = arith.constant 1.000000e+00 : f32
    %div3A_809 = vector.broadcast %div3A_808 : f32 to vector<112x128xf32>
    %div3A_810 = arith.divf %div3A_809, %sqrt3A_807 : vector<112x128xf32>
    %mul3A_811 = arith.mulf %select_n3A_802, %div3A_810 : vector<112x128xf32>
    %jit3A_812 = arith.constant 1.000000e+00 : f32
    %broadcast_in_dim3A_813 = vector.broadcast %jit3A_812 : f32 to vector<112x128xf32>
    %select_n3A_814 = arith.select %ne3A_777, %div3A_810, %broadcast_in_dim3A_813 : vector<112x128xi1>, vector<112x128xf32>
    %jit3A_815 = arith.constant 0.000000e+00 : f32
    %broadcast_in_dim3A_816 = vector.broadcast %jit3A_815 : f32 to vector<112x128xf32>
    %select_n3A_817 = arith.select %ne3A_777, %mul3A_811, %broadcast_in_dim3A_816 : vector<112x128xi1>, vector<112x128xf32>
    %mul3A_818 = arith.mulf %select_n3A_814, %sub3A_638 : vector<112x128xf32>
    %mul3A_819 = arith.mulf %select_n3A_817, %sub3A_753 : vector<112x128xf32>
    %sub3A_820 = arith.subf %mul3A_818, %mul3A_819 : vector<112x128xf32>
    %mul3A_821 = arith.mulf %select_n3A_814, %sub3A_820 : vector<112x128xf32>
    %mul3A_822 = arith.mulf %select_n3A_814, %sub3A_753 : vector<112x128xf32>
    %mul3A_823 = arith.mulf %select_n3A_817, %sub3A_732 : vector<112x128xf32>
    %sub3A_824 = arith.subf %mul3A_822, %mul3A_823 : vector<112x128xf32>
    %mul3A_825 = arith.mulf %select_n3A_817, %sub3A_824 : vector<112x128xf32>
    %sub3A_826 = arith.subf %mul3A_821, %mul3A_825 : vector<112x128xf32>
    %mul3A_827 = arith.mulf %select_n3A_817, %sub3A_638 : vector<112x128xf32>
    %mul3A_828 = arith.mulf %select_n3A_814, %sub3A_753 : vector<112x128xf32>
    %add3A_829 = arith.addf %mul3A_827, %mul3A_828 : vector<112x128xf32>
    %mul3A_830 = arith.mulf %select_n3A_817, %add3A_829 : vector<112x128xf32>
    %mul3A_831 = arith.mulf %select_n3A_817, %sub3A_753 : vector<112x128xf32>
    %mul3A_832 = arith.mulf %select_n3A_814, %sub3A_732 : vector<112x128xf32>
    %add3A_833 = arith.addf %mul3A_831, %mul3A_832 : vector<112x128xf32>
    %mul3A_834 = arith.mulf %select_n3A_814, %add3A_833 : vector<112x128xf32>
    %add3A_835 = arith.addf %mul3A_830, %mul3A_834 : vector<112x128xf32>
    %mul3A_836 = arith.mulf %select_n3A_817, %sub3A_638 : vector<112x128xf32>
    %mul3A_837 = arith.mulf %select_n3A_814, %sub3A_753 : vector<112x128xf32>
    %add3A_838 = arith.addf %mul3A_836, %mul3A_837 : vector<112x128xf32>
    %mul3A_839 = arith.mulf %select_n3A_814, %add3A_838 : vector<112x128xf32>
    %mul3A_840 = arith.mulf %select_n3A_817, %sub3A_753 : vector<112x128xf32>
    %mul3A_841 = arith.mulf %select_n3A_814, %sub3A_732 : vector<112x128xf32>
    %add3A_842 = arith.addf %mul3A_840, %mul3A_841 : vector<112x128xf32>
    %mul3A_843 = arith.mulf %select_n3A_817, %add3A_842 : vector<112x128xf32>
    %sub3A_844 = arith.subf %mul3A_839, %mul3A_843 : vector<112x128xf32>
    %mul3A_845 = arith.mulf %select_n3A_814, %add3A_756 : vector<112x128xf32>
    %mul3A_846 = arith.mulf %select_n3A_817, %sub3A_750 : vector<112x128xf32>
    %sub3A_847 = arith.subf %mul3A_845, %mul3A_846 : vector<112x128xf32>
    %mul3A_848 = arith.mulf %select_n3A_817, %add3A_756 : vector<112x128xf32>
    %mul3A_849 = arith.mulf %select_n3A_814, %sub3A_750 : vector<112x128xf32>
    %add3A_850 = arith.addf %mul3A_848, %mul3A_849 : vector<112x128xf32>
    %mul3A_851 = arith.mulf %select_n3A_814, %sub3A_665 : vector<112x128xf32>
    %mul3A_852 = arith.mulf %select_n3A_817, %sub3A_759 : vector<112x128xf32>
    %sub3A_853 = arith.subf %mul3A_851, %mul3A_852 : vector<112x128xf32>
    %mul3A_854 = arith.mulf %select_n3A_817, %sub3A_665 : vector<112x128xf32>
    %mul3A_855 = arith.mulf %select_n3A_814, %sub3A_759 : vector<112x128xf32>
    %add3A_856 = arith.addf %mul3A_854, %mul3A_855 : vector<112x128xf32>
    %mul3A_857 = arith.mulf %select_n3A_814, %sub3A_671 : vector<112x128xf32>
    %mul3A_858 = arith.mulf %select_n3A_817, %sub3A_765 : vector<112x128xf32>
    %sub3A_859 = arith.subf %mul3A_857, %mul3A_858 : vector<112x128xf32>
    %mul3A_860 = arith.mulf %select_n3A_817, %sub3A_671 : vector<112x128xf32>
    %mul3A_861 = arith.mulf %select_n3A_814, %sub3A_765 : vector<112x128xf32>
    %add3A_862 = arith.addf %mul3A_860, %mul3A_861 : vector<112x128xf32>
    %mul3A_863 = arith.mulf %select_n3A_814, %sub3A_677 : vector<112x128xf32>
    %mul3A_864 = arith.mulf %select_n3A_817, %sub3A_771 : vector<112x128xf32>
    %sub3A_865 = arith.subf %mul3A_863, %mul3A_864 : vector<112x128xf32>
    %mul3A_866 = arith.mulf %select_n3A_817, %sub3A_677 : vector<112x128xf32>
    %mul3A_867 = arith.mulf %select_n3A_814, %sub3A_771 : vector<112x128xf32>
    %add3A_868 = arith.addf %mul3A_866, %mul3A_867 : vector<112x128xf32>
    %ne3A_869 = arith.constant 0.000000e+00 : f32
    %ne3A_870 = vector.broadcast %ne3A_869 : f32 to vector<112x128xf32>
    %ne3A_871 = arith.cmpf one, %sub3A_847, %ne3A_870 : vector<112x128xf32>
    %jit3A_872 = arith.constant 1.000000e+00 : f32
    %broadcast_in_dim3A_873 = vector.broadcast %jit3A_872 : f32 to vector<112x128xf32>
    %select_n3A_874 = arith.select %ne3A_871, %sub3A_847, %broadcast_in_dim3A_873 : vector<112x128xi1>, vector<112x128xf32>
    %sub3A_875 = arith.subf %add3A_741, %sub3A_826 : vector<112x128xf32>
    %mul3A_876 = arith.constant 2.000000e+00 : f32
    %mul3A_877 = vector.broadcast %mul3A_876 : f32 to vector<112x128xf32>
    %mul3A_878 = arith.mulf %mul3A_877, %select_n3A_874 : vector<112x128xf32>
    %div3A_879 = arith.divf %sub3A_875, %mul3A_878 : vector<112x128xf32>
    %mul3A_880 = arith.mulf %div3A_879, %div3A_879 : vector<112x128xf32>
    %add3A_881 = arith.constant 1.000000e+00 : f32
    %add3A_882 = vector.broadcast %add3A_881 : f32 to vector<112x128xf32>
    %add3A_883 = arith.addf %add3A_882, %mul3A_880 : vector<112x128xf32>
    %sqrt3A_884 = math.sqrt %add3A_883 : vector<112x128xf32>
    %ge3A_885 = arith.constant 0.000000e+00 : f32
    %ge3A_886 = vector.broadcast %ge3A_885 : f32 to vector<112x128xf32>
    %ge3A_887 = arith.cmpf oge, %div3A_879, %ge3A_886 : vector<112x128xf32>
    %add3A_888 = arith.addf %div3A_879, %sqrt3A_884 : vector<112x128xf32>
    %div3A_889 = arith.constant 1.000000e+00 : f32
    %div3A_890 = vector.broadcast %div3A_889 : f32 to vector<112x128xf32>
    %div3A_891 = arith.divf %div3A_890, %add3A_888 : vector<112x128xf32>
    %sub3A_892 = arith.subf %div3A_879, %sqrt3A_884 : vector<112x128xf32>
    %div3A_893 = arith.constant 1.000000e+00 : f32
    %div3A_894 = vector.broadcast %div3A_893 : f32 to vector<112x128xf32>
    %div3A_895 = arith.divf %div3A_894, %sub3A_892 : vector<112x128xf32>
    %select_n3A_896 = arith.select %ge3A_887, %div3A_891, %div3A_895 : vector<112x128xi1>, vector<112x128xf32>
    %mul3A_897 = arith.mulf %select_n3A_896, %select_n3A_896 : vector<112x128xf32>
    %add3A_898 = arith.constant 1.000000e+00 : f32
    %add3A_899 = vector.broadcast %add3A_898 : f32 to vector<112x128xf32>
    %add3A_900 = arith.addf %add3A_899, %mul3A_897 : vector<112x128xf32>
    %sqrt3A_901 = math.sqrt %add3A_900 : vector<112x128xf32>
    %div3A_902 = arith.constant 1.000000e+00 : f32
    %div3A_903 = vector.broadcast %div3A_902 : f32 to vector<112x128xf32>
    %div3A_904 = arith.divf %div3A_903, %sqrt3A_901 : vector<112x128xf32>
    %mul3A_905 = arith.mulf %select_n3A_896, %div3A_904 : vector<112x128xf32>
    %jit3A_906 = arith.constant 1.000000e+00 : f32
    %broadcast_in_dim3A_907 = vector.broadcast %jit3A_906 : f32 to vector<112x128xf32>
    %select_n3A_908 = arith.select %ne3A_871, %div3A_904, %broadcast_in_dim3A_907 : vector<112x128xi1>, vector<112x128xf32>
    %jit3A_909 = arith.constant 0.000000e+00 : f32
    %broadcast_in_dim3A_910 = vector.broadcast %jit3A_909 : f32 to vector<112x128xf32>
    %select_n3A_911 = arith.select %ne3A_871, %mul3A_905, %broadcast_in_dim3A_910 : vector<112x128xi1>, vector<112x128xf32>
    %mul3A_912 = arith.mulf %select_n3A_908, %sub3A_826 : vector<112x128xf32>
    %mul3A_913 = arith.mulf %select_n3A_911, %sub3A_847 : vector<112x128xf32>
    %sub3A_914 = arith.subf %mul3A_912, %mul3A_913 : vector<112x128xf32>
    %mul3A_915 = arith.mulf %select_n3A_908, %sub3A_914 : vector<112x128xf32>
    %mul3A_916 = arith.mulf %select_n3A_908, %sub3A_847 : vector<112x128xf32>
    %mul3A_917 = arith.mulf %select_n3A_911, %add3A_741 : vector<112x128xf32>
    %sub3A_918 = arith.subf %mul3A_916, %mul3A_917 : vector<112x128xf32>
    %mul3A_919 = arith.mulf %select_n3A_911, %sub3A_918 : vector<112x128xf32>
    %sub3A_920 = arith.subf %mul3A_915, %mul3A_919 : vector<112x128xf32>
    %mul3A_921 = arith.mulf %select_n3A_911, %sub3A_826 : vector<112x128xf32>
    %mul3A_922 = arith.mulf %select_n3A_908, %sub3A_847 : vector<112x128xf32>
    %add3A_923 = arith.addf %mul3A_921, %mul3A_922 : vector<112x128xf32>
    %mul3A_924 = arith.mulf %select_n3A_911, %add3A_923 : vector<112x128xf32>
    %mul3A_925 = arith.mulf %select_n3A_911, %sub3A_847 : vector<112x128xf32>
    %mul3A_926 = arith.mulf %select_n3A_908, %add3A_741 : vector<112x128xf32>
    %add3A_927 = arith.addf %mul3A_925, %mul3A_926 : vector<112x128xf32>
    %mul3A_928 = arith.mulf %select_n3A_908, %add3A_927 : vector<112x128xf32>
    %add3A_929 = arith.addf %mul3A_924, %mul3A_928 : vector<112x128xf32>
    %mul3A_930 = arith.mulf %select_n3A_911, %sub3A_826 : vector<112x128xf32>
    %mul3A_931 = arith.mulf %select_n3A_908, %sub3A_847 : vector<112x128xf32>
    %add3A_932 = arith.addf %mul3A_930, %mul3A_931 : vector<112x128xf32>
    %mul3A_933 = arith.mulf %select_n3A_908, %add3A_932 : vector<112x128xf32>
    %mul3A_934 = arith.mulf %select_n3A_911, %sub3A_847 : vector<112x128xf32>
    %mul3A_935 = arith.mulf %select_n3A_908, %add3A_741 : vector<112x128xf32>
    %add3A_936 = arith.addf %mul3A_934, %mul3A_935 : vector<112x128xf32>
    %mul3A_937 = arith.mulf %select_n3A_911, %add3A_936 : vector<112x128xf32>
    %sub3A_938 = arith.subf %mul3A_933, %mul3A_937 : vector<112x128xf32>
    %mul3A_939 = arith.mulf %select_n3A_908, %sub3A_844 : vector<112x128xf32>
    %mul3A_940 = arith.mulf %select_n3A_911, %add3A_850 : vector<112x128xf32>
    %sub3A_941 = arith.subf %mul3A_939, %mul3A_940 : vector<112x128xf32>
    %mul3A_942 = arith.mulf %select_n3A_911, %sub3A_844 : vector<112x128xf32>
    %mul3A_943 = arith.mulf %select_n3A_908, %add3A_850 : vector<112x128xf32>
    %add3A_944 = arith.addf %mul3A_942, %mul3A_943 : vector<112x128xf32>
    %mul3A_945 = arith.mulf %select_n3A_908, %sub3A_853 : vector<112x128xf32>
    %mul3A_946 = arith.mulf %select_n3A_911, %add3A_762 : vector<112x128xf32>
    %sub3A_947 = arith.subf %mul3A_945, %mul3A_946 : vector<112x128xf32>
    %mul3A_948 = arith.mulf %select_n3A_911, %sub3A_853 : vector<112x128xf32>
    %mul3A_949 = arith.mulf %select_n3A_908, %add3A_762 : vector<112x128xf32>
    %add3A_950 = arith.addf %mul3A_948, %mul3A_949 : vector<112x128xf32>
    %mul3A_951 = arith.mulf %select_n3A_908, %sub3A_859 : vector<112x128xf32>
    %mul3A_952 = arith.mulf %select_n3A_911, %add3A_768 : vector<112x128xf32>
    %sub3A_953 = arith.subf %mul3A_951, %mul3A_952 : vector<112x128xf32>
    %mul3A_954 = arith.mulf %select_n3A_911, %sub3A_859 : vector<112x128xf32>
    %mul3A_955 = arith.mulf %select_n3A_908, %add3A_768 : vector<112x128xf32>
    %add3A_956 = arith.addf %mul3A_954, %mul3A_955 : vector<112x128xf32>
    %mul3A_957 = arith.mulf %select_n3A_908, %sub3A_865 : vector<112x128xf32>
    %mul3A_958 = arith.mulf %select_n3A_911, %add3A_774 : vector<112x128xf32>
    %sub3A_959 = arith.subf %mul3A_957, %mul3A_958 : vector<112x128xf32>
    %mul3A_960 = arith.mulf %select_n3A_911, %sub3A_865 : vector<112x128xf32>
    %mul3A_961 = arith.mulf %select_n3A_908, %add3A_774 : vector<112x128xf32>
    %add3A_962 = arith.addf %mul3A_960, %mul3A_961 : vector<112x128xf32>
    %ne3A_963 = arith.constant 0.000000e+00 : f32
    %ne3A_964 = vector.broadcast %ne3A_963 : f32 to vector<112x128xf32>
    %ne3A_965 = arith.cmpf one, %add3A_944, %ne3A_964 : vector<112x128xf32>
    %jit3A_966 = arith.constant 1.000000e+00 : f32
    %broadcast_in_dim3A_967 = vector.broadcast %jit3A_966 : f32 to vector<112x128xf32>
    %select_n3A_968 = arith.select %ne3A_965, %add3A_944, %broadcast_in_dim3A_967 : vector<112x128xi1>, vector<112x128xf32>
    %sub3A_969 = arith.subf %add3A_929, %add3A_835 : vector<112x128xf32>
    %mul3A_970 = arith.constant 2.000000e+00 : f32
    %mul3A_971 = vector.broadcast %mul3A_970 : f32 to vector<112x128xf32>
    %mul3A_972 = arith.mulf %mul3A_971, %select_n3A_968 : vector<112x128xf32>
    %div3A_973 = arith.divf %sub3A_969, %mul3A_972 : vector<112x128xf32>
    %mul3A_974 = arith.mulf %div3A_973, %div3A_973 : vector<112x128xf32>
    %add3A_975 = arith.constant 1.000000e+00 : f32
    %add3A_976 = vector.broadcast %add3A_975 : f32 to vector<112x128xf32>
    %add3A_977 = arith.addf %add3A_976, %mul3A_974 : vector<112x128xf32>
    %sqrt3A_978 = math.sqrt %add3A_977 : vector<112x128xf32>
    %ge3A_979 = arith.constant 0.000000e+00 : f32
    %ge3A_980 = vector.broadcast %ge3A_979 : f32 to vector<112x128xf32>
    %ge3A_981 = arith.cmpf oge, %div3A_973, %ge3A_980 : vector<112x128xf32>
    %add3A_982 = arith.addf %div3A_973, %sqrt3A_978 : vector<112x128xf32>
    %div3A_983 = arith.constant 1.000000e+00 : f32
    %div3A_984 = vector.broadcast %div3A_983 : f32 to vector<112x128xf32>
    %div3A_985 = arith.divf %div3A_984, %add3A_982 : vector<112x128xf32>
    %sub3A_986 = arith.subf %div3A_973, %sqrt3A_978 : vector<112x128xf32>
    %div3A_987 = arith.constant 1.000000e+00 : f32
    %div3A_988 = vector.broadcast %div3A_987 : f32 to vector<112x128xf32>
    %div3A_989 = arith.divf %div3A_988, %sub3A_986 : vector<112x128xf32>
    %select_n3A_990 = arith.select %ge3A_981, %div3A_985, %div3A_989 : vector<112x128xi1>, vector<112x128xf32>
    %mul3A_991 = arith.mulf %select_n3A_990, %select_n3A_990 : vector<112x128xf32>
    %add3A_992 = arith.constant 1.000000e+00 : f32
    %add3A_993 = vector.broadcast %add3A_992 : f32 to vector<112x128xf32>
    %add3A_994 = arith.addf %add3A_993, %mul3A_991 : vector<112x128xf32>
    %sqrt3A_995 = math.sqrt %add3A_994 : vector<112x128xf32>
    %div3A_996 = arith.constant 1.000000e+00 : f32
    %div3A_997 = vector.broadcast %div3A_996 : f32 to vector<112x128xf32>
    %div3A_998 = arith.divf %div3A_997, %sqrt3A_995 : vector<112x128xf32>
    %mul3A_999 = arith.mulf %select_n3A_990, %div3A_998 : vector<112x128xf32>
    %jit3A_1000 = arith.constant 1.000000e+00 : f32
    %broadcast_in_dim3A_1001 = vector.broadcast %jit3A_1000 : f32 to vector<112x128xf32>
    %select_n3A_1002 = arith.select %ne3A_965, %div3A_998, %broadcast_in_dim3A_1001 : vector<112x128xi1>, vector<112x128xf32>
    %jit3A_1003 = arith.constant 0.000000e+00 : f32
    %broadcast_in_dim3A_1004 = vector.broadcast %jit3A_1003 : f32 to vector<112x128xf32>
    %select_n3A_1005 = arith.select %ne3A_965, %mul3A_999, %broadcast_in_dim3A_1004 : vector<112x128xi1>, vector<112x128xf32>
    %mul3A_1006 = arith.mulf %select_n3A_1002, %add3A_835 : vector<112x128xf32>
    %mul3A_1007 = arith.mulf %select_n3A_1005, %add3A_944 : vector<112x128xf32>
    %sub3A_1008 = arith.subf %mul3A_1006, %mul3A_1007 : vector<112x128xf32>
    %mul3A_1009 = arith.mulf %select_n3A_1002, %sub3A_1008 : vector<112x128xf32>
    %mul3A_1010 = arith.mulf %select_n3A_1002, %add3A_944 : vector<112x128xf32>
    %mul3A_1011 = arith.mulf %select_n3A_1005, %add3A_929 : vector<112x128xf32>
    %sub3A_1012 = arith.subf %mul3A_1010, %mul3A_1011 : vector<112x128xf32>
    %mul3A_1013 = arith.mulf %select_n3A_1005, %sub3A_1012 : vector<112x128xf32>
    %sub3A_1014 = arith.subf %mul3A_1009, %mul3A_1013 : vector<112x128xf32>
    %mul3A_1015 = arith.mulf %select_n3A_1005, %add3A_835 : vector<112x128xf32>
    %mul3A_1016 = arith.mulf %select_n3A_1002, %add3A_944 : vector<112x128xf32>
    %add3A_1017 = arith.addf %mul3A_1015, %mul3A_1016 : vector<112x128xf32>
    %mul3A_1018 = arith.mulf %select_n3A_1005, %add3A_1017 : vector<112x128xf32>
    %mul3A_1019 = arith.mulf %select_n3A_1005, %add3A_944 : vector<112x128xf32>
    %mul3A_1020 = arith.mulf %select_n3A_1002, %add3A_929 : vector<112x128xf32>
    %add3A_1021 = arith.addf %mul3A_1019, %mul3A_1020 : vector<112x128xf32>
    %mul3A_1022 = arith.mulf %select_n3A_1002, %add3A_1021 : vector<112x128xf32>
    %add3A_1023 = arith.addf %mul3A_1018, %mul3A_1022 : vector<112x128xf32>
    %mul3A_1024 = arith.mulf %select_n3A_1005, %add3A_835 : vector<112x128xf32>
    %mul3A_1025 = arith.mulf %select_n3A_1002, %add3A_944 : vector<112x128xf32>
    %add3A_1026 = arith.addf %mul3A_1024, %mul3A_1025 : vector<112x128xf32>
    %mul3A_1027 = arith.mulf %select_n3A_1002, %add3A_1026 : vector<112x128xf32>
    %mul3A_1028 = arith.mulf %select_n3A_1005, %add3A_944 : vector<112x128xf32>
    %mul3A_1029 = arith.mulf %select_n3A_1002, %add3A_929 : vector<112x128xf32>
    %add3A_1030 = arith.addf %mul3A_1028, %mul3A_1029 : vector<112x128xf32>
    %mul3A_1031 = arith.mulf %select_n3A_1005, %add3A_1030 : vector<112x128xf32>
    %sub3A_1032 = arith.subf %mul3A_1027, %mul3A_1031 : vector<112x128xf32>
    %mul3A_1033 = arith.mulf %select_n3A_1002, %sub3A_941 : vector<112x128xf32>
    %mul3A_1034 = arith.mulf %select_n3A_1005, %sub3A_938 : vector<112x128xf32>
    %sub3A_1035 = arith.subf %mul3A_1033, %mul3A_1034 : vector<112x128xf32>
    %mul3A_1036 = arith.mulf %select_n3A_1005, %sub3A_941 : vector<112x128xf32>
    %mul3A_1037 = arith.mulf %select_n3A_1002, %sub3A_938 : vector<112x128xf32>
    %add3A_1038 = arith.addf %mul3A_1036, %mul3A_1037 : vector<112x128xf32>
    %mul3A_1039 = arith.mulf %select_n3A_1002, %add3A_856 : vector<112x128xf32>
    %mul3A_1040 = arith.mulf %select_n3A_1005, %add3A_950 : vector<112x128xf32>
    %sub3A_1041 = arith.subf %mul3A_1039, %mul3A_1040 : vector<112x128xf32>
    %mul3A_1042 = arith.mulf %select_n3A_1005, %add3A_856 : vector<112x128xf32>
    %mul3A_1043 = arith.mulf %select_n3A_1002, %add3A_950 : vector<112x128xf32>
    %add3A_1044 = arith.addf %mul3A_1042, %mul3A_1043 : vector<112x128xf32>
    %mul3A_1045 = arith.mulf %select_n3A_1002, %add3A_862 : vector<112x128xf32>
    %mul3A_1046 = arith.mulf %select_n3A_1005, %add3A_956 : vector<112x128xf32>
    %sub3A_1047 = arith.subf %mul3A_1045, %mul3A_1046 : vector<112x128xf32>
    %mul3A_1048 = arith.mulf %select_n3A_1005, %add3A_862 : vector<112x128xf32>
    %mul3A_1049 = arith.mulf %select_n3A_1002, %add3A_956 : vector<112x128xf32>
    %add3A_1050 = arith.addf %mul3A_1048, %mul3A_1049 : vector<112x128xf32>
    %mul3A_1051 = arith.mulf %select_n3A_1002, %add3A_868 : vector<112x128xf32>
    %mul3A_1052 = arith.mulf %select_n3A_1005, %add3A_962 : vector<112x128xf32>
    %sub3A_1053 = arith.subf %mul3A_1051, %mul3A_1052 : vector<112x128xf32>
    %mul3A_1054 = arith.mulf %select_n3A_1005, %add3A_868 : vector<112x128xf32>
    %mul3A_1055 = arith.mulf %select_n3A_1002, %add3A_962 : vector<112x128xf32>
    %add3A_1056 = arith.addf %mul3A_1054, %mul3A_1055 : vector<112x128xf32>
    %ne3A_1057 = arith.constant 0.000000e+00 : f32
    %ne3A_1058 = vector.broadcast %ne3A_1057 : f32 to vector<112x128xf32>
    %ne3A_1059 = arith.cmpf one, %sub3A_1035, %ne3A_1058 : vector<112x128xf32>
    %jit3A_1060 = arith.constant 1.000000e+00 : f32
    %broadcast_in_dim3A_1061 = vector.broadcast %jit3A_1060 : f32 to vector<112x128xf32>
    %select_n3A_1062 = arith.select %ne3A_1059, %sub3A_1035, %broadcast_in_dim3A_1061 : vector<112x128xi1>, vector<112x128xf32>
    %sub3A_1063 = arith.subf %sub3A_1014, %sub3A_920 : vector<112x128xf32>
    %mul3A_1064 = arith.constant 2.000000e+00 : f32
    %mul3A_1065 = vector.broadcast %mul3A_1064 : f32 to vector<112x128xf32>
    %mul3A_1066 = arith.mulf %mul3A_1065, %select_n3A_1062 : vector<112x128xf32>
    %div3A_1067 = arith.divf %sub3A_1063, %mul3A_1066 : vector<112x128xf32>
    %mul3A_1068 = arith.mulf %div3A_1067, %div3A_1067 : vector<112x128xf32>
    %add3A_1069 = arith.constant 1.000000e+00 : f32
    %add3A_1070 = vector.broadcast %add3A_1069 : f32 to vector<112x128xf32>
    %add3A_1071 = arith.addf %add3A_1070, %mul3A_1068 : vector<112x128xf32>
    %sqrt3A_1072 = math.sqrt %add3A_1071 : vector<112x128xf32>
    %ge3A_1073 = arith.constant 0.000000e+00 : f32
    %ge3A_1074 = vector.broadcast %ge3A_1073 : f32 to vector<112x128xf32>
    %ge3A_1075 = arith.cmpf oge, %div3A_1067, %ge3A_1074 : vector<112x128xf32>
    %add3A_1076 = arith.addf %div3A_1067, %sqrt3A_1072 : vector<112x128xf32>
    %div3A_1077 = arith.constant 1.000000e+00 : f32
    %div3A_1078 = vector.broadcast %div3A_1077 : f32 to vector<112x128xf32>
    %div3A_1079 = arith.divf %div3A_1078, %add3A_1076 : vector<112x128xf32>
    %sub3A_1080 = arith.subf %div3A_1067, %sqrt3A_1072 : vector<112x128xf32>
    %div3A_1081 = arith.constant 1.000000e+00 : f32
    %div3A_1082 = vector.broadcast %div3A_1081 : f32 to vector<112x128xf32>
    %div3A_1083 = arith.divf %div3A_1082, %sub3A_1080 : vector<112x128xf32>
    %select_n3A_1084 = arith.select %ge3A_1075, %div3A_1079, %div3A_1083 : vector<112x128xi1>, vector<112x128xf32>
    %mul3A_1085 = arith.mulf %select_n3A_1084, %select_n3A_1084 : vector<112x128xf32>
    %add3A_1086 = arith.constant 1.000000e+00 : f32
    %add3A_1087 = vector.broadcast %add3A_1086 : f32 to vector<112x128xf32>
    %add3A_1088 = arith.addf %add3A_1087, %mul3A_1085 : vector<112x128xf32>
    %sqrt3A_1089 = math.sqrt %add3A_1088 : vector<112x128xf32>
    %div3A_1090 = arith.constant 1.000000e+00 : f32
    %div3A_1091 = vector.broadcast %div3A_1090 : f32 to vector<112x128xf32>
    %div3A_1092 = arith.divf %div3A_1091, %sqrt3A_1089 : vector<112x128xf32>
    %mul3A_1093 = arith.mulf %select_n3A_1084, %div3A_1092 : vector<112x128xf32>
    %jit3A_1094 = arith.constant 1.000000e+00 : f32
    %broadcast_in_dim3A_1095 = vector.broadcast %jit3A_1094 : f32 to vector<112x128xf32>
    %select_n3A_1096 = arith.select %ne3A_1059, %div3A_1092, %broadcast_in_dim3A_1095 : vector<112x128xi1>, vector<112x128xf32>
    %jit3A_1097 = arith.constant 0.000000e+00 : f32
    %broadcast_in_dim3A_1098 = vector.broadcast %jit3A_1097 : f32 to vector<112x128xf32>
    %select_n3A_1099 = arith.select %ne3A_1059, %mul3A_1093, %broadcast_in_dim3A_1098 : vector<112x128xi1>, vector<112x128xf32>
    %mul3A_1100 = arith.mulf %select_n3A_1096, %sub3A_920 : vector<112x128xf32>
    %mul3A_1101 = arith.mulf %select_n3A_1099, %sub3A_1035 : vector<112x128xf32>
    %sub3A_1102 = arith.subf %mul3A_1100, %mul3A_1101 : vector<112x128xf32>
    %mul3A_1103 = arith.mulf %select_n3A_1096, %sub3A_1102 : vector<112x128xf32>
    %mul3A_1104 = arith.mulf %select_n3A_1096, %sub3A_1035 : vector<112x128xf32>
    %mul3A_1105 = arith.mulf %select_n3A_1099, %sub3A_1014 : vector<112x128xf32>
    %sub3A_1106 = arith.subf %mul3A_1104, %mul3A_1105 : vector<112x128xf32>
    %mul3A_1107 = arith.mulf %select_n3A_1099, %sub3A_1106 : vector<112x128xf32>
    %sub3A_1108 = arith.subf %mul3A_1103, %mul3A_1107 : vector<112x128xf32>
    %mul3A_1109 = arith.mulf %select_n3A_1099, %sub3A_920 : vector<112x128xf32>
    %mul3A_1110 = arith.mulf %select_n3A_1096, %sub3A_1035 : vector<112x128xf32>
    %add3A_1111 = arith.addf %mul3A_1109, %mul3A_1110 : vector<112x128xf32>
    %mul3A_1112 = arith.mulf %select_n3A_1099, %add3A_1111 : vector<112x128xf32>
    %mul3A_1113 = arith.mulf %select_n3A_1099, %sub3A_1035 : vector<112x128xf32>
    %mul3A_1114 = arith.mulf %select_n3A_1096, %sub3A_1014 : vector<112x128xf32>
    %add3A_1115 = arith.addf %mul3A_1113, %mul3A_1114 : vector<112x128xf32>
    %mul3A_1116 = arith.mulf %select_n3A_1096, %add3A_1115 : vector<112x128xf32>
    %add3A_1117 = arith.addf %mul3A_1112, %mul3A_1116 : vector<112x128xf32>
    %mul3A_1118 = arith.mulf %select_n3A_1099, %sub3A_920 : vector<112x128xf32>
    %mul3A_1119 = arith.mulf %select_n3A_1096, %sub3A_1035 : vector<112x128xf32>
    %add3A_1120 = arith.addf %mul3A_1118, %mul3A_1119 : vector<112x128xf32>
    %mul3A_1121 = arith.mulf %select_n3A_1096, %add3A_1120 : vector<112x128xf32>
    %mul3A_1122 = arith.mulf %select_n3A_1099, %sub3A_1035 : vector<112x128xf32>
    %mul3A_1123 = arith.mulf %select_n3A_1096, %sub3A_1014 : vector<112x128xf32>
    %add3A_1124 = arith.addf %mul3A_1122, %mul3A_1123 : vector<112x128xf32>
    %mul3A_1125 = arith.mulf %select_n3A_1099, %add3A_1124 : vector<112x128xf32>
    %sub3A_1126 = arith.subf %mul3A_1121, %mul3A_1125 : vector<112x128xf32>
    %mul3A_1127 = arith.mulf %select_n3A_1096, %add3A_1038 : vector<112x128xf32>
    %mul3A_1128 = arith.mulf %select_n3A_1099, %sub3A_1032 : vector<112x128xf32>
    %sub3A_1129 = arith.subf %mul3A_1127, %mul3A_1128 : vector<112x128xf32>
    %mul3A_1130 = arith.mulf %select_n3A_1099, %add3A_1038 : vector<112x128xf32>
    %mul3A_1131 = arith.mulf %select_n3A_1096, %sub3A_1032 : vector<112x128xf32>
    %add3A_1132 = arith.addf %mul3A_1130, %mul3A_1131 : vector<112x128xf32>
    %mul3A_1133 = arith.mulf %select_n3A_1096, %sub3A_947 : vector<112x128xf32>
    %mul3A_1134 = arith.mulf %select_n3A_1099, %sub3A_1041 : vector<112x128xf32>
    %sub3A_1135 = arith.subf %mul3A_1133, %mul3A_1134 : vector<112x128xf32>
    %mul3A_1136 = arith.mulf %select_n3A_1099, %sub3A_947 : vector<112x128xf32>
    %mul3A_1137 = arith.mulf %select_n3A_1096, %sub3A_1041 : vector<112x128xf32>
    %add3A_1138 = arith.addf %mul3A_1136, %mul3A_1137 : vector<112x128xf32>
    %mul3A_1139 = arith.mulf %select_n3A_1096, %sub3A_953 : vector<112x128xf32>
    %mul3A_1140 = arith.mulf %select_n3A_1099, %sub3A_1047 : vector<112x128xf32>
    %sub3A_1141 = arith.subf %mul3A_1139, %mul3A_1140 : vector<112x128xf32>
    %mul3A_1142 = arith.mulf %select_n3A_1099, %sub3A_953 : vector<112x128xf32>
    %mul3A_1143 = arith.mulf %select_n3A_1096, %sub3A_1047 : vector<112x128xf32>
    %add3A_1144 = arith.addf %mul3A_1142, %mul3A_1143 : vector<112x128xf32>
    %mul3A_1145 = arith.mulf %select_n3A_1096, %sub3A_959 : vector<112x128xf32>
    %mul3A_1146 = arith.mulf %select_n3A_1099, %sub3A_1053 : vector<112x128xf32>
    %sub3A_1147 = arith.subf %mul3A_1145, %mul3A_1146 : vector<112x128xf32>
    %mul3A_1148 = arith.mulf %select_n3A_1099, %sub3A_959 : vector<112x128xf32>
    %mul3A_1149 = arith.mulf %select_n3A_1096, %sub3A_1053 : vector<112x128xf32>
    %add3A_1150 = arith.addf %mul3A_1148, %mul3A_1149 : vector<112x128xf32>
    %ne3A_1151 = arith.constant 0.000000e+00 : f32
    %ne3A_1152 = vector.broadcast %ne3A_1151 : f32 to vector<112x128xf32>
    %ne3A_1153 = arith.cmpf one, %sub3A_1129, %ne3A_1152 : vector<112x128xf32>
    %jit3A_1154 = arith.constant 1.000000e+00 : f32
    %broadcast_in_dim3A_1155 = vector.broadcast %jit3A_1154 : f32 to vector<112x128xf32>
    %select_n3A_1156 = arith.select %ne3A_1153, %sub3A_1129, %broadcast_in_dim3A_1155 : vector<112x128xi1>, vector<112x128xf32>
    %sub3A_1157 = arith.subf %add3A_1023, %sub3A_1108 : vector<112x128xf32>
    %mul3A_1158 = arith.constant 2.000000e+00 : f32
    %mul3A_1159 = vector.broadcast %mul3A_1158 : f32 to vector<112x128xf32>
    %mul3A_1160 = arith.mulf %mul3A_1159, %select_n3A_1156 : vector<112x128xf32>
    %div3A_1161 = arith.divf %sub3A_1157, %mul3A_1160 : vector<112x128xf32>
    %mul3A_1162 = arith.mulf %div3A_1161, %div3A_1161 : vector<112x128xf32>
    %add3A_1163 = arith.constant 1.000000e+00 : f32
    %add3A_1164 = vector.broadcast %add3A_1163 : f32 to vector<112x128xf32>
    %add3A_1165 = arith.addf %add3A_1164, %mul3A_1162 : vector<112x128xf32>
    %sqrt3A_1166 = math.sqrt %add3A_1165 : vector<112x128xf32>
    %ge3A_1167 = arith.constant 0.000000e+00 : f32
    %ge3A_1168 = vector.broadcast %ge3A_1167 : f32 to vector<112x128xf32>
    %ge3A_1169 = arith.cmpf oge, %div3A_1161, %ge3A_1168 : vector<112x128xf32>
    %add3A_1170 = arith.addf %div3A_1161, %sqrt3A_1166 : vector<112x128xf32>
    %div3A_1171 = arith.constant 1.000000e+00 : f32
    %div3A_1172 = vector.broadcast %div3A_1171 : f32 to vector<112x128xf32>
    %div3A_1173 = arith.divf %div3A_1172, %add3A_1170 : vector<112x128xf32>
    %sub3A_1174 = arith.subf %div3A_1161, %sqrt3A_1166 : vector<112x128xf32>
    %div3A_1175 = arith.constant 1.000000e+00 : f32
    %div3A_1176 = vector.broadcast %div3A_1175 : f32 to vector<112x128xf32>
    %div3A_1177 = arith.divf %div3A_1176, %sub3A_1174 : vector<112x128xf32>
    %select_n3A_1178 = arith.select %ge3A_1169, %div3A_1173, %div3A_1177 : vector<112x128xi1>, vector<112x128xf32>
    %mul3A_1179 = arith.mulf %select_n3A_1178, %select_n3A_1178 : vector<112x128xf32>
    %add3A_1180 = arith.constant 1.000000e+00 : f32
    %add3A_1181 = vector.broadcast %add3A_1180 : f32 to vector<112x128xf32>
    %add3A_1182 = arith.addf %add3A_1181, %mul3A_1179 : vector<112x128xf32>
    %sqrt3A_1183 = math.sqrt %add3A_1182 : vector<112x128xf32>
    %div3A_1184 = arith.constant 1.000000e+00 : f32
    %div3A_1185 = vector.broadcast %div3A_1184 : f32 to vector<112x128xf32>
    %div3A_1186 = arith.divf %div3A_1185, %sqrt3A_1183 : vector<112x128xf32>
    %mul3A_1187 = arith.mulf %select_n3A_1178, %div3A_1186 : vector<112x128xf32>
    %jit3A_1188 = arith.constant 1.000000e+00 : f32
    %broadcast_in_dim3A_1189 = vector.broadcast %jit3A_1188 : f32 to vector<112x128xf32>
    %select_n3A_1190 = arith.select %ne3A_1153, %div3A_1186, %broadcast_in_dim3A_1189 : vector<112x128xi1>, vector<112x128xf32>
    %jit3A_1191 = arith.constant 0.000000e+00 : f32
    %broadcast_in_dim3A_1192 = vector.broadcast %jit3A_1191 : f32 to vector<112x128xf32>
    %select_n3A_1193 = arith.select %ne3A_1153, %mul3A_1187, %broadcast_in_dim3A_1192 : vector<112x128xi1>, vector<112x128xf32>
    %mul3A_1194 = arith.mulf %select_n3A_1190, %sub3A_1108 : vector<112x128xf32>
    %mul3A_1195 = arith.mulf %select_n3A_1193, %sub3A_1129 : vector<112x128xf32>
    %sub3A_1196 = arith.subf %mul3A_1194, %mul3A_1195 : vector<112x128xf32>
    %mul3A_1197 = arith.mulf %select_n3A_1190, %sub3A_1196 : vector<112x128xf32>
    %mul3A_1198 = arith.mulf %select_n3A_1190, %sub3A_1129 : vector<112x128xf32>
    %mul3A_1199 = arith.mulf %select_n3A_1193, %add3A_1023 : vector<112x128xf32>
    %sub3A_1200 = arith.subf %mul3A_1198, %mul3A_1199 : vector<112x128xf32>
    %mul3A_1201 = arith.mulf %select_n3A_1193, %sub3A_1200 : vector<112x128xf32>
    %sub3A_1202 = arith.subf %mul3A_1197, %mul3A_1201 : vector<112x128xf32>
    %mul3A_1203 = arith.mulf %select_n3A_1193, %sub3A_1108 : vector<112x128xf32>
    %mul3A_1204 = arith.mulf %select_n3A_1190, %sub3A_1129 : vector<112x128xf32>
    %add3A_1205 = arith.addf %mul3A_1203, %mul3A_1204 : vector<112x128xf32>
    %mul3A_1206 = arith.mulf %select_n3A_1193, %add3A_1205 : vector<112x128xf32>
    %mul3A_1207 = arith.mulf %select_n3A_1193, %sub3A_1129 : vector<112x128xf32>
    %mul3A_1208 = arith.mulf %select_n3A_1190, %add3A_1023 : vector<112x128xf32>
    %add3A_1209 = arith.addf %mul3A_1207, %mul3A_1208 : vector<112x128xf32>
    %mul3A_1210 = arith.mulf %select_n3A_1190, %add3A_1209 : vector<112x128xf32>
    %add3A_1211 = arith.addf %mul3A_1206, %mul3A_1210 : vector<112x128xf32>
    %mul3A_1212 = arith.mulf %select_n3A_1193, %sub3A_1108 : vector<112x128xf32>
    %mul3A_1213 = arith.mulf %select_n3A_1190, %sub3A_1129 : vector<112x128xf32>
    %add3A_1214 = arith.addf %mul3A_1212, %mul3A_1213 : vector<112x128xf32>
    %mul3A_1215 = arith.mulf %select_n3A_1190, %add3A_1214 : vector<112x128xf32>
    %mul3A_1216 = arith.mulf %select_n3A_1193, %sub3A_1129 : vector<112x128xf32>
    %mul3A_1217 = arith.mulf %select_n3A_1190, %add3A_1023 : vector<112x128xf32>
    %add3A_1218 = arith.addf %mul3A_1216, %mul3A_1217 : vector<112x128xf32>
    %mul3A_1219 = arith.mulf %select_n3A_1193, %add3A_1218 : vector<112x128xf32>
    %sub3A_1220 = arith.subf %mul3A_1215, %mul3A_1219 : vector<112x128xf32>
    %mul3A_1221 = arith.mulf %select_n3A_1190, %sub3A_1126 : vector<112x128xf32>
    %mul3A_1222 = arith.mulf %select_n3A_1193, %add3A_1132 : vector<112x128xf32>
    %sub3A_1223 = arith.subf %mul3A_1221, %mul3A_1222 : vector<112x128xf32>
    %mul3A_1224 = arith.mulf %select_n3A_1193, %sub3A_1126 : vector<112x128xf32>
    %mul3A_1225 = arith.mulf %select_n3A_1190, %add3A_1132 : vector<112x128xf32>
    %add3A_1226 = arith.addf %mul3A_1224, %mul3A_1225 : vector<112x128xf32>
    %mul3A_1227 = arith.mulf %select_n3A_1190, %sub3A_1135 : vector<112x128xf32>
    %mul3A_1228 = arith.mulf %select_n3A_1193, %add3A_1044 : vector<112x128xf32>
    %sub3A_1229 = arith.subf %mul3A_1227, %mul3A_1228 : vector<112x128xf32>
    %mul3A_1230 = arith.mulf %select_n3A_1193, %sub3A_1135 : vector<112x128xf32>
    %mul3A_1231 = arith.mulf %select_n3A_1190, %add3A_1044 : vector<112x128xf32>
    %add3A_1232 = arith.addf %mul3A_1230, %mul3A_1231 : vector<112x128xf32>
    %mul3A_1233 = arith.mulf %select_n3A_1190, %sub3A_1141 : vector<112x128xf32>
    %mul3A_1234 = arith.mulf %select_n3A_1193, %add3A_1050 : vector<112x128xf32>
    %sub3A_1235 = arith.subf %mul3A_1233, %mul3A_1234 : vector<112x128xf32>
    %mul3A_1236 = arith.mulf %select_n3A_1193, %sub3A_1141 : vector<112x128xf32>
    %mul3A_1237 = arith.mulf %select_n3A_1190, %add3A_1050 : vector<112x128xf32>
    %add3A_1238 = arith.addf %mul3A_1236, %mul3A_1237 : vector<112x128xf32>
    %mul3A_1239 = arith.mulf %select_n3A_1190, %sub3A_1147 : vector<112x128xf32>
    %mul3A_1240 = arith.mulf %select_n3A_1193, %add3A_1056 : vector<112x128xf32>
    %sub3A_1241 = arith.subf %mul3A_1239, %mul3A_1240 : vector<112x128xf32>
    %mul3A_1242 = arith.mulf %select_n3A_1193, %sub3A_1147 : vector<112x128xf32>
    %mul3A_1243 = arith.mulf %select_n3A_1190, %add3A_1056 : vector<112x128xf32>
    %add3A_1244 = arith.addf %mul3A_1242, %mul3A_1243 : vector<112x128xf32>
    %ne3A_1245 = arith.constant 0.000000e+00 : f32
    %ne3A_1246 = vector.broadcast %ne3A_1245 : f32 to vector<112x128xf32>
    %ne3A_1247 = arith.cmpf one, %add3A_1226, %ne3A_1246 : vector<112x128xf32>
    %jit3A_1248 = arith.constant 1.000000e+00 : f32
    %broadcast_in_dim3A_1249 = vector.broadcast %jit3A_1248 : f32 to vector<112x128xf32>
    %select_n3A_1250 = arith.select %ne3A_1247, %add3A_1226, %broadcast_in_dim3A_1249 : vector<112x128xi1>, vector<112x128xf32>
    %sub3A_1251 = arith.subf %add3A_1211, %add3A_1117 : vector<112x128xf32>
    %mul3A_1252 = arith.constant 2.000000e+00 : f32
    %mul3A_1253 = vector.broadcast %mul3A_1252 : f32 to vector<112x128xf32>
    %mul3A_1254 = arith.mulf %mul3A_1253, %select_n3A_1250 : vector<112x128xf32>
    %div3A_1255 = arith.divf %sub3A_1251, %mul3A_1254 : vector<112x128xf32>
    %mul3A_1256 = arith.mulf %div3A_1255, %div3A_1255 : vector<112x128xf32>
    %add3A_1257 = arith.constant 1.000000e+00 : f32
    %add3A_1258 = vector.broadcast %add3A_1257 : f32 to vector<112x128xf32>
    %add3A_1259 = arith.addf %add3A_1258, %mul3A_1256 : vector<112x128xf32>
    %sqrt3A_1260 = math.sqrt %add3A_1259 : vector<112x128xf32>
    %ge3A_1261 = arith.constant 0.000000e+00 : f32
    %ge3A_1262 = vector.broadcast %ge3A_1261 : f32 to vector<112x128xf32>
    %ge3A_1263 = arith.cmpf oge, %div3A_1255, %ge3A_1262 : vector<112x128xf32>
    %add3A_1264 = arith.addf %div3A_1255, %sqrt3A_1260 : vector<112x128xf32>
    %div3A_1265 = arith.constant 1.000000e+00 : f32
    %div3A_1266 = vector.broadcast %div3A_1265 : f32 to vector<112x128xf32>
    %div3A_1267 = arith.divf %div3A_1266, %add3A_1264 : vector<112x128xf32>
    %sub3A_1268 = arith.subf %div3A_1255, %sqrt3A_1260 : vector<112x128xf32>
    %div3A_1269 = arith.constant 1.000000e+00 : f32
    %div3A_1270 = vector.broadcast %div3A_1269 : f32 to vector<112x128xf32>
    %div3A_1271 = arith.divf %div3A_1270, %sub3A_1268 : vector<112x128xf32>
    %select_n3A_1272 = arith.select %ge3A_1263, %div3A_1267, %div3A_1271 : vector<112x128xi1>, vector<112x128xf32>
    %mul3A_1273 = arith.mulf %select_n3A_1272, %select_n3A_1272 : vector<112x128xf32>
    %add3A_1274 = arith.constant 1.000000e+00 : f32
    %add3A_1275 = vector.broadcast %add3A_1274 : f32 to vector<112x128xf32>
    %add3A_1276 = arith.addf %add3A_1275, %mul3A_1273 : vector<112x128xf32>
    %sqrt3A_1277 = math.sqrt %add3A_1276 : vector<112x128xf32>
    %div3A_1278 = arith.constant 1.000000e+00 : f32
    %div3A_1279 = vector.broadcast %div3A_1278 : f32 to vector<112x128xf32>
    %div3A_1280 = arith.divf %div3A_1279, %sqrt3A_1277 : vector<112x128xf32>
    %mul3A_1281 = arith.mulf %select_n3A_1272, %div3A_1280 : vector<112x128xf32>
    %jit3A_1282 = arith.constant 1.000000e+00 : f32
    %broadcast_in_dim3A_1283 = vector.broadcast %jit3A_1282 : f32 to vector<112x128xf32>
    %select_n3A_1284 = arith.select %ne3A_1247, %div3A_1280, %broadcast_in_dim3A_1283 : vector<112x128xi1>, vector<112x128xf32>
    %jit3A_1285 = arith.constant 0.000000e+00 : f32
    %broadcast_in_dim3A_1286 = vector.broadcast %jit3A_1285 : f32 to vector<112x128xf32>
    %select_n3A_1287 = arith.select %ne3A_1247, %mul3A_1281, %broadcast_in_dim3A_1286 : vector<112x128xi1>, vector<112x128xf32>
    %mul3A_1288 = arith.mulf %select_n3A_1284, %add3A_1117 : vector<112x128xf32>
    %mul3A_1289 = arith.mulf %select_n3A_1287, %add3A_1226 : vector<112x128xf32>
    %sub3A_1290 = arith.subf %mul3A_1288, %mul3A_1289 : vector<112x128xf32>
    %mul3A_1291 = arith.mulf %select_n3A_1284, %sub3A_1290 : vector<112x128xf32>
    %mul3A_1292 = arith.mulf %select_n3A_1284, %add3A_1226 : vector<112x128xf32>
    %mul3A_1293 = arith.mulf %select_n3A_1287, %add3A_1211 : vector<112x128xf32>
    %sub3A_1294 = arith.subf %mul3A_1292, %mul3A_1293 : vector<112x128xf32>
    %mul3A_1295 = arith.mulf %select_n3A_1287, %sub3A_1294 : vector<112x128xf32>
    %sub3A_1296 = arith.subf %mul3A_1291, %mul3A_1295 : vector<112x128xf32>
    %mul3A_1297 = arith.mulf %select_n3A_1287, %add3A_1117 : vector<112x128xf32>
    %mul3A_1298 = arith.mulf %select_n3A_1284, %add3A_1226 : vector<112x128xf32>
    %add3A_1299 = arith.addf %mul3A_1297, %mul3A_1298 : vector<112x128xf32>
    %mul3A_1300 = arith.mulf %select_n3A_1287, %add3A_1299 : vector<112x128xf32>
    %mul3A_1301 = arith.mulf %select_n3A_1287, %add3A_1226 : vector<112x128xf32>
    %mul3A_1302 = arith.mulf %select_n3A_1284, %add3A_1211 : vector<112x128xf32>
    %add3A_1303 = arith.addf %mul3A_1301, %mul3A_1302 : vector<112x128xf32>
    %mul3A_1304 = arith.mulf %select_n3A_1284, %add3A_1303 : vector<112x128xf32>
    %add3A_1305 = arith.addf %mul3A_1300, %mul3A_1304 : vector<112x128xf32>
    %mul3A_1306 = arith.mulf %select_n3A_1287, %add3A_1117 : vector<112x128xf32>
    %mul3A_1307 = arith.mulf %select_n3A_1284, %add3A_1226 : vector<112x128xf32>
    %add3A_1308 = arith.addf %mul3A_1306, %mul3A_1307 : vector<112x128xf32>
    %mul3A_1309 = arith.mulf %select_n3A_1284, %add3A_1308 : vector<112x128xf32>
    %mul3A_1310 = arith.mulf %select_n3A_1287, %add3A_1226 : vector<112x128xf32>
    %mul3A_1311 = arith.mulf %select_n3A_1284, %add3A_1211 : vector<112x128xf32>
    %add3A_1312 = arith.addf %mul3A_1310, %mul3A_1311 : vector<112x128xf32>
    %mul3A_1313 = arith.mulf %select_n3A_1287, %add3A_1312 : vector<112x128xf32>
    %sub3A_1314 = arith.subf %mul3A_1309, %mul3A_1313 : vector<112x128xf32>
    %mul3A_1315 = arith.mulf %select_n3A_1284, %sub3A_1223 : vector<112x128xf32>
    %mul3A_1316 = arith.mulf %select_n3A_1287, %sub3A_1220 : vector<112x128xf32>
    %sub3A_1317 = arith.subf %mul3A_1315, %mul3A_1316 : vector<112x128xf32>
    %mul3A_1318 = arith.mulf %select_n3A_1287, %sub3A_1223 : vector<112x128xf32>
    %mul3A_1319 = arith.mulf %select_n3A_1284, %sub3A_1220 : vector<112x128xf32>
    %add3A_1320 = arith.addf %mul3A_1318, %mul3A_1319 : vector<112x128xf32>
    %mul3A_1321 = arith.mulf %select_n3A_1284, %add3A_1138 : vector<112x128xf32>
    %mul3A_1322 = arith.mulf %select_n3A_1287, %add3A_1232 : vector<112x128xf32>
    %sub3A_1323 = arith.subf %mul3A_1321, %mul3A_1322 : vector<112x128xf32>
    %mul3A_1324 = arith.mulf %select_n3A_1287, %add3A_1138 : vector<112x128xf32>
    %mul3A_1325 = arith.mulf %select_n3A_1284, %add3A_1232 : vector<112x128xf32>
    %add3A_1326 = arith.addf %mul3A_1324, %mul3A_1325 : vector<112x128xf32>
    %mul3A_1327 = arith.mulf %select_n3A_1284, %add3A_1144 : vector<112x128xf32>
    %mul3A_1328 = arith.mulf %select_n3A_1287, %add3A_1238 : vector<112x128xf32>
    %sub3A_1329 = arith.subf %mul3A_1327, %mul3A_1328 : vector<112x128xf32>
    %mul3A_1330 = arith.mulf %select_n3A_1287, %add3A_1144 : vector<112x128xf32>
    %mul3A_1331 = arith.mulf %select_n3A_1284, %add3A_1238 : vector<112x128xf32>
    %add3A_1332 = arith.addf %mul3A_1330, %mul3A_1331 : vector<112x128xf32>
    %mul3A_1333 = arith.mulf %select_n3A_1284, %add3A_1150 : vector<112x128xf32>
    %mul3A_1334 = arith.mulf %select_n3A_1287, %add3A_1244 : vector<112x128xf32>
    %sub3A_1335 = arith.subf %mul3A_1333, %mul3A_1334 : vector<112x128xf32>
    %mul3A_1336 = arith.mulf %select_n3A_1287, %add3A_1150 : vector<112x128xf32>
    %mul3A_1337 = arith.mulf %select_n3A_1284, %add3A_1244 : vector<112x128xf32>
    %add3A_1338 = arith.addf %mul3A_1336, %mul3A_1337 : vector<112x128xf32>
    %ne3A_1339 = arith.constant 0.000000e+00 : f32
    %ne3A_1340 = vector.broadcast %ne3A_1339 : f32 to vector<112x128xf32>
    %ne3A_1341 = arith.cmpf one, %sub3A_1317, %ne3A_1340 : vector<112x128xf32>
    %jit3A_1342 = arith.constant 1.000000e+00 : f32
    %broadcast_in_dim3A_1343 = vector.broadcast %jit3A_1342 : f32 to vector<112x128xf32>
    %select_n3A_1344 = arith.select %ne3A_1341, %sub3A_1317, %broadcast_in_dim3A_1343 : vector<112x128xi1>, vector<112x128xf32>
    %sub3A_1345 = arith.subf %sub3A_1296, %sub3A_1202 : vector<112x128xf32>
    %mul3A_1346 = arith.constant 2.000000e+00 : f32
    %mul3A_1347 = vector.broadcast %mul3A_1346 : f32 to vector<112x128xf32>
    %mul3A_1348 = arith.mulf %mul3A_1347, %select_n3A_1344 : vector<112x128xf32>
    %div3A_1349 = arith.divf %sub3A_1345, %mul3A_1348 : vector<112x128xf32>
    %mul3A_1350 = arith.mulf %div3A_1349, %div3A_1349 : vector<112x128xf32>
    %add3A_1351 = arith.constant 1.000000e+00 : f32
    %add3A_1352 = vector.broadcast %add3A_1351 : f32 to vector<112x128xf32>
    %add3A_1353 = arith.addf %add3A_1352, %mul3A_1350 : vector<112x128xf32>
    %sqrt3A_1354 = math.sqrt %add3A_1353 : vector<112x128xf32>
    %ge3A_1355 = arith.constant 0.000000e+00 : f32
    %ge3A_1356 = vector.broadcast %ge3A_1355 : f32 to vector<112x128xf32>
    %ge3A_1357 = arith.cmpf oge, %div3A_1349, %ge3A_1356 : vector<112x128xf32>
    %add3A_1358 = arith.addf %div3A_1349, %sqrt3A_1354 : vector<112x128xf32>
    %div3A_1359 = arith.constant 1.000000e+00 : f32
    %div3A_1360 = vector.broadcast %div3A_1359 : f32 to vector<112x128xf32>
    %div3A_1361 = arith.divf %div3A_1360, %add3A_1358 : vector<112x128xf32>
    %sub3A_1362 = arith.subf %div3A_1349, %sqrt3A_1354 : vector<112x128xf32>
    %div3A_1363 = arith.constant 1.000000e+00 : f32
    %div3A_1364 = vector.broadcast %div3A_1363 : f32 to vector<112x128xf32>
    %div3A_1365 = arith.divf %div3A_1364, %sub3A_1362 : vector<112x128xf32>
    %select_n3A_1366 = arith.select %ge3A_1357, %div3A_1361, %div3A_1365 : vector<112x128xi1>, vector<112x128xf32>
    %mul3A_1367 = arith.mulf %select_n3A_1366, %select_n3A_1366 : vector<112x128xf32>
    %add3A_1368 = arith.constant 1.000000e+00 : f32
    %add3A_1369 = vector.broadcast %add3A_1368 : f32 to vector<112x128xf32>
    %add3A_1370 = arith.addf %add3A_1369, %mul3A_1367 : vector<112x128xf32>
    %sqrt3A_1371 = math.sqrt %add3A_1370 : vector<112x128xf32>
    %div3A_1372 = arith.constant 1.000000e+00 : f32
    %div3A_1373 = vector.broadcast %div3A_1372 : f32 to vector<112x128xf32>
    %div3A_1374 = arith.divf %div3A_1373, %sqrt3A_1371 : vector<112x128xf32>
    %mul3A_1375 = arith.mulf %select_n3A_1366, %div3A_1374 : vector<112x128xf32>
    %jit3A_1376 = arith.constant 1.000000e+00 : f32
    %broadcast_in_dim3A_1377 = vector.broadcast %jit3A_1376 : f32 to vector<112x128xf32>
    %select_n3A_1378 = arith.select %ne3A_1341, %div3A_1374, %broadcast_in_dim3A_1377 : vector<112x128xi1>, vector<112x128xf32>
    %jit3A_1379 = arith.constant 0.000000e+00 : f32
    %broadcast_in_dim3A_1380 = vector.broadcast %jit3A_1379 : f32 to vector<112x128xf32>
    %select_n3A_1381 = arith.select %ne3A_1341, %mul3A_1375, %broadcast_in_dim3A_1380 : vector<112x128xi1>, vector<112x128xf32>
    %mul3A_1382 = arith.mulf %select_n3A_1378, %sub3A_1202 : vector<112x128xf32>
    %mul3A_1383 = arith.mulf %select_n3A_1381, %sub3A_1317 : vector<112x128xf32>
    %sub3A_1384 = arith.subf %mul3A_1382, %mul3A_1383 : vector<112x128xf32>
    %mul3A_1385 = arith.mulf %select_n3A_1378, %sub3A_1384 : vector<112x128xf32>
    %mul3A_1386 = arith.mulf %select_n3A_1378, %sub3A_1317 : vector<112x128xf32>
    %mul3A_1387 = arith.mulf %select_n3A_1381, %sub3A_1296 : vector<112x128xf32>
    %sub3A_1388 = arith.subf %mul3A_1386, %mul3A_1387 : vector<112x128xf32>
    %mul3A_1389 = arith.mulf %select_n3A_1381, %sub3A_1388 : vector<112x128xf32>
    %sub3A_1390 = arith.subf %mul3A_1385, %mul3A_1389 : vector<112x128xf32>
    %mul3A_1391 = arith.mulf %select_n3A_1381, %sub3A_1202 : vector<112x128xf32>
    %mul3A_1392 = arith.mulf %select_n3A_1378, %sub3A_1317 : vector<112x128xf32>
    %add3A_1393 = arith.addf %mul3A_1391, %mul3A_1392 : vector<112x128xf32>
    %mul3A_1394 = arith.mulf %select_n3A_1381, %add3A_1393 : vector<112x128xf32>
    %mul3A_1395 = arith.mulf %select_n3A_1381, %sub3A_1317 : vector<112x128xf32>
    %mul3A_1396 = arith.mulf %select_n3A_1378, %sub3A_1296 : vector<112x128xf32>
    %add3A_1397 = arith.addf %mul3A_1395, %mul3A_1396 : vector<112x128xf32>
    %mul3A_1398 = arith.mulf %select_n3A_1378, %add3A_1397 : vector<112x128xf32>
    %add3A_1399 = arith.addf %mul3A_1394, %mul3A_1398 : vector<112x128xf32>
    %mul3A_1400 = arith.mulf %select_n3A_1381, %sub3A_1202 : vector<112x128xf32>
    %mul3A_1401 = arith.mulf %select_n3A_1378, %sub3A_1317 : vector<112x128xf32>
    %add3A_1402 = arith.addf %mul3A_1400, %mul3A_1401 : vector<112x128xf32>
    %mul3A_1403 = arith.mulf %select_n3A_1378, %add3A_1402 : vector<112x128xf32>
    %mul3A_1404 = arith.mulf %select_n3A_1381, %sub3A_1317 : vector<112x128xf32>
    %mul3A_1405 = arith.mulf %select_n3A_1378, %sub3A_1296 : vector<112x128xf32>
    %add3A_1406 = arith.addf %mul3A_1404, %mul3A_1405 : vector<112x128xf32>
    %mul3A_1407 = arith.mulf %select_n3A_1381, %add3A_1406 : vector<112x128xf32>
    %sub3A_1408 = arith.subf %mul3A_1403, %mul3A_1407 : vector<112x128xf32>
    %mul3A_1409 = arith.mulf %select_n3A_1378, %add3A_1320 : vector<112x128xf32>
    %mul3A_1410 = arith.mulf %select_n3A_1381, %sub3A_1314 : vector<112x128xf32>
    %sub3A_1411 = arith.subf %mul3A_1409, %mul3A_1410 : vector<112x128xf32>
    %mul3A_1412 = arith.mulf %select_n3A_1381, %add3A_1320 : vector<112x128xf32>
    %mul3A_1413 = arith.mulf %select_n3A_1378, %sub3A_1314 : vector<112x128xf32>
    %add3A_1414 = arith.addf %mul3A_1412, %mul3A_1413 : vector<112x128xf32>
    %mul3A_1415 = arith.mulf %select_n3A_1378, %sub3A_1229 : vector<112x128xf32>
    %mul3A_1416 = arith.mulf %select_n3A_1381, %sub3A_1323 : vector<112x128xf32>
    %sub3A_1417 = arith.subf %mul3A_1415, %mul3A_1416 : vector<112x128xf32>
    %mul3A_1418 = arith.mulf %select_n3A_1381, %sub3A_1229 : vector<112x128xf32>
    %mul3A_1419 = arith.mulf %select_n3A_1378, %sub3A_1323 : vector<112x128xf32>
    %add3A_1420 = arith.addf %mul3A_1418, %mul3A_1419 : vector<112x128xf32>
    %mul3A_1421 = arith.mulf %select_n3A_1378, %sub3A_1235 : vector<112x128xf32>
    %mul3A_1422 = arith.mulf %select_n3A_1381, %sub3A_1329 : vector<112x128xf32>
    %sub3A_1423 = arith.subf %mul3A_1421, %mul3A_1422 : vector<112x128xf32>
    %mul3A_1424 = arith.mulf %select_n3A_1381, %sub3A_1235 : vector<112x128xf32>
    %mul3A_1425 = arith.mulf %select_n3A_1378, %sub3A_1329 : vector<112x128xf32>
    %add3A_1426 = arith.addf %mul3A_1424, %mul3A_1425 : vector<112x128xf32>
    %mul3A_1427 = arith.mulf %select_n3A_1378, %sub3A_1241 : vector<112x128xf32>
    %mul3A_1428 = arith.mulf %select_n3A_1381, %sub3A_1335 : vector<112x128xf32>
    %sub3A_1429 = arith.subf %mul3A_1427, %mul3A_1428 : vector<112x128xf32>
    %mul3A_1430 = arith.mulf %select_n3A_1381, %sub3A_1241 : vector<112x128xf32>
    %mul3A_1431 = arith.mulf %select_n3A_1378, %sub3A_1335 : vector<112x128xf32>
    %add3A_1432 = arith.addf %mul3A_1430, %mul3A_1431 : vector<112x128xf32>
    %ne3A_1433 = arith.constant 0.000000e+00 : f32
    %ne3A_1434 = vector.broadcast %ne3A_1433 : f32 to vector<112x128xf32>
    %ne3A_1435 = arith.cmpf one, %sub3A_1411, %ne3A_1434 : vector<112x128xf32>
    %jit3A_1436 = arith.constant 1.000000e+00 : f32
    %broadcast_in_dim3A_1437 = vector.broadcast %jit3A_1436 : f32 to vector<112x128xf32>
    %select_n3A_1438 = arith.select %ne3A_1435, %sub3A_1411, %broadcast_in_dim3A_1437 : vector<112x128xi1>, vector<112x128xf32>
    %sub3A_1439 = arith.subf %add3A_1305, %sub3A_1390 : vector<112x128xf32>
    %mul3A_1440 = arith.constant 2.000000e+00 : f32
    %mul3A_1441 = vector.broadcast %mul3A_1440 : f32 to vector<112x128xf32>
    %mul3A_1442 = arith.mulf %mul3A_1441, %select_n3A_1438 : vector<112x128xf32>
    %div3A_1443 = arith.divf %sub3A_1439, %mul3A_1442 : vector<112x128xf32>
    %mul3A_1444 = arith.mulf %div3A_1443, %div3A_1443 : vector<112x128xf32>
    %add3A_1445 = arith.constant 1.000000e+00 : f32
    %add3A_1446 = vector.broadcast %add3A_1445 : f32 to vector<112x128xf32>
    %add3A_1447 = arith.addf %add3A_1446, %mul3A_1444 : vector<112x128xf32>
    %sqrt3A_1448 = math.sqrt %add3A_1447 : vector<112x128xf32>
    %ge3A_1449 = arith.constant 0.000000e+00 : f32
    %ge3A_1450 = vector.broadcast %ge3A_1449 : f32 to vector<112x128xf32>
    %ge3A_1451 = arith.cmpf oge, %div3A_1443, %ge3A_1450 : vector<112x128xf32>
    %add3A_1452 = arith.addf %div3A_1443, %sqrt3A_1448 : vector<112x128xf32>
    %div3A_1453 = arith.constant 1.000000e+00 : f32
    %div3A_1454 = vector.broadcast %div3A_1453 : f32 to vector<112x128xf32>
    %div3A_1455 = arith.divf %div3A_1454, %add3A_1452 : vector<112x128xf32>
    %sub3A_1456 = arith.subf %div3A_1443, %sqrt3A_1448 : vector<112x128xf32>
    %div3A_1457 = arith.constant 1.000000e+00 : f32
    %div3A_1458 = vector.broadcast %div3A_1457 : f32 to vector<112x128xf32>
    %div3A_1459 = arith.divf %div3A_1458, %sub3A_1456 : vector<112x128xf32>
    %select_n3A_1460 = arith.select %ge3A_1451, %div3A_1455, %div3A_1459 : vector<112x128xi1>, vector<112x128xf32>
    %mul3A_1461 = arith.mulf %select_n3A_1460, %select_n3A_1460 : vector<112x128xf32>
    %add3A_1462 = arith.constant 1.000000e+00 : f32
    %add3A_1463 = vector.broadcast %add3A_1462 : f32 to vector<112x128xf32>
    %add3A_1464 = arith.addf %add3A_1463, %mul3A_1461 : vector<112x128xf32>
    %sqrt3A_1465 = math.sqrt %add3A_1464 : vector<112x128xf32>
    %div3A_1466 = arith.constant 1.000000e+00 : f32
    %div3A_1467 = vector.broadcast %div3A_1466 : f32 to vector<112x128xf32>
    %div3A_1468 = arith.divf %div3A_1467, %sqrt3A_1465 : vector<112x128xf32>
    %mul3A_1469 = arith.mulf %select_n3A_1460, %div3A_1468 : vector<112x128xf32>
    %jit3A_1470 = arith.constant 1.000000e+00 : f32
    %broadcast_in_dim3A_1471 = vector.broadcast %jit3A_1470 : f32 to vector<112x128xf32>
    %select_n3A_1472 = arith.select %ne3A_1435, %div3A_1468, %broadcast_in_dim3A_1471 : vector<112x128xi1>, vector<112x128xf32>
    %jit3A_1473 = arith.constant 0.000000e+00 : f32
    %broadcast_in_dim3A_1474 = vector.broadcast %jit3A_1473 : f32 to vector<112x128xf32>
    %select_n3A_1475 = arith.select %ne3A_1435, %mul3A_1469, %broadcast_in_dim3A_1474 : vector<112x128xi1>, vector<112x128xf32>
    %mul3A_1476 = arith.mulf %select_n3A_1472, %sub3A_1390 : vector<112x128xf32>
    %mul3A_1477 = arith.mulf %select_n3A_1475, %sub3A_1411 : vector<112x128xf32>
    %sub3A_1478 = arith.subf %mul3A_1476, %mul3A_1477 : vector<112x128xf32>
    %mul3A_1479 = arith.mulf %select_n3A_1472, %sub3A_1478 : vector<112x128xf32>
    %mul3A_1480 = arith.mulf %select_n3A_1472, %sub3A_1411 : vector<112x128xf32>
    %mul3A_1481 = arith.mulf %select_n3A_1475, %add3A_1305 : vector<112x128xf32>
    %sub3A_1482 = arith.subf %mul3A_1480, %mul3A_1481 : vector<112x128xf32>
    %mul3A_1483 = arith.mulf %select_n3A_1475, %sub3A_1482 : vector<112x128xf32>
    %sub3A_1484 = arith.subf %mul3A_1479, %mul3A_1483 : vector<112x128xf32>
    %mul3A_1485 = arith.mulf %select_n3A_1475, %sub3A_1390 : vector<112x128xf32>
    %mul3A_1486 = arith.mulf %select_n3A_1472, %sub3A_1411 : vector<112x128xf32>
    %add3A_1487 = arith.addf %mul3A_1485, %mul3A_1486 : vector<112x128xf32>
    %mul3A_1488 = arith.mulf %select_n3A_1475, %add3A_1487 : vector<112x128xf32>
    %mul3A_1489 = arith.mulf %select_n3A_1475, %sub3A_1411 : vector<112x128xf32>
    %mul3A_1490 = arith.mulf %select_n3A_1472, %add3A_1305 : vector<112x128xf32>
    %add3A_1491 = arith.addf %mul3A_1489, %mul3A_1490 : vector<112x128xf32>
    %mul3A_1492 = arith.mulf %select_n3A_1472, %add3A_1491 : vector<112x128xf32>
    %add3A_1493 = arith.addf %mul3A_1488, %mul3A_1492 : vector<112x128xf32>
    %mul3A_1494 = arith.mulf %select_n3A_1475, %sub3A_1390 : vector<112x128xf32>
    %mul3A_1495 = arith.mulf %select_n3A_1472, %sub3A_1411 : vector<112x128xf32>
    %add3A_1496 = arith.addf %mul3A_1494, %mul3A_1495 : vector<112x128xf32>
    %mul3A_1497 = arith.mulf %select_n3A_1472, %add3A_1496 : vector<112x128xf32>
    %mul3A_1498 = arith.mulf %select_n3A_1475, %sub3A_1411 : vector<112x128xf32>
    %mul3A_1499 = arith.mulf %select_n3A_1472, %add3A_1305 : vector<112x128xf32>
    %add3A_1500 = arith.addf %mul3A_1498, %mul3A_1499 : vector<112x128xf32>
    %mul3A_1501 = arith.mulf %select_n3A_1475, %add3A_1500 : vector<112x128xf32>
    %sub3A_1502 = arith.subf %mul3A_1497, %mul3A_1501 : vector<112x128xf32>
    %mul3A_1503 = arith.mulf %select_n3A_1472, %sub3A_1408 : vector<112x128xf32>
    %mul3A_1504 = arith.mulf %select_n3A_1475, %add3A_1414 : vector<112x128xf32>
    %sub3A_1505 = arith.subf %mul3A_1503, %mul3A_1504 : vector<112x128xf32>
    %mul3A_1506 = arith.mulf %select_n3A_1475, %sub3A_1408 : vector<112x128xf32>
    %mul3A_1507 = arith.mulf %select_n3A_1472, %add3A_1414 : vector<112x128xf32>
    %add3A_1508 = arith.addf %mul3A_1506, %mul3A_1507 : vector<112x128xf32>
    %mul3A_1509 = arith.mulf %select_n3A_1472, %sub3A_1417 : vector<112x128xf32>
    %mul3A_1510 = arith.mulf %select_n3A_1475, %add3A_1326 : vector<112x128xf32>
    %sub3A_1511 = arith.subf %mul3A_1509, %mul3A_1510 : vector<112x128xf32>
    %mul3A_1512 = arith.mulf %select_n3A_1475, %sub3A_1417 : vector<112x128xf32>
    %mul3A_1513 = arith.mulf %select_n3A_1472, %add3A_1326 : vector<112x128xf32>
    %add3A_1514 = arith.addf %mul3A_1512, %mul3A_1513 : vector<112x128xf32>
    %mul3A_1515 = arith.mulf %select_n3A_1472, %sub3A_1423 : vector<112x128xf32>
    %mul3A_1516 = arith.mulf %select_n3A_1475, %add3A_1332 : vector<112x128xf32>
    %sub3A_1517 = arith.subf %mul3A_1515, %mul3A_1516 : vector<112x128xf32>
    %mul3A_1518 = arith.mulf %select_n3A_1475, %sub3A_1423 : vector<112x128xf32>
    %mul3A_1519 = arith.mulf %select_n3A_1472, %add3A_1332 : vector<112x128xf32>
    %add3A_1520 = arith.addf %mul3A_1518, %mul3A_1519 : vector<112x128xf32>
    %mul3A_1521 = arith.mulf %select_n3A_1472, %sub3A_1429 : vector<112x128xf32>
    %mul3A_1522 = arith.mulf %select_n3A_1475, %add3A_1338 : vector<112x128xf32>
    %sub3A_1523 = arith.subf %mul3A_1521, %mul3A_1522 : vector<112x128xf32>
    %mul3A_1524 = arith.mulf %select_n3A_1475, %sub3A_1429 : vector<112x128xf32>
    %mul3A_1525 = arith.mulf %select_n3A_1472, %add3A_1338 : vector<112x128xf32>
    %add3A_1526 = arith.addf %mul3A_1524, %mul3A_1525 : vector<112x128xf32>
    %ne3A_1527 = arith.constant 0.000000e+00 : f32
    %ne3A_1528 = vector.broadcast %ne3A_1527 : f32 to vector<112x128xf32>
    %ne3A_1529 = arith.cmpf one, %add3A_1508, %ne3A_1528 : vector<112x128xf32>
    %jit3A_1530 = arith.constant 1.000000e+00 : f32
    %broadcast_in_dim3A_1531 = vector.broadcast %jit3A_1530 : f32 to vector<112x128xf32>
    %select_n3A_1532 = arith.select %ne3A_1529, %add3A_1508, %broadcast_in_dim3A_1531 : vector<112x128xi1>, vector<112x128xf32>
    %sub3A_1533 = arith.subf %add3A_1493, %add3A_1399 : vector<112x128xf32>
    %mul3A_1534 = arith.constant 2.000000e+00 : f32
    %mul3A_1535 = vector.broadcast %mul3A_1534 : f32 to vector<112x128xf32>
    %mul3A_1536 = arith.mulf %mul3A_1535, %select_n3A_1532 : vector<112x128xf32>
    %div3A_1537 = arith.divf %sub3A_1533, %mul3A_1536 : vector<112x128xf32>
    %mul3A_1538 = arith.mulf %div3A_1537, %div3A_1537 : vector<112x128xf32>
    %add3A_1539 = arith.constant 1.000000e+00 : f32
    %add3A_1540 = vector.broadcast %add3A_1539 : f32 to vector<112x128xf32>
    %add3A_1541 = arith.addf %add3A_1540, %mul3A_1538 : vector<112x128xf32>
    %sqrt3A_1542 = math.sqrt %add3A_1541 : vector<112x128xf32>
    %ge3A_1543 = arith.constant 0.000000e+00 : f32
    %ge3A_1544 = vector.broadcast %ge3A_1543 : f32 to vector<112x128xf32>
    %ge3A_1545 = arith.cmpf oge, %div3A_1537, %ge3A_1544 : vector<112x128xf32>
    %add3A_1546 = arith.addf %div3A_1537, %sqrt3A_1542 : vector<112x128xf32>
    %div3A_1547 = arith.constant 1.000000e+00 : f32
    %div3A_1548 = vector.broadcast %div3A_1547 : f32 to vector<112x128xf32>
    %div3A_1549 = arith.divf %div3A_1548, %add3A_1546 : vector<112x128xf32>
    %sub3A_1550 = arith.subf %div3A_1537, %sqrt3A_1542 : vector<112x128xf32>
    %div3A_1551 = arith.constant 1.000000e+00 : f32
    %div3A_1552 = vector.broadcast %div3A_1551 : f32 to vector<112x128xf32>
    %div3A_1553 = arith.divf %div3A_1552, %sub3A_1550 : vector<112x128xf32>
    %select_n3A_1554 = arith.select %ge3A_1545, %div3A_1549, %div3A_1553 : vector<112x128xi1>, vector<112x128xf32>
    %mul3A_1555 = arith.mulf %select_n3A_1554, %select_n3A_1554 : vector<112x128xf32>
    %add3A_1556 = arith.constant 1.000000e+00 : f32
    %add3A_1557 = vector.broadcast %add3A_1556 : f32 to vector<112x128xf32>
    %add3A_1558 = arith.addf %add3A_1557, %mul3A_1555 : vector<112x128xf32>
    %sqrt3A_1559 = math.sqrt %add3A_1558 : vector<112x128xf32>
    %div3A_1560 = arith.constant 1.000000e+00 : f32
    %div3A_1561 = vector.broadcast %div3A_1560 : f32 to vector<112x128xf32>
    %div3A_1562 = arith.divf %div3A_1561, %sqrt3A_1559 : vector<112x128xf32>
    %mul3A_1563 = arith.mulf %select_n3A_1554, %div3A_1562 : vector<112x128xf32>
    %jit3A_1564 = arith.constant 1.000000e+00 : f32
    %broadcast_in_dim3A_1565 = vector.broadcast %jit3A_1564 : f32 to vector<112x128xf32>
    %select_n3A_1566 = arith.select %ne3A_1529, %div3A_1562, %broadcast_in_dim3A_1565 : vector<112x128xi1>, vector<112x128xf32>
    %jit3A_1567 = arith.constant 0.000000e+00 : f32
    %broadcast_in_dim3A_1568 = vector.broadcast %jit3A_1567 : f32 to vector<112x128xf32>
    %select_n3A_1569 = arith.select %ne3A_1529, %mul3A_1563, %broadcast_in_dim3A_1568 : vector<112x128xi1>, vector<112x128xf32>
    %mul3A_1570 = arith.mulf %select_n3A_1566, %add3A_1399 : vector<112x128xf32>
    %mul3A_1571 = arith.mulf %select_n3A_1569, %add3A_1508 : vector<112x128xf32>
    %sub3A_1572 = arith.subf %mul3A_1570, %mul3A_1571 : vector<112x128xf32>
    %mul3A_1573 = arith.mulf %select_n3A_1566, %sub3A_1572 : vector<112x128xf32>
    %mul3A_1574 = arith.mulf %select_n3A_1566, %add3A_1508 : vector<112x128xf32>
    %mul3A_1575 = arith.mulf %select_n3A_1569, %add3A_1493 : vector<112x128xf32>
    %sub3A_1576 = arith.subf %mul3A_1574, %mul3A_1575 : vector<112x128xf32>
    %mul3A_1577 = arith.mulf %select_n3A_1569, %sub3A_1576 : vector<112x128xf32>
    %sub3A_1578 = arith.subf %mul3A_1573, %mul3A_1577 : vector<112x128xf32>
    %mul3A_1579 = arith.mulf %select_n3A_1569, %add3A_1399 : vector<112x128xf32>
    %mul3A_1580 = arith.mulf %select_n3A_1566, %add3A_1508 : vector<112x128xf32>
    %add3A_1581 = arith.addf %mul3A_1579, %mul3A_1580 : vector<112x128xf32>
    %mul3A_1582 = arith.mulf %select_n3A_1569, %add3A_1581 : vector<112x128xf32>
    %mul3A_1583 = arith.mulf %select_n3A_1569, %add3A_1508 : vector<112x128xf32>
    %mul3A_1584 = arith.mulf %select_n3A_1566, %add3A_1493 : vector<112x128xf32>
    %add3A_1585 = arith.addf %mul3A_1583, %mul3A_1584 : vector<112x128xf32>
    %mul3A_1586 = arith.mulf %select_n3A_1566, %add3A_1585 : vector<112x128xf32>
    %add3A_1587 = arith.addf %mul3A_1582, %mul3A_1586 : vector<112x128xf32>
    %mul3A_1588 = arith.mulf %select_n3A_1566, %sub3A_1505 : vector<112x128xf32>
    %mul3A_1589 = arith.mulf %select_n3A_1569, %sub3A_1502 : vector<112x128xf32>
    %sub3A_1590 = arith.subf %mul3A_1588, %mul3A_1589 : vector<112x128xf32>
    %mul3A_1591 = arith.mulf %select_n3A_1566, %add3A_1420 : vector<112x128xf32>
    %mul3A_1592 = arith.mulf %select_n3A_1569, %add3A_1514 : vector<112x128xf32>
    %sub3A_1593 = arith.subf %mul3A_1591, %mul3A_1592 : vector<112x128xf32>
    %mul3A_1594 = arith.mulf %select_n3A_1569, %add3A_1420 : vector<112x128xf32>
    %mul3A_1595 = arith.mulf %select_n3A_1566, %add3A_1514 : vector<112x128xf32>
    %add3A_1596 = arith.addf %mul3A_1594, %mul3A_1595 : vector<112x128xf32>
    %mul3A_1597 = arith.mulf %select_n3A_1566, %add3A_1426 : vector<112x128xf32>
    %mul3A_1598 = arith.mulf %select_n3A_1569, %add3A_1520 : vector<112x128xf32>
    %sub3A_1599 = arith.subf %mul3A_1597, %mul3A_1598 : vector<112x128xf32>
    %mul3A_1600 = arith.mulf %select_n3A_1569, %add3A_1426 : vector<112x128xf32>
    %mul3A_1601 = arith.mulf %select_n3A_1566, %add3A_1520 : vector<112x128xf32>
    %add3A_1602 = arith.addf %mul3A_1600, %mul3A_1601 : vector<112x128xf32>
    %mul3A_1603 = arith.mulf %select_n3A_1566, %add3A_1432 : vector<112x128xf32>
    %mul3A_1604 = arith.mulf %select_n3A_1569, %add3A_1526 : vector<112x128xf32>
    %sub3A_1605 = arith.subf %mul3A_1603, %mul3A_1604 : vector<112x128xf32>
    %mul3A_1606 = arith.mulf %select_n3A_1569, %add3A_1432 : vector<112x128xf32>
    %mul3A_1607 = arith.mulf %select_n3A_1566, %add3A_1526 : vector<112x128xf32>
    %add3A_1608 = arith.addf %mul3A_1606, %mul3A_1607 : vector<112x128xf32>
    %ne3A_1609 = arith.constant 0.000000e+00 : f32
    %ne3A_1610 = vector.broadcast %ne3A_1609 : f32 to vector<112x128xf32>
    %ne3A_1611 = arith.cmpf one, %sub3A_1590, %ne3A_1610 : vector<112x128xf32>
    %jit3A_1612 = arith.constant 1.000000e+00 : f32
    %broadcast_in_dim3A_1613 = vector.broadcast %jit3A_1612 : f32 to vector<112x128xf32>
    %select_n3A_1614 = arith.select %ne3A_1611, %sub3A_1590, %broadcast_in_dim3A_1613 : vector<112x128xi1>, vector<112x128xf32>
    %sub3A_1615 = arith.subf %sub3A_1578, %sub3A_1484 : vector<112x128xf32>
    %mul3A_1616 = arith.constant 2.000000e+00 : f32
    %mul3A_1617 = vector.broadcast %mul3A_1616 : f32 to vector<112x128xf32>
    %mul3A_1618 = arith.mulf %mul3A_1617, %select_n3A_1614 : vector<112x128xf32>
    %div3A_1619 = arith.divf %sub3A_1615, %mul3A_1618 : vector<112x128xf32>
    %mul3A_1620 = arith.mulf %div3A_1619, %div3A_1619 : vector<112x128xf32>
    %add3A_1621 = arith.constant 1.000000e+00 : f32
    %add3A_1622 = vector.broadcast %add3A_1621 : f32 to vector<112x128xf32>
    %add3A_1623 = arith.addf %add3A_1622, %mul3A_1620 : vector<112x128xf32>
    %sqrt3A_1624 = math.sqrt %add3A_1623 : vector<112x128xf32>
    %ge3A_1625 = arith.constant 0.000000e+00 : f32
    %ge3A_1626 = vector.broadcast %ge3A_1625 : f32 to vector<112x128xf32>
    %ge3A_1627 = arith.cmpf oge, %div3A_1619, %ge3A_1626 : vector<112x128xf32>
    %add3A_1628 = arith.addf %div3A_1619, %sqrt3A_1624 : vector<112x128xf32>
    %div3A_1629 = arith.constant 1.000000e+00 : f32
    %div3A_1630 = vector.broadcast %div3A_1629 : f32 to vector<112x128xf32>
    %div3A_1631 = arith.divf %div3A_1630, %add3A_1628 : vector<112x128xf32>
    %sub3A_1632 = arith.subf %div3A_1619, %sqrt3A_1624 : vector<112x128xf32>
    %div3A_1633 = arith.constant 1.000000e+00 : f32
    %div3A_1634 = vector.broadcast %div3A_1633 : f32 to vector<112x128xf32>
    %div3A_1635 = arith.divf %div3A_1634, %sub3A_1632 : vector<112x128xf32>
    %select_n3A_1636 = arith.select %ge3A_1627, %div3A_1631, %div3A_1635 : vector<112x128xi1>, vector<112x128xf32>
    %mul3A_1637 = arith.mulf %select_n3A_1636, %select_n3A_1636 : vector<112x128xf32>
    %add3A_1638 = arith.constant 1.000000e+00 : f32
    %add3A_1639 = vector.broadcast %add3A_1638 : f32 to vector<112x128xf32>
    %add3A_1640 = arith.addf %add3A_1639, %mul3A_1637 : vector<112x128xf32>
    %sqrt3A_1641 = math.sqrt %add3A_1640 : vector<112x128xf32>
    %div3A_1642 = arith.constant 1.000000e+00 : f32
    %div3A_1643 = vector.broadcast %div3A_1642 : f32 to vector<112x128xf32>
    %div3A_1644 = arith.divf %div3A_1643, %sqrt3A_1641 : vector<112x128xf32>
    %mul3A_1645 = arith.mulf %select_n3A_1636, %div3A_1644 : vector<112x128xf32>
    %jit3A_1646 = arith.constant 1.000000e+00 : f32
    %broadcast_in_dim3A_1647 = vector.broadcast %jit3A_1646 : f32 to vector<112x128xf32>
    %select_n3A_1648 = arith.select %ne3A_1611, %div3A_1644, %broadcast_in_dim3A_1647 : vector<112x128xi1>, vector<112x128xf32>
    %jit3A_1649 = arith.constant 0.000000e+00 : f32
    %broadcast_in_dim3A_1650 = vector.broadcast %jit3A_1649 : f32 to vector<112x128xf32>
    %select_n3A_1651 = arith.select %ne3A_1611, %mul3A_1645, %broadcast_in_dim3A_1650 : vector<112x128xi1>, vector<112x128xf32>
    %mul3A_1652 = arith.mulf %select_n3A_1648, %sub3A_1484 : vector<112x128xf32>
    %mul3A_1653 = arith.mulf %select_n3A_1651, %sub3A_1590 : vector<112x128xf32>
    %sub3A_1654 = arith.subf %mul3A_1652, %mul3A_1653 : vector<112x128xf32>
    %mul3A_1655 = arith.mulf %select_n3A_1648, %sub3A_1654 : vector<112x128xf32>
    %mul3A_1656 = arith.mulf %select_n3A_1648, %sub3A_1590 : vector<112x128xf32>
    %mul3A_1657 = arith.mulf %select_n3A_1651, %sub3A_1578 : vector<112x128xf32>
    %sub3A_1658 = arith.subf %mul3A_1656, %mul3A_1657 : vector<112x128xf32>
    %mul3A_1659 = arith.mulf %select_n3A_1651, %sub3A_1658 : vector<112x128xf32>
    %sub3A_1660 = arith.subf %mul3A_1655, %mul3A_1659 : vector<112x128xf32>
    %mul3A_1661 = arith.mulf %select_n3A_1651, %sub3A_1484 : vector<112x128xf32>
    %mul3A_1662 = arith.mulf %select_n3A_1648, %sub3A_1590 : vector<112x128xf32>
    %add3A_1663 = arith.addf %mul3A_1661, %mul3A_1662 : vector<112x128xf32>
    %mul3A_1664 = arith.mulf %select_n3A_1651, %add3A_1663 : vector<112x128xf32>
    %mul3A_1665 = arith.mulf %select_n3A_1651, %sub3A_1590 : vector<112x128xf32>
    %mul3A_1666 = arith.mulf %select_n3A_1648, %sub3A_1578 : vector<112x128xf32>
    %add3A_1667 = arith.addf %mul3A_1665, %mul3A_1666 : vector<112x128xf32>
    %mul3A_1668 = arith.mulf %select_n3A_1648, %add3A_1667 : vector<112x128xf32>
    %add3A_1669 = arith.addf %mul3A_1664, %mul3A_1668 : vector<112x128xf32>
    %mul3A_1670 = arith.mulf %select_n3A_1648, %sub3A_1511 : vector<112x128xf32>
    %mul3A_1671 = arith.mulf %select_n3A_1651, %sub3A_1593 : vector<112x128xf32>
    %sub3A_1672 = arith.subf %mul3A_1670, %mul3A_1671 : vector<112x128xf32>
    %mul3A_1673 = arith.mulf %select_n3A_1651, %sub3A_1511 : vector<112x128xf32>
    %mul3A_1674 = arith.mulf %select_n3A_1648, %sub3A_1593 : vector<112x128xf32>
    %add3A_1675 = arith.addf %mul3A_1673, %mul3A_1674 : vector<112x128xf32>
    %mul3A_1676 = arith.mulf %select_n3A_1648, %sub3A_1517 : vector<112x128xf32>
    %mul3A_1677 = arith.mulf %select_n3A_1651, %sub3A_1599 : vector<112x128xf32>
    %sub3A_1678 = arith.subf %mul3A_1676, %mul3A_1677 : vector<112x128xf32>
    %mul3A_1679 = arith.mulf %select_n3A_1651, %sub3A_1517 : vector<112x128xf32>
    %mul3A_1680 = arith.mulf %select_n3A_1648, %sub3A_1599 : vector<112x128xf32>
    %add3A_1681 = arith.addf %mul3A_1679, %mul3A_1680 : vector<112x128xf32>
    %mul3A_1682 = arith.mulf %select_n3A_1648, %sub3A_1523 : vector<112x128xf32>
    %mul3A_1683 = arith.mulf %select_n3A_1651, %sub3A_1605 : vector<112x128xf32>
    %sub3A_1684 = arith.subf %mul3A_1682, %mul3A_1683 : vector<112x128xf32>
    %mul3A_1685 = arith.mulf %select_n3A_1651, %sub3A_1523 : vector<112x128xf32>
    %mul3A_1686 = arith.mulf %select_n3A_1648, %sub3A_1605 : vector<112x128xf32>
    %add3A_1687 = arith.addf %mul3A_1685, %mul3A_1686 : vector<112x128xf32>
    %gt3A = arith.cmpf ogt, %sub3A_1660, %add3A_1669 : vector<112x128xf32>
    %select_n3A_1688 = arith.select %gt3A, %add3A_1669, %sub3A_1660 : vector<112x128xi1>, vector<112x128xf32>
    %select_n3A_1689 = arith.select %gt3A, %add3A_1675, %sub3A_1672 : vector<112x128xi1>, vector<112x128xf32>
    %select_n3A_1690 = arith.select %gt3A, %add3A_1681, %sub3A_1678 : vector<112x128xi1>, vector<112x128xf32>
    %select_n3A_1691 = arith.select %gt3A, %add3A_1687, %sub3A_1684 : vector<112x128xi1>, vector<112x128xf32>
    %select_n3A_1692 = arith.select %gt3A, %sub3A_1660, %add3A_1669 : vector<112x128xi1>, vector<112x128xf32>
    %select_n3A_1693 = arith.select %gt3A, %sub3A_1672, %add3A_1675 : vector<112x128xi1>, vector<112x128xf32>
    %select_n3A_1694 = arith.select %gt3A, %sub3A_1678, %add3A_1681 : vector<112x128xi1>, vector<112x128xf32>
    %select_n3A_1695 = arith.select %gt3A, %sub3A_1684, %add3A_1687 : vector<112x128xi1>, vector<112x128xf32>
    %gt3A_1696 = arith.cmpf ogt, %select_n3A_1692, %add3A_1587 : vector<112x128xf32>
    %select_n3A_1697 = arith.select %gt3A_1696, %add3A_1587, %select_n3A_1692 : vector<112x128xi1>, vector<112x128xf32>
    %select_n3A_1698 = arith.select %gt3A_1696, %add3A_1596, %select_n3A_1693 : vector<112x128xi1>, vector<112x128xf32>
    %select_n3A_1699 = arith.select %gt3A_1696, %add3A_1602, %select_n3A_1694 : vector<112x128xi1>, vector<112x128xf32>
    %select_n3A_1700 = arith.select %gt3A_1696, %add3A_1608, %select_n3A_1695 : vector<112x128xi1>, vector<112x128xf32>
    %select_n3A_1701 = arith.select %gt3A_1696, %select_n3A_1692, %add3A_1587 : vector<112x128xi1>, vector<112x128xf32>
    %select_n3A_1702 = arith.select %gt3A_1696, %select_n3A_1693, %add3A_1596 : vector<112x128xi1>, vector<112x128xf32>
    %select_n3A_1703 = arith.select %gt3A_1696, %select_n3A_1694, %add3A_1602 : vector<112x128xi1>, vector<112x128xf32>
    %select_n3A_1704 = arith.select %gt3A_1696, %select_n3A_1695, %add3A_1608 : vector<112x128xi1>, vector<112x128xf32>
    %gt3A_1705 = arith.cmpf ogt, %select_n3A_1688, %select_n3A_1697 : vector<112x128xf32>
    %select_n3A_1706 = arith.select %gt3A_1705, %select_n3A_1697, %select_n3A_1688 : vector<112x128xi1>, vector<112x128xf32>
    %select_n3A_1707 = arith.select %gt3A_1705, %select_n3A_1698, %select_n3A_1689 : vector<112x128xi1>, vector<112x128xf32>
    %select_n3A_1708 = arith.select %gt3A_1705, %select_n3A_1699, %select_n3A_1690 : vector<112x128xi1>, vector<112x128xf32>
    %select_n3A_1709 = arith.select %gt3A_1705, %select_n3A_1700, %select_n3A_1691 : vector<112x128xi1>, vector<112x128xf32>
    %select_n3A_1710 = arith.select %gt3A_1705, %select_n3A_1688, %select_n3A_1697 : vector<112x128xi1>, vector<112x128xf32>
    %select_n3A_1711 = arith.select %gt3A_1705, %select_n3A_1689, %select_n3A_1698 : vector<112x128xi1>, vector<112x128xf32>
    %select_n3A_1712 = arith.select %gt3A_1705, %select_n3A_1690, %select_n3A_1699 : vector<112x128xi1>, vector<112x128xf32>
    %select_n3A_1713 = arith.select %gt3A_1705, %select_n3A_1691, %select_n3A_1700 : vector<112x128xi1>, vector<112x128xf32>
    %abs3A = math.absf %select_n3A_1706 : vector<112x128xf32>
    %abs3A_1714 = math.absf %select_n3A_1710 : vector<112x128xf32>
    %lt3A = arith.cmpf olt, %abs3A_1714, %abs3A : vector<112x128xf32>
    %abs3A_1715 = math.absf %select_n3A_1710 : vector<112x128xf32>
    %select_n3A_1716 = arith.select %lt3A, %abs3A_1715, %abs3A : vector<112x128xi1>, vector<112x128xf32>
    %select_n3A_1717 = arith.select %lt3A, %select_n3A_1711, %select_n3A_1707 : vector<112x128xi1>, vector<112x128xf32>
    %select_n3A_1718 = arith.select %lt3A, %select_n3A_1712, %select_n3A_1708 : vector<112x128xi1>, vector<112x128xf32>
    %select_n3A_1719 = arith.select %lt3A, %select_n3A_1713, %select_n3A_1709 : vector<112x128xi1>, vector<112x128xf32>
    %abs3A_1720 = math.absf %select_n3A_1701 : vector<112x128xf32>
    %lt3A_1721 = arith.cmpf olt, %abs3A_1720, %select_n3A_1716 : vector<112x128xf32>
    %select_n3A_1722 = arith.select %lt3A_1721, %select_n3A_1702, %select_n3A_1717 : vector<112x128xi1>, vector<112x128xf32>
    %select_n3A_1723 = arith.select %lt3A_1721, %select_n3A_1703, %select_n3A_1718 : vector<112x128xi1>, vector<112x128xf32>
    %select_n3A_1724 = arith.select %lt3A_1721, %select_n3A_1704, %select_n3A_1719 : vector<112x128xi1>, vector<112x128xf32>
    %ne3A_1725 = arith.cmpf one, %select_n3A_1722, %select_n3A_1722 : vector<112x128xf32>
    %jit3A_1726 = arith.constant 0.000000e+00 : f32
    %broadcast_in_dim3A_1727 = vector.broadcast %jit3A_1726 : f32 to vector<112x128xf32>
    %select_n3A_1728 = arith.select %ne3A_1725, %broadcast_in_dim3A_1727, %select_n3A_1722 : vector<112x128xi1>, vector<112x128xf32>
    %swap3A = arith.constant 0 : index
    %swap3A_1729 = arith.constant 0 : index
    %swap3A_1730 = arith.constant 0 : index
    %swap3A_1731 = vector.load %arg2[%swap3A, %swap3A_1729, %swap3A_1730] : memref<3x112x128xf32, #tpu.memory_space<vmem>>, vector<1x112x128xf32>
    %swap3A_1732 = vector.shape_cast %swap3A_1731 : vector<1x112x128xf32> to vector<112x128xf32>
    %swap3A_1733 = vector.shape_cast %select_n3A_1728 : vector<112x128xf32> to vector<1x112x128xf32>
    tpu.vector_store %arg2[%swap3A, %swap3A_1729, %swap3A_1730], %swap3A_1733 {strides = array<i32>} : memref<3x112x128xf32, #tpu.memory_space<vmem>>, vector<1x112x128xf32>,
    %ne3A_1734 = arith.cmpf one, %select_n3A_1723, %select_n3A_1723 : vector<112x128xf32>
    %jit3A_1735 = arith.constant 0.000000e+00 : f32
    %broadcast_in_dim3A_1736 = vector.broadcast %jit3A_1735 : f32 to vector<112x128xf32>
    %select_n3A_1737 = arith.select %ne3A_1734, %broadcast_in_dim3A_1736, %select_n3A_1723 : vector<112x128xi1>, vector<112x128xf32>
    %swap3A_1738 = arith.constant 1 : index
    %swap3A_1739 = arith.constant 0 : index
    %swap3A_1740 = arith.constant 0 : index
    %swap3A_1741 = vector.load %arg2[%swap3A_1738, %swap3A_1739, %swap3A_1740] : memref<3x112x128xf32, #tpu.memory_space<vmem>>, vector<1x112x128xf32>
    %swap3A_1742 = vector.shape_cast %swap3A_1741 : vector<1x112x128xf32> to vector<112x128xf32>
    %swap3A_1743 = vector.shape_cast %select_n3A_1737 : vector<112x128xf32> to vector<1x112x128xf32>
    tpu.vector_store %arg2[%swap3A_1738, %swap3A_1739, %swap3A_1740], %swap3A_1743 {strides = array<i32>} : memref<3x112x128xf32, #tpu.memory_space<vmem>>, vector<1x112x128xf32>,
    %ne3A_1744 = arith.cmpf one, %select_n3A_1724, %select_n3A_1724 : vector<112x128xf32>
    %jit3A_1745 = arith.constant 0.000000e+00 : f32
    %broadcast_in_dim3A_1746 = vector.broadcast %jit3A_1745 : f32 to vector<112x128xf32>
    %select_n3A_1747 = arith.select %ne3A_1744, %broadcast_in_dim3A_1746, %select_n3A_1724 : vector<112x128xi1>, vector<112x128xf32>
    %swap3A_1748 = arith.constant 2 : index
    %swap3A_1749 = arith.constant 0 : index
    %swap3A_1750 = arith.constant 0 : index
    %swap3A_1751 = vector.load %arg2[%swap3A_1748, %swap3A_1749, %swap3A_1750] : memref<3x112x128xf32, #tpu.memory_space<vmem>>, vector<1x112x128xf32>
    %swap3A_1752 = vector.shape_cast %swap3A_1751 : vector<1x112x128xf32> to vector<112x128xf32>
    %swap3A_1753 = vector.shape_cast %select_n3A_1747 : vector<112x128xf32> to vector<1x112x128xf32>
    tpu.vector_store %arg2[%swap3A_1748, %swap3A_1749, %swap3A_1750], %swap3A_1753 {strides = array<i32>} : memref<3x112x128xf32, #tpu.memory_space<vmem>>, vector<1x112x128xf32>,
    return
  }
  func.func @transform_0(%arg0: i32) -> (i32, i32, i32) {
    %c0_i32 = arith.constant 0 : i32
    %c0_i32_0 = arith.constant 0 : i32
    %c0_i32_1 = arith.constant 0 : i32
    return %c0_i32, %arg0, %c0_i32_0 : i32, i32, i32
  }
  func.func @transform_1(%arg0: i32) -> (i32, i32, i32) {
    %c0_i32 = arith.constant 0 : i32
    %c0_i32_0 = arith.constant 0 : i32
    %c0_i32_1 = arith.constant 0 : i32
    return %c0_i32, %arg0, %c0_i32_0 : i32, i32, i32
  }
}

</mosaic_0001>

<sc_bundles>
// kernel: kernel.5.cloned.1.call-start
scs
__scs_entry_jumppad:
0x0: {  	(pc) =	sbr.rel $0x88, $3  }
0x1: {  	(tag) =	ssettag $0x0;
	lr =	simm.s32 $0x1  }
0x2: {  	[smem:$0x3F96] =	sst lr;
	_ =	strace $0xD0000000  }
0x3: {  	_ = 	snop  }
0x4: {  	_ = 	snop  }
0x5: {  	_ = 	snop  }
0x6: {  	_ = 	snop  }
0x7: {  	_ = 	snop  }
__scs_overlays_trampoline_lowered:
0x8: {  	[smem:$0x3FA5] =	sst s0  }
0x9: {  	[smem:$0x3FA6] =	sst s1  }
0xa: {  	[smem:$0x3FA7] =	sst s2  }
0xb: {  	[smem:$0x3FA8] =	sst s3  }
0xc: {  	[smem:$0x3FA9] =	sst s4  }
0xd: {  	[smem:$0x3FAA] =	sst s5  }
0xe: {  	[smem:$0x3FAB] =	sst s6  }
0xf: {  	[smem:$0x3FAC] =	sst s7  }
0x10: {  	[smem:$0x3FAD] =	sst s8  }
0x11: {  	[smem:$0x3FAE] =	sst s9;
	s0 =	simm.s32 @!p0 $0x0  }
0x12: {  	s1 =	sld [smem:$0x3F94];
	s0 =	simm.s32 @p0 $0x1  }
0x13: {  	[smem:$0x3FAF] =	sst s0;
	s0 =	simm.s32 @!p1 $0x0  }
0x14: {  	s2 =	sld [smem:$0x3F93];
	s0 =	simm.s32 @p1 $0x1  }
0x15: {  	[smem:$0x3FB0] =	sst s0;
	s0 =	simm.s32 @!p2 $0x0  }
0x16: {  	s3 =	sld [smem:$0x3FDB];
	s0 =	simm.s32 @p2 $0x1  }
0x17: {  	s4 =	simm.s32 $0x1BF5;
	[smem:$0x3FB2] =	sst s0  }
0x18: {  	s0 =	sld [smem:$0x3F95];
	_ =	swait.ge [sflag:s4], $0x0  }
0x19: {  	s7 =	sld [smem:$0x3F96]  }
0x1a: {  	s8 =	sadd.s32 $0xFFFFE003, lr  }
0x1b: {  	s9 =	sadd.s32 $0xFFFFFEF7, lr;
	s5 =	simm.s32 $0xFFFFFFFF;
	p2 =	slt.u32 s8, $0xFFFFF086  }
0x1c: {  	p1 =	slt.u32 s9, $0xF7A;
	s5 =	simm.s32 @!p2 $0x0  }
0x1d: {  	s5 =	simm.s32 @p1 $0x1;
	p0 =	seq.s32 s7, s2  }
0x1e: {  	s7 =	smul.u32 @!p0 $0xF7A, s2;
	p2 =	seq.s32 @!p0 s5, $0x0  }
0x1f: {  	s9 =	smul.u32 $0xF7A, s1;
	s8 =	simm.s32 @!p0 $0x1BF5;
	p2 =	por !p2, p0  }
0x20: {  	[sflag:s8] =	ssyncset.s32 @!p0 $0xFFFFF086;
	s6 =	sadd.s32 @!p0 s3, s7;
	s7 =	simm.s32 @!p0 $0x108  }
0x21: {  	s3 =	sadd.s32 s3, s9;
	s6 =	sadd.s32 @!p0 $0x88, s6;
	s7 =	simm.s32 @p2 $0x1082  }
0x22: {  	[simem:s7], [sflag:s8] =	dma.local @!p0 [hbm:s6], $0xF7A  }
0x23: {  	s9 =	sor.u32 $0xD0000000, s2;
	s6 =	simm.s32 $0x108;
	_ =	swait.ge @!p0 [sflag:s8], $0x0  }
0x24: {  	s3 =	sadd.s32 $0x88, s3;
	s6 =	simm.s32 @!p1 $0x1082;
	[sflag:s4] =	ssyncset.s32 $0xFFFFF086  }
0x25: {  	[simem:s6], [sflag:s4] =	dma.local [hbm:s3], $0xF7A  }
0x26: {  	[smem:$0x3F96] =	sst s1;
	(tag) =	ssettag s2;
	_ =	strace s9  }
0x27: {  	s1 =	sld [smem:$0x3FA6]  }
0x28: {  	s2 =	sld [smem:$0x3FA7]  }
0x29: {  	s4 =	sld [smem:$0x3FA9]  }
0x2a: {  	p0 =	seq.s32 s5, $0x0;
	s5 =	sld [smem:$0x3FAA]  }
0x2b: {  	s6 =	sld [smem:$0x3FAB]  }
0x2c: {  	s7 =	sld [smem:$0x3FAC]  }
0x2d: {  	s3 =	simm.s32 $0x108;
	s8 =	sld [smem:$0x3FAD]  }
0x2e: {  	s3 =	simm.s32 @!p0 $0x1082;
	s9 =	sld [smem:$0x3FAE]  }
0x2f: {  	lr =	sadd.s32 s0, s3;
	s0 =	sld [smem:$0x3FA5]  }
0x30: {  	s3 =	sld [smem:$0x3FA8]  }
0x31: {  	[smem:$0x3FB1] =	sst s10  }
0x32: {  	s10 =	sld [smem:$0x3FAF];
	_ =	sdelay $0x3  }
0x33: {  	p0 =	seq.s32 s10, $0x1;
	s10 =	sld [smem:$0x3FB1];
	_ =	sdelay $0x3  }
0x34: {  	[smem:$0x3FB1] =	sst s10  }
0x35: {  	s10 =	sld [smem:$0x3FB0];
	_ =	sdelay $0x3  }
0x36: {  	p1 =	seq.s32 s10, $0x1;
	s10 =	sld [smem:$0x3FB1];
	_ =	sdelay $0x3  }
0x37: {  	[smem:$0x3FB1] =	sst s10  }
0x38: {  	s10 =	sld [smem:$0x3FB2]  }
0x39: {  	_ = 	snop;
	(pc) =	sbr.ind lr, $3  }
0x3a: {  	_ = 	snop  }
0x3b: {  	_ = 	snop  }
0x3c: {  	p2 =	seq.s32 s10, $0x1;
	s10 =	sld [smem:$0x3FB1]  }
0x3d: {  	_ =	shalt  }
0x3e: {  	_ =	shalt  }
0x3f: {  	_ =	shalt  }
0x40: {  	_ =	shalt  }
0x41: {  	_ =	shalt  }
0x42: {  	_ =	shalt  }
0x43: {  	_ =	shalt  }
0x44: {  	_ =	shalt  }
0x45: {  	_ =	shalt  }
0x46: {  	_ =	shalt  }
0x47: {  	_ =	shalt  }
0x48: {  	_ =	shalt  }
0x49: {  	_ =	shalt  }
0x4a: {  	_ =	shalt  }
0x4b: {  	_ =	shalt  }
0x4c: {  	_ =	shalt  }
0x4d: {  	_ =	shalt  }
0x4e: {  	_ =	shalt  }
0x4f: {  	_ =	shalt  }
0x50: {  	_ =	shalt  }
0x51: {  	_ =	shalt  }
0x52: {  	_ =	shalt  }
0x53: {  	_ =	shalt  }
0x54: {  	_ =	shalt  }
0x55: {  	_ =	shalt  }
0x56: {  	_ =	shalt  }
0x57: {  	_ =	shalt  }
0x58: {  	_ =	shalt  }
0x59: {  	_ =	shalt  }
0x5a: {  	_ =	shalt  }
0x5b: {  	_ =	shalt  }
0x5c: {  	_ =	shalt  }
0x5d: {  	_ =	shalt  }
0x5e: {  	_ =	shalt  }
0x5f: {  	_ =	shalt  }
0x60: {  	_ =	shalt  }
0x61: {  	_ =	shalt  }
0x62: {  	_ =	shalt  }
0x63: {  	_ =	shalt  }
0x64: {  	_ =	shalt  }
0x65: {  	_ =	shalt  }
0x66: {  	_ =	shalt  }
0x67: {  	_ =	shalt  }
0x68: {  	_ =	shalt  }
0x69: {  	_ =	shalt  }
0x6a: {  	_ =	shalt  }
0x6b: {  	_ =	shalt  }
0x6c: {  	_ =	shalt  }
0x6d: {  	_ =	shalt  }
0x6e: {  	_ =	shalt  }
0x6f: {  	_ =	shalt  }
0x70: {  	_ =	shalt  }
0x71: {  	_ =	shalt  }
0x72: {  	_ =	shalt  }
0x73: {  	_ =	shalt  }
0x74: {  	_ =	shalt  }
0x75: {  	_ =	shalt  }
0x76: {  	_ =	shalt  }
0x77: {  	_ =	shalt  }
0x78: {  	_ =	shalt  }
0x79: {  	_ =	shalt  }
0x7a: {  	_ =	shalt  }
0x7b: {  	_ =	shalt  }
0x7c: {  	_ =	shalt  }
0x7d: {  	_ =	shalt  }
0x7e: {  	_ =	shalt  }
0x7f: {  	_ =	shalt  }
0x80: {  	_ =	shalt  }
0x81: {  	_ =	shalt  }
0x82: {  	_ =	shalt  }
0x83: {  	_ =	shalt  }
0x84: {  	_ =	shalt  }
0x85: {  	_ =	shalt  }
0x86: {  	_ =	shalt  }
0x87: {  	_ =	shalt  }
.Lfunc_end0:
.L_simem_size_0:
called_computation_lowered:
.L_overlay_start_0:
0x88: {  	s2 =	sld [smem:$0x3FD9]  }
0x89: {  	s3 =	sld [smem:$0x3FFE];
	_ =	sdelay $0x1  }
0x8a: {  	s1 =	srdreg.scid  }
0x8b: {  	s0 =	sand.u32 $0x1, s1  }
0x8c: {  	s14 =	sshll.u32 s0, $0xA;
	s2 =	sadd.s32 s3, s2  }
0x8d: {  	s2 =	sadd.s32 s2, s14  }
0x8e: {  	[smem:$0x3FBD] =	sst s2  }
0x8f: {  	_ = 	snop  }
0x90: {  	s2 =	sld [smem:$0x3FD0];
	_ =	sdelay $0x2  }
0x91: {  	s15 =	simm.s32 $0xA;
	s4 =	simm.s32 $0x10  }
0x92: {  	[smem:s4], [sflag:s15] =	dma.local [hbm:s2], $0x1  }
0x93: {  	_ =	swait.eq [sflag:s15], $0x1  }
0x94: {  	[sflag:s15] =	ssyncset.done $0x0  }
0x95: {  	[sflag:s15] =	ssyncadd.s32 $0xFFFFFFFF  }
0x96: {  	s16 =	sld [smem:$0x11];
	(tm) =	ssettm $0x1  }
0x97: {  	s17 =	sld [smem:$0x3FFB];
	_ =	sdelay $0x3  }
0x98: {  	_ =	strace s17  }
0x99: {  	s3 =	sld [smem:$0x3FFC];
	_ =	sdelay $0x3  }
0x9a: {  	_ =	strace s3  }
0x9b: {  	s3 =	sld [smem:$0x3FFD];
	_ =	sdelay $0x3  }
0x9c: {  	_ =	strace s3  }
0x9d: {  	_ =	strace $0x8FFFFFFF  }
0x9e: {  	s18 =	sld [smem:$0x3FDB];
	_ =	sdelay $0x1  }
0x9f: {  	s19 =	simm.s32 $_scs_section_size  }
0xa0: {  	s5 =	simm.s32 $_size__tile_overlayer_lowered;
	s6 =	simm.s32 $_tile_overlayer_lowered  }
0xa1: {  	s22 =	simm.s32 $0x1BFF;
	s21 =	sshll.u32 s6, $0x1;
	s3 =	sadd.s32 s19, s18  }
0xa2: {  	s7 =	simm.s32 $0x0;
	s20 =	sshll.u32 s5, $0x1;
	s5 =	sadd.s32 s21, s3  }
0xa3: {  	[timem:s7], [sflag:s22] =	dma.local [hbm:s5], s20  }
0xa4: {  	_ =	swait.ge [sflag:s22], s20  }
0xa5: {  	s4 =	ssub.s32 $0x0, s20;
	[sflag:s22] =	ssyncset.done $0x0  }
0xa6: {  	[sflag:s22] =	ssyncadd.s32 s4;
	_ =	sdelay $0x1  }
0xa7: {  	s23 =	simm.s32 $0x1B8B  }
0xa8: {  	_ =	swait.ge [sflag:s23], $0x1  }
0xa9: {  	[sflag:s23] =	ssyncset.done $0x0  }
0xaa: {  	s25 =	simm.s32 $0x1B8E;
	s24 =	sld [smem:$0x3FFE];
	[sflag:s23] =	ssyncadd.s32 $0xFFFFFFFF  }
0xab: {  	s26 =	simm.s32 $execute0_lowered;
	[smem:$0x3FD2] =	sst s25  }
0xac: {  	s5 =	sshll.u32 s26, $0x1;
	_ =	strace $0x80000046;
	[dreg:$0x1] =	wrdreg $0xFFFFFFFF  }
0xad: {  	s28 =	simm.s32 $_size_execute0_lowered;
	s3 =	sadd.s32 s3, s5;
	[dreg:$0x0] =	wrdreg $0x0  }
0xae: {  	s5 =	sshll.u32 s28, $0x1;
	[dreg:$0x2] =	wrdreg s3  }
0xaf: {  	[dreg:$0x3] =	wrdreg s5  }
0xb0: {  	[dreg:$0x4] =	wrdreg $0xC0  }
0xb1: {  	_ =	task [dreg:s7], $0x5FFFF  }
0xb2: {  	[dreg:$0x1] =	wrdreg $0xFFFFFFFF  }
0xb3: {  	[dreg:$0x0] =	wrdreg $0x60  }
0xb4: {  	[dreg:$0x2] =	wrdreg s16  }
0xb5: {  	[dreg:$0x3] =	wrdreg s24  }
0xb6: {  	[dreg:$0x4] =	wrdreg $0x9  }
0xb7: {  	_ =	task.clear_ibuf [dreg:s7], $0x5FFFF;
	_ =	strace $0x90000046  }
0xb8: {  	s29 =	simm.s32 $0x9;
	_ =	strace $0x80000048  }
0xb9: {  	_ =	swait.ge [sflag:s29], $0x1  }
0xba: {  	[sflag:s29] =	ssyncadd.s32 $0xFFFFFFFF  }
0xbb: {  	_ =	strace $0x90000048  }
0xbc: {  	_ =	sfence  }
0xbd: {  	s30 =	sld [smem:$0x0];
	_ =	sdelay $0x2  }
0xbe: {  	s31 =	sshll.u32 s1, $0xD;
	s1 =	sshrl.u32 s1, $0x2  }
0xbf: {  	s3 =	sand.u32 $0x4000, s31;
	s1 =	sadd.s32 s1, s30  }
0xc0: {  	s0 =	sor.u32 s3, s0;
	s1 =	sshll.u32 s1, $0x11  }
0xc1: {  	s0 =	sor.u32 s1, s0  }
0xc2: {  	s0 =	sadd.s32 $0x8F2B, s0  }
0xc3: {  	[sflag:s0] =	ssyncadd.remote.s32 $0x1  }
0xc4: {  	_ =	sfence.sel $0xFFFF  }
0xc5: {  	[dreg:$0x0] =	wrdreg $0xFFFFFFFF;
	(pc) =	sbr.abs _section_cstart, $3  }
0xc6: {  	[dreg:$0x1] =	wrdreg $0xFFFFFFFF  }
0xc7: {  	_ =	task.clear_ibuf [dreg:s7], $0x2FFFF;
	_ =	strace $0x9FFFFFFF  }
0xc8: {  	(tm) =	ssettm $0x7FFFFFFF  }
0xc9: {  	_ =	shalt  }
tec
execute0_lowered:
.L_overlay_start_1:
0x0: {  	(tag) =	ssettag $0x1  }
0x1: {  	s1 =	srdreg.scid;
	s0 =	stileid.u32  }
0x2: {  	s26 =	sand.u32 $0x1, s1;
	s30 =	sshll.u32 s0, $0x1  }
0x3: {  	s25 =	rddreg [dreg:$0x0];
	s1 =	sor.u32 s26, s30  }
0x4: {  	s8 =	rddreg [dreg:$0x1];
	s2 =	simm.s32 $0x0;
	s28 =	smul.u32 $0xC350, s1  }
0x5: {  	[smem:$0x7FF] =	sst s2  }
0x6: {  	s1 =	rddreg [dreg:$0x2];
	s3 =	sshrl.u32 s28, $0x3  }
0x7: {  	_ =	strace $0x80000047;
	s4 =	sadd.s32 s25, s3;
	s3 =	simm.s32 $0x2  }
0x8: {  	[tilespmem:s2], [sflag:$0x2] =	stream.linear.gather [hbm4b:s4+s2], $0x1388, $0x38;
	[tilespmem:$0xAFC8] =	vst v63  }
0x9: {  	_ =	swait.ge [sflag:s3], $0x1388  }
0xa: {  	s6 =	simm.s32 $0x1388;
	[sflag:s3] =	ssyncset.done $0x0  }
0xb: {  	s7 =	simm.s32 $0x1;
	s5 =	sadd.s32 $0x188E00, s8;
	[sflag:s3] =	ssyncadd.s32 $0xFFFFEC78  }
0xc: {  	[tilespmem:s6], [sflag:$0x1] =	stream.indirect.gather [hbm4b:s5+s6], $0x8, s2, s6, $0xb8;
	[tilespmem:$0xAFC8] =	vst v63  }
0xd: {  	_ =	swait.ge [sflag:s7], $0x9C40  }
0xe: {  	s29 =	sadd.s32 $0x2400, s8;
	[sflag:s7] =	ssyncset.done $0x0  }
0xf: {  	s8 =	sadd.s32 s29, s28;
	[sflag:s7] =	ssyncadd.s32 $0xFFFF63C0  }
0x10: {  	[hbm4b:s8+s2] =	stream.linear.scatter [tilespmem:s6], [sflag:$0x2], $0x9C40, $0x38;
	[tilespmem:$0xAFC8] =	vst v63  }
0x11: {  	s10 =	sadd.s32 $0x1388, s28;
	_ =	swait.ge [sflag:s3], $0x9C40  }
0x12: {  	s9 =	sshrl.u32 s10, $0x3;
	[sflag:s3] =	ssyncset.done $0x0  }
0x13: {  	s9 =	sadd.s32 s25, s9;
	[sflag:s3] =	ssyncadd.s32 $0xFFFF63C0  }
0x14: {  	[tilespmem:s2], [sflag:$0x2] =	stream.linear.gather [hbm4b:s9+s2], $0x1388, $0x38;
	[tilespmem:$0xAFC8] =	vst v63  }
0x15: {  	_ =	swait.ge [sflag:s3], $0x1388  }
0x16: {  	[sflag:s3] =	ssyncset.done $0x0  }
0x17: {  	[sflag:s3] =	ssyncadd.s32 $0xFFFFEC78  }
0x18: {  	[tilespmem:s6], [sflag:$0x1] =	stream.indirect.gather [hbm4b:s5+s6], $0x8, s2, s6, $0xb8;
	[tilespmem:$0xAFC8] =	vst v63  }
0x19: {  	_ =	swait.ge [sflag:s7], $0x9C40  }
0x1a: {  	[sflag:s7] =	ssyncset.done $0x0  }
0x1b: {  	s10 =	sadd.s32 s29, s10;
	[sflag:s7] =	ssyncadd.s32 $0xFFFF63C0  }
0x1c: {  	[hbm4b:s10+s2] =	stream.linear.scatter [tilespmem:s6], [sflag:$0x2], $0x9C40, $0x38;
	[tilespmem:$0xAFC8] =	vst v63  }
0x1d: {  	s12 =	sadd.s32 $0x2710, s28;
	_ =	swait.ge [sflag:s3], $0x9C40  }
0x1e: {  	s11 =	sshrl.u32 s12, $0x3;
	[sflag:s3] =	ssyncset.done $0x0  }
0x1f: {  	s11 =	sadd.s32 s25, s11;
	[sflag:s3] =	ssyncadd.s32 $0xFFFF63C0  }
0x20: {  	[tilespmem:s2], [sflag:$0x2] =	stream.linear.gather [hbm4b:s11+s2], $0x1388, $0x38;
	[tilespmem:$0xAFC8] =	vst v63  }
0x21: {  	_ =	swait.ge [sflag:s3], $0x1388  }
0x22: {  	[sflag:s3] =	ssyncset.done $0x0  }
0x23: {  	[sflag:s3] =	ssyncadd.s32 $0xFFFFEC78  }
0x24: {  	[tilespmem:s6], [sflag:$0x1] =	stream.indirect.gather [hbm4b:s5+s6], $0x8, s2, s6, $0xb8;
	[tilespmem:$0xAFC8] =	vst v63  }
0x25: {  	_ =	swait.ge [sflag:s7], $0x9C40  }
0x26: {  	[sflag:s7] =	ssyncset.done $0x0  }
0x27: {  	s12 =	sadd.s32 s29, s12;
	[sflag:s7] =	ssyncadd.s32 $0xFFFF63C0  }
0x28: {  	[hbm4b:s12+s2] =	stream.linear.scatter [tilespmem:s6], [sflag:$0x2], $0x9C40, $0x38;
	[tilespmem:$0xAFC8] =	vst v63  }
0x29: {  	s14 =	sadd.s32 $0x3A98, s28;
	_ =	swait.ge [sflag:s3], $0x9C40  }
0x2a: {  	s13 =	sshrl.u32 s14, $0x3;
	[sflag:s3] =	ssyncset.done $0x0  }
0x2b: {  	s13 =	sadd.s32 s25, s13;
	[sflag:s3] =	ssyncadd.s32 $0xFFFF63C0  }
0x2c: {  	[tilespmem:s2], [sflag:$0x2] =	stream.linear.gather [hbm4b:s13+s2], $0x1388, $0x38;
	[tilespmem:$0xAFC8] =	vst v63  }
0x2d: {  	_ =	swait.ge [sflag:s3], $0x1388  }
0x2e: {  	[sflag:s3] =	ssyncset.done $0x0  }
0x2f: {  	[sflag:s3] =	ssyncadd.s32 $0xFFFFEC78  }
0x30: {  	[tilespmem:s6], [sflag:$0x1] =	stream.indirect.gather [hbm4b:s5+s6], $0x8, s2, s6, $0xb8;
	[tilespmem:$0xAFC8] =	vst v63  }
0x31: {  	_ =	swait.ge [sflag:s7], $0x9C40  }
0x32: {  	[sflag:s7] =	ssyncset.done $0x0  }
0x33: {  	s14 =	sadd.s32 s29, s14;
	[sflag:s7] =	ssyncadd.s32 $0xFFFF63C0  }
0x34: {  	[hbm4b:s14+s2] =	stream.linear.scatter [tilespmem:s6], [sflag:$0x2], $0x9C40, $0x38;
	[tilespmem:$0xAFC8] =	vst v63  }
0x35: {  	s16 =	sadd.s32 $0x4E20, s28;
	_ =	swait.ge [sflag:s3], $0x9C40  }
0x36: {  	s15 =	sshrl.u32 s16, $0x3;
	[sflag:s3] =	ssyncset.done $0x0  }
0x37: {  	s15 =	sadd.s32 s25, s15;
	[sflag:s3] =	ssyncadd.s32 $0xFFFF63C0  }
0x38: {  	[tilespmem:s2], [sflag:$0x2] =	stream.linear.gather [hbm4b:s15+s2], $0x1388, $0x38;
	[tilespmem:$0xAFC8] =	vst v63  }
0x39: {  	_ =	swait.ge [sflag:s3], $0x1388  }
0x3a: {  	[sflag:s3] =	ssyncset.done $0x0  }
0x3b: {  	[sflag:s3] =	ssyncadd.s32 $0xFFFFEC78  }
0x3c: {  	[tilespmem:s6], [sflag:$0x1] =	stream.indirect.gather [hbm4b:s5+s6], $0x8, s2, s6, $0xb8;
	[tilespmem:$0xAFC8] =	vst v63  }
0x3d: {  	_ =	swait.ge [sflag:s7], $0x9C40  }
0x3e: {  	[sflag:s7] =	ssyncset.done $0x0  }
0x3f: {  	s16 =	sadd.s32 s29, s16;
	[sflag:s7] =	ssyncadd.s32 $0xFFFF63C0  }
0x40: {  	[hbm4b:s16+s2] =	stream.linear.scatter [tilespmem:s6], [sflag:$0x2], $0x9C40, $0x38;
	[tilespmem:$0xAFC8] =	vst v63  }
0x41: {  	s18 =	sadd.s32 $0x61A8, s28;
	_ =	swait.ge [sflag:s3], $0x9C40  }
0x42: {  	s17 =	sshrl.u32 s18, $0x3;
	[sflag:s3] =	ssyncset.done $0x0  }
0x43: {  	s17 =	sadd.s32 s25, s17;
	[sflag:s3] =	ssyncadd.s32 $0xFFFF63C0  }
0x44: {  	[tilespmem:s2], [sflag:$0x2] =	stream.linear.gather [hbm4b:s17+s2], $0x1388, $0x38;
	[tilespmem:$0xAFC8] =	vst v63  }
0x45: {  	_ =	swait.ge [sflag:s3], $0x1388  }
0x46: {  	[sflag:s3] =	ssyncset.done $0x0  }
0x47: {  	[sflag:s3] =	ssyncadd.s32 $0xFFFFEC78  }
0x48: {  	[tilespmem:s6], [sflag:$0x1] =	stream.indirect.gather [hbm4b:s5+s6], $0x8, s2, s6, $0xb8;
	[tilespmem:$0xAFC8] =	vst v63  }
0x49: {  	_ =	swait.ge [sflag:s7], $0x9C40  }
0x4a: {  	[sflag:s7] =	ssyncset.done $0x0  }
0x4b: {  	s18 =	sadd.s32 s29, s18;
	[sflag:s7] =	ssyncadd.s32 $0xFFFF63C0  }
0x4c: {  	[hbm4b:s18+s2] =	stream.linear.scatter [tilespmem:s6], [sflag:$0x2], $0x9C40, $0x38;
	[tilespmem:$0xAFC8] =	vst v63  }
0x4d: {  	s20 =	sadd.s32 $0x7530, s28;
	_ =	swait.ge [sflag:s3], $0x9C40  }
0x4e: {  	s19 =	sshrl.u32 s20, $0x3;
	[sflag:s3] =	ssyncset.done $0x0  }
0x4f: {  	s19 =	sadd.s32 s25, s19;
	[sflag:s3] =	ssyncadd.s32 $0xFFFF63C0  }
0x50: {  	[tilespmem:s2], [sflag:$0x2] =	stream.linear.gather [hbm4b:s19+s2], $0x1388, $0x38;
	[tilespmem:$0xAFC8] =	vst v63  }
0x51: {  	_ =	swait.ge [sflag:s3], $0x1388  }
0x52: {  	[sflag:s3] =	ssyncset.done $0x0  }
0x53: {  	[sflag:s3] =	ssyncadd.s32 $0xFFFFEC78  }
0x54: {  	[tilespmem:s6], [sflag:$0x1] =	stream.indirect.gather [hbm4b:s5+s6], $0x8, s2, s6, $0xb8;
	[tilespmem:$0xAFC8] =	vst v63  }
0x55: {  	_ =	swait.ge [sflag:s7], $0x9C40  }
0x56: {  	[sflag:s7] =	ssyncset.done $0x0  }
0x57: {  	s20 =	sadd.s32 s29, s20;
	[sflag:s7] =	ssyncadd.s32 $0xFFFF63C0  }
0x58: {  	[hbm4b:s20+s2] =	stream.linear.scatter [tilespmem:s6], [sflag:$0x2], $0x9C40, $0x38;
	[tilespmem:$0xAFC8] =	vst v63  }
0x59: {  	s22 =	sadd.s32 $0x88B8, s28;
	_ =	swait.ge [sflag:s3], $0x9C40  }
0x5a: {  	s21 =	sshrl.u32 s22, $0x3;
	[sflag:s3] =	ssyncset.done $0x0  }
0x5b: {  	s21 =	sadd.s32 s25, s21;
	[sflag:s3] =	ssyncadd.s32 $0xFFFF63C0  }
0x5c: {  	[tilespmem:s2], [sflag:$0x2] =	stream.linear.gather [hbm4b:s21+s2], $0x1388, $0x38;
	[tilespmem:$0xAFC8] =	vst v63  }
0x5d: {  	_ =	swait.ge [sflag:s3], $0x1388  }
0x5e: {  	[sflag:s3] =	ssyncset.done $0x0  }
0x5f: {  	[sflag:s3] =	ssyncadd.s32 $0xFFFFEC78  }
0x60: {  	[tilespmem:s6], [sflag:$0x1] =	stream.indirect.gather [hbm4b:s5+s6], $0x8, s2, s6, $0xb8;
	[tilespmem:$0xAFC8] =	vst v63  }
0x61: {  	_ =	swait.ge [sflag:s7], $0x9C40  }
0x62: {  	[sflag:s7] =	ssyncset.done $0x0  }
0x63: {  	s22 =	sadd.s32 s29, s22;
	[sflag:s7] =	ssyncadd.s32 $0xFFFF63C0  }
0x64: {  	[hbm4b:s22+s2] =	stream.linear.scatter [tilespmem:s6], [sflag:$0x2], $0x9C40, $0x38;
	[tilespmem:$0xAFC8] =	vst v63  }
0x65: {  	s24 =	sadd.s32 $0x9C40, s28;
	_ =	swait.ge [sflag:s3], $0x9C40  }
0x66: {  	s23 =	sshrl.u32 s24, $0x3;
	[sflag:s3] =	ssyncset.done $0x0  }
0x67: {  	s23 =	sadd.s32 s25, s23;
	[sflag:s3] =	ssyncadd.s32 $0xFFFF63C0  }
0x68: {  	[tilespmem:s2], [sflag:$0x2] =	stream.linear.gather [hbm4b:s23+s2], $0x1388, $0x38;
	[tilespmem:$0xAFC8] =	vst v63  }
0x69: {  	_ =	swait.ge [sflag:s3], $0x1388  }
0x6a: {  	[sflag:s3] =	ssyncset.done $0x0  }
0x6b: {  	[sflag:s3] =	ssyncadd.s32 $0xFFFFEC78  }
0x6c: {  	[tilespmem:s6], [sflag:$0x1] =	stream.indirect.gather [hbm4b:s5+s6], $0x8, s2, s6, $0xb8;
	[tilespmem:$0xAFC8] =	vst v63  }
0x6d: {  	_ =	swait.ge [sflag:s7], $0x9C40  }
0x6e: {  	[sflag:s7] =	ssyncset.done $0x0  }
0x6f: {  	s24 =	sadd.s32 s29, s24;
	[sflag:s7] =	ssyncadd.s32 $0xFFFF63C0  }
0x70: {  	[hbm4b:s24+s2] =	stream.linear.scatter [tilespmem:s6], [sflag:$0x2], $0x9C40, $0x38;
	[tilespmem:$0xAFC8] =	vst v63  }
0x71: {  	s28 =	sadd.s32 $0xAFC8, s28;
	_ =	swait.ge [sflag:s3], $0x9C40  }
0x72: {  	s30 =	sshrl.u32 s28, $0x3;
	[sflag:s3] =	ssyncset.done $0x0  }
0x73: {  	s26 =	ssub.s32 $0x2, s26;
	s25 =	sadd.s32 s25, s30;
	[sflag:s3] =	ssyncadd.s32 $0xFFFF63C0  }
0x74: {  	[tilespmem:s2], [sflag:$0x2] =	stream.linear.gather [hbm4b:s25+s2], $0x1388, $0x38;
	[tilespmem:$0xAFC8] =	vst v63  }
0x75: {  	s31 =	sshrl.u32 s26, $0x1;
	_ =	swait.ge [sflag:s3], $0x1388  }
0x76: {  	s30 =	ssub.s32 s26, s31;
	[sflag:s3] =	ssyncset.done $0x0  }
0x77: {  	s26 =	sadd.s32 s29, s28;
	s28 =	smax.u32 s30, $0x1;
	[sflag:s3] =	ssyncadd.s32 $0xFFFFEC78  }
0x78: {  	[tilespmem:s6], [sflag:$0x1] =	stream.indirect.gather [hbm4b:s5+s6], $0x8, s2, s6, $0xb8;
	[tilespmem:$0xAFC8] =	vst v63  }
0x79: {  	p0 =	sne.s32 s28, $0x1;
	_ =	swait.ge [sflag:s7], $0x9C40  }
.Ltmp0:
0x7a: {  	[sflag:s7] =	ssyncset.done $0x0;
	(pc) =	sbr.rel @!p0 .LBB2_2-.Ltmp0, $4  }
0x7b: {  	[sflag:s7] =	ssyncadd.s32 $0xFFFF63C0  }
0x7c: {  	[hbm4b:s26+s2] =	stream.linear.scatter [tilespmem:s6], [sflag:$0x2], $0x9C40, $0x38;
	[tilespmem:$0xAFC8] =	vst v63  }
0x7d: {  	_ =	swait.ge [sflag:s3], $0x9C40  }
0x7e: {  	s28 =	sadd.s32 $0xFFFFFFFF, s28;
	[sflag:s3] =	ssyncset.done $0x0  }
.LBB2_1:
0x7f: {  	p0 =	sne.s32 s28, $0x1;
	s28 =	sadd.s32 $0xFFFFFFFF, s28;
	[sflag:s3] =	ssyncadd.s32 $0xFFFF63C0  }
0x80: {  	[tilespmem:s2], [sflag:$0x2] =	stream.linear.gather [hbm4b:s4+s2], $0x1388, $0x38;
	[tilespmem:$0xAFC8] =	vst v63  }
0x81: {  	_ =	swait.ge [sflag:s3], $0x1388  }
0x82: {  	[sflag:s3] =	ssyncset.done $0x0  }
0x83: {  	[sflag:s3] =	ssyncadd.s32 $0xFFFFEC78  }
0x84: {  	[tilespmem:s6], [sflag:$0x1] =	stream.indirect.gather [hbm4b:s5+s6], $0x8, s2, s6, $0xb8;
	[tilespmem:$0xAFC8] =	vst v63  }
0x85: {  	_ =	swait.ge [sflag:s7], $0x9C40  }
0x86: {  	[sflag:s7] =	ssyncset.done $0x0  }
0x87: {  	[sflag:s7] =	ssyncadd.s32 $0xFFFF63C0  }
0x88: {  	[hbm4b:s8+s2] =	stream.linear.scatter [tilespmem:s6], [sflag:$0x2], $0x9C40, $0x38;
	[tilespmem:$0xAFC8] =	vst v63  }
0x89: {  	_ =	swait.ge [sflag:s3], $0x9C40  }
0x8a: {  	[sflag:s3] =	ssyncset.done $0x0  }
0x8b: {  	[sflag:s3] =	ssyncadd.s32 $0xFFFF63C0  }
0x8c: {  	[tilespmem:s2], [sflag:$0x2] =	stream.linear.gather [hbm4b:s9+s2], $0x1388, $0x38;
	[tilespmem:$0xAFC8] =	vst v63  }
0x8d: {  	_ =	swait.ge [sflag:s3], $0x1388  }
0x8e: {  	[sflag:s3] =	ssyncset.done $0x0  }
0x8f: {  	[sflag:s3] =	ssyncadd.s32 $0xFFFFEC78  }
0x90: {  	[tilespmem:s6], [sflag:$0x1] =	stream.indirect.gather [hbm4b:s5+s6], $0x8, s2, s6, $0xb8;
	[tilespmem:$0xAFC8] =	vst v63  }
0x91: {  	_ =	swait.ge [sflag:s7], $0x9C40  }
0x92: {  	[sflag:s7] =	ssyncset.done $0x0  }
0x93: {  	[sflag:s7] =	ssyncadd.s32 $0xFFFF63C0  }
0x94: {  	[hbm4b:s10+s2] =	stream.linear.scatter [tilespmem:s6], [sflag:$0x2], $0x9C40, $0x38;
	[tilespmem:$0xAFC8] =	vst v63  }
0x95: {  	_ =	swait.ge [sflag:s3], $0x9C40  }
0x96: {  	[sflag:s3] =	ssyncset.done $0x0  }
0x97: {  	[sflag:s3] =	ssyncadd.s32 $0xFFFF63C0  }
0x98: {  	[tilespmem:s2], [sflag:$0x2] =	stream.linear.gather [hbm4b:s11+s2], $0x1388, $0x38;
	[tilespmem:$0xAFC8] =	vst v63  }
0x99: {  	_ =	swait.ge [sflag:s3], $0x1388  }
0x9a: {  	[sflag:s3] =	ssyncset.done $0x0  }
0x9b: {  	[sflag:s3] =	ssyncadd.s32 $0xFFFFEC78  }
0x9c: {  	[tilespmem:s6], [sflag:$0x1] =	stream.indirect.gather [hbm4b:s5+s6], $0x8, s2, s6, $0xb8;
	[tilespmem:$0xAFC8] =	vst v63  }
0x9d: {  	_ =	swait.ge [sflag:s7], $0x9C40  }
0x9e: {  	[sflag:s7] =	ssyncset.done $0x0  }
0x9f: {  	[sflag:s7] =	ssyncadd.s32 $0xFFFF63C0  }
0xa0: {  	[hbm4b:s12+s2] =	stream.linear.scatter [tilespmem:s6], [sflag:$0x2], $0x9C40, $0x38;
	[tilespmem:$0xAFC8] =	vst v63  }
0xa1: {  	_ =	swait.ge [sflag:s3], $0x9C40  }
0xa2: {  	[sflag:s3] =	ssyncset.done $0x0  }
0xa3: {  	[sflag:s3] =	ssyncadd.s32 $0xFFFF63C0  }
0xa4: {  	[tilespmem:s2], [sflag:$0x2] =	stream.linear.gather [hbm4b:s13+s2], $0x1388, $0x38;
	[tilespmem:$0xAFC8] =	vst v63  }
0xa5: {  	_ =	swait.ge [sflag:s3], $0x1388  }
0xa6: {  	[sflag:s3] =	ssyncset.done $0x0  }
0xa7: {  	[sflag:s3] =	ssyncadd.s32 $0xFFFFEC78  }
0xa8: {  	[tilespmem:s6], [sflag:$0x1] =	stream.indirect.gather [hbm4b:s5+s6], $0x8, s2, s6, $0xb8;
	[tilespmem:$0xAFC8] =	vst v63  }
0xa9: {  	_ =	swait.ge [sflag:s7], $0x9C40  }
0xaa: {  	[sflag:s7] =	ssyncset.done $0x0  }
0xab: {  	[sflag:s7] =	ssyncadd.s32 $0xFFFF63C0  }
0xac: {  	[hbm4b:s14+s2] =	stream.linear.scatter [tilespmem:s6], [sflag:$0x2], $0x9C40, $0x38;
	[tilespmem:$0xAFC8] =	vst v63  }
0xad: {  	_ =	swait.ge [sflag:s3], $0x9C40  }
0xae: {  	[sflag:s3] =	ssyncset.done $0x0  }
0xaf: {  	[sflag:s3] =	ssyncadd.s32 $0xFFFF63C0  }
0xb0: {  	[tilespmem:s2], [sflag:$0x2] =	stream.linear.gather [hbm4b:s15+s2], $0x1388, $0x38;
	[tilespmem:$0xAFC8] =	vst v63  }
0xb1: {  	_ =	swait.ge [sflag:s3], $0x1388  }
0xb2: {  	[sflag:s3] =	ssyncset.done $0x0  }
0xb3: {  	[sflag:s3] =	ssyncadd.s32 $0xFFFFEC78  }
0xb4: {  	[tilespmem:s6], [sflag:$0x1] =	stream.indirect.gather [hbm4b:s5+s6], $0x8, s2, s6, $0xb8;
	[tilespmem:$0xAFC8] =	vst v63  }
0xb5: {  	_ =	swait.ge [sflag:s7], $0x9C40  }
0xb6: {  	[sflag:s7] =	ssyncset.done $0x0  }
0xb7: {  	[sflag:s7] =	ssyncadd.s32 $0xFFFF63C0  }
0xb8: {  	[hbm4b:s16+s2] =	stream.linear.scatter [tilespmem:s6], [sflag:$0x2], $0x9C40, $0x38;
	[tilespmem:$0xAFC8] =	vst v63  }
0xb9: {  	_ =	swait.ge [sflag:s3], $0x9C40  }
0xba: {  	[sflag:s3] =	ssyncset.done $0x0  }
0xbb: {  	[sflag:s3] =	ssyncadd.s32 $0xFFFF63C0  }
0xbc: {  	[tilespmem:s2], [sflag:$0x2] =	stream.linear.gather [hbm4b:s17+s2], $0x1388, $0x38;
	[tilespmem:$0xAFC8] =	vst v63  }
0xbd: {  	_ =	swait.ge [sflag:s3], $0x1388  }
0xbe: {  	[sflag:s3] =	ssyncset.done $0x0  }
0xbf: {  	[sflag:s3] =	ssyncadd.s32 $0xFFFFEC78  }
0xc0: {  	[tilespmem:s6], [sflag:$0x1] =	stream.indirect.gather [hbm4b:s5+s6], $0x8, s2, s6, $0xb8;
	[tilespmem:$0xAFC8] =	vst v63  }
0xc1: {  	_ =	swait.ge [sflag:s7], $0x9C40  }
0xc2: {  	[sflag:s7] =	ssyncset.done $0x0  }
0xc3: {  	[sflag:s7] =	ssyncadd.s32 $0xFFFF63C0  }
0xc4: {  	[hbm4b:s18+s2] =	stream.linear.scatter [tilespmem:s6], [sflag:$0x2], $0x9C40, $0x38;
	[tilespmem:$0xAFC8] =	vst v63  }
0xc5: {  	_ =	swait.ge [sflag:s3], $0x9C40  }
0xc6: {  	[sflag:s3] =	ssyncset.done $0x0  }
0xc7: {  	[sflag:s3] =	ssyncadd.s32 $0xFFFF63C0  }
0xc8: {  	[tilespmem:s2], [sflag:$0x2] =	stream.linear.gather [hbm4b:s19+s2], $0x1388, $0x38;
	[tilespmem:$0xAFC8] =	vst v63  }
0xc9: {  	_ =	swait.ge [sflag:s3], $0x1388  }
0xca: {  	[sflag:s3] =	ssyncset.done $0x0  }
0xcb: {  	[sflag:s3] =	ssyncadd.s32 $0xFFFFEC78  }
0xcc: {  	[tilespmem:s6], [sflag:$0x1] =	stream.indirect.gather [hbm4b:s5+s6], $0x8, s2, s6, $0xb8;
	[tilespmem:$0xAFC8] =	vst v63  }
0xcd: {  	_ =	swait.ge [sflag:s7], $0x9C40  }
0xce: {  	[sflag:s7] =	ssyncset.done $0x0  }
0xcf: {  	[sflag:s7] =	ssyncadd.s32 $0xFFFF63C0  }
0xd0: {  	[hbm4b:s20+s2] =	stream.linear.scatter [tilespmem:s6], [sflag:$0x2], $0x9C40, $0x38;
	[tilespmem:$0xAFC8] =	vst v63  }
0xd1: {  	_ =	swait.ge [sflag:s3], $0x9C40  }
0xd2: {  	[sflag:s3] =	ssyncset.done $0x0  }
0xd3: {  	[sflag:s3] =	ssyncadd.s32 $0xFFFF63C0  }
0xd4: {  	[tilespmem:s2], [sflag:$0x2] =	stream.linear.gather [hbm4b:s21+s2], $0x1388, $0x38;
	[tilespmem:$0xAFC8] =	vst v63  }
0xd5: {  	_ =	swait.ge [sflag:s3], $0x1388  }
0xd6: {  	[sflag:s3] =	ssyncset.done $0x0  }
0xd7: {  	[sflag:s3] =	ssyncadd.s32 $0xFFFFEC78  }
0xd8: {  	[tilespmem:s6], [sflag:$0x1] =	stream.indirect.gather [hbm4b:s5+s6], $0x8, s2, s6, $0xb8;
	[tilespmem:$0xAFC8] =	vst v63  }
0xd9: {  	_ =	swait.ge [sflag:s7], $0x9C40  }
0xda: {  	[sflag:s7] =	ssyncset.done $0x0  }
0xdb: {  	[sflag:s7] =	ssyncadd.s32 $0xFFFF63C0  }
0xdc: {  	[hbm4b:s22+s2] =	stream.linear.scatter [tilespmem:s6], [sflag:$0x2], $0x9C40, $0x38;
	[tilespmem:$0xAFC8] =	vst v63  }
0xdd: {  	_ =	swait.ge [sflag:s3], $0x9C40  }
0xde: {  	[sflag:s3] =	ssyncset.done $0x0  }
0xdf: {  	[sflag:s3] =	ssyncadd.s32 $0xFFFF63C0  }
0xe0: {  	[tilespmem:s2], [sflag:$0x2] =	stream.linear.gather [hbm4b:s23+s2], $0x1388, $0x38;
	[tilespmem:$0xAFC8] =	vst v63  }
0xe1: {  	_ =	swait.ge [sflag:s3], $0x1388  }
0xe2: {  	[sflag:s3] =	ssyncset.done $0x0  }
0xe3: {  	[sflag:s3] =	ssyncadd.s32 $0xFFFFEC78  }
0xe4: {  	[tilespmem:s6], [sflag:$0x1] =	stream.indirect.gather [hbm4b:s5+s6], $0x8, s2, s6, $0xb8;
	[tilespmem:$0xAFC8] =	vst v63  }
0xe5: {  	_ =	swait.ge [sflag:s7], $0x9C40  }
0xe6: {  	[sflag:s7] =	ssyncset.done $0x0  }
0xe7: {  	[sflag:s7] =	ssyncadd.s32 $0xFFFF63C0  }
0xe8: {  	[hbm4b:s24+s2] =	stream.linear.scatter [tilespmem:s6], [sflag:$0x2], $0x9C40, $0x38;
	[tilespmem:$0xAFC8] =	vst v63  }
0xe9: {  	_ =	swait.ge [sflag:s3], $0x9C40  }
0xea: {  	[sflag:s3] =	ssyncset.done $0x0  }
0xeb: {  	[sflag:s3] =	ssyncadd.s32 $0xFFFF63C0  }
0xec: {  	[tilespmem:s2], [sflag:$0x2] =	stream.linear.gather [hbm4b:s25+s2], $0x1388, $0x38;
	[tilespmem:$0xAFC8] =	vst v63  }
0xed: {  	_ =	swait.ge [sflag:s3], $0x1388  }
0xee: {  	[sflag:s3] =	ssyncset.done $0x0  }
0xef: {  	[sflag:s3] =	ssyncadd.s32 $0xFFFFEC78  }
0xf0: {  	[tilespmem:s6], [sflag:$0x1] =	stream.indirect.gather [hbm4b:s5+s6], $0x8, s2, s6, $0xb8;
	[tilespmem:$0xAFC8] =	vst v63  }
0xf1: {  	_ =	swait.ge [sflag:s7], $0x9C40  }
.Ltmp1:
0xf2: {  	[sflag:s7] =	ssyncset.done $0x0;
	(pc) =	sbr.rel @p0 .LBB2_1-.Ltmp1, $4  }
0xf3: {  	[sflag:s7] =	ssyncadd.s32 $0xFFFF63C0  }
0xf4: {  	[hbm4b:s26+s2] =	stream.linear.scatter [tilespmem:s6], [sflag:$0x2], $0x9C40, $0x38;
	[tilespmem:$0xAFC8] =	vst v63  }
0xf5: {  	_ =	swait.ge [sflag:s3], $0x9C40  }
0xf6: {  	[sflag:s3] =	ssyncset.done $0x0  }
.LBB2_2:
0xf7: {  	[sflag:s3] =	ssyncadd.s32 $0xFFFF63C0  }
0xf8: {  	_ =	sfence.sel $0x180000  }
0xf9: {  	[bflag:$0x0] =	sbarrier.arrive $0xFFFF  }
0xfa: {  	p0 =	sne.s32 s0, $0x0;
	_ =	strace $0x90000047  }
0xfb: {  	s0 =	sadd.s32 @!p0 $0x100000, s1;
	[bflag:$0x2] =	sbarrier.arrive $0xFFFF  }
0xfc: {  	[sflag:s0] =	ssyncadd.tile.s32 @!p0 $0x1;
	_ =	shalt  }
.Lfunc_end2:
_tile_overlayer_lowered:
.L_overlay_start_2:
0xfd: {  	(tag) =	ssettag $0x2  }
0xfe: {  	s0 =	rddreg [dreg:$0x0];
	s2 =	stileid.u32  }
0xff: {  	s1 =	rddreg [dreg:$0x1];
	p0 =	sne.s32 s2, $0x0  }
0x100: {  	s3 =	rddreg [dreg:$0x2];
	[bflag:$0x3] =	sbarrier.arrive $0xFFFF;
	s2 =	simm.s32 @!p0 $0x1C02  }
0x101: {  	[timem:s3], [sflag:s2] =	dma.local @!p0 [hbm:s0], s1  }
0x102: {  	s0 =	simm.s32 @!p0 $0x2  }
0x103: {  	_ =	swait.ge @!p0 [sflag:s0], s1  }
0x104: {  	s1 =	ssub.s32 @!p0 $0x0, s1;
	[sflag:s0] =	ssyncset.done @!p0 $0x0  }
0x105: {  	[sflag:s0] =	ssyncadd.s32 @!p0 s1  }
0x106: {  	[bflag:$0x3] =	sbarrier.arrive $0xFFFF  }
0x107: {  	_ =	shalt  }

</sc_bundles>
